<compile_context>
chip_gen: v7x
topology: tpu7x:2x2x1
jax: 0.10.2.dev20260603
libtpu: 0.0.44.dev20260713+nightly
codegen_flags: <defaults>
</compile_context>

<pallas_src>
import functools

import jax
import jax.numpy as jnp
from jax import lax
from jax.experimental import pallas as pl
from jax.experimental.pallas import tpu as pltpu
from jax.experimental.pallas import tpu_sc as plsc

D = 64
DP = 128
L = 16
CHUNK = 128
PADW = 129
NC, NS = 2, 16
NW = NC * NS
NBUF = 4

EPS = 1e-12

_GATHER_DN = lax.GatherDimensionNumbers(
    offset_dims=(), collapsed_slice_dims=(0,), start_index_map=(0,)
)


def _lane_perm(x, perm2d):
    return lax.gather(
        x, perm2d, _GATHER_DN, (1,),
        mode=lax.GatherScatterMode.PROMISE_IN_BOUNDS,
    )


def _rsqrt_nr(x):
    i = plsc.bitcast(x, jnp.int32)
    y = plsc.bitcast(jnp.int32(0x5F3759DF) - (i >> 1), jnp.float32)
    xh = x * -0.5
    y = y * (xh * y * y + 1.5)
    return y


def _make_kernel(n_tokens, n_slots):
    n_iblk = n_tokens // CHUNK
    n_chunks = n_slots * n_iblk
    bpw = n_chunks // NW

    mesh = plsc.VectorSubcoreMesh(core_axis_name="c", subcore_axis_name="s")

    @functools.partial(
        pl.kernel,
        out_type=jax.ShapeDtypeStruct(
            (n_slots, D // 8, n_iblk, 8, CHUNK), jnp.float32
        ),
        mesh=mesh,
        compiler_params=pltpu.CompilerParams(
            needs_layout_passes=False, use_tc_tiling_on_sc=False
        ),
        scratch_types=[
            pltpu.VMEM((bpw, CHUNK), jnp.int32),
            pltpu.VMEM((NBUF, CHUNK, DP), jnp.float32),
            pltpu.VMEM((NBUF, D, PADW), jnp.float32),
            pltpu.VMEM((D,), jnp.float32),
            pltpu.VMEM((D,), jnp.float32),
            pltpu.SemaphoreType.DMA((NBUF,)),
            pltpu.SemaphoreType.DMA((NBUF,)),
        ],
    )
    def kern(idx_hbm, table_hbm, w_hbm, b_hbm, out_hbm,
             idx_v, rows_v, tbuf_v, w_v, b_v, gsem, osem):
        wid = lax.axis_index("s") * NC + lax.axis_index("c")
        pltpu.sync_copy(idx_hbm.at[wid], idx_v)
        pltpu.sync_copy(w_hbm, w_v)
        pltpu.sync_copy(b_hbm, b_v)
        w_regs = [w_v[pl.ds(L * j, L)] for j in range(D // L)]
        b_regs = [b_v[pl.ds(L * j, L)] for j in range(D // L)]
        iota = lax.iota(jnp.int32, L)
        perms = [(iota ^ k)[:, None] for k in (1, 2, 4, 8)]
        cvecs = [L * j + iota for j in range(D // L)]

        pltpu.async_copy(table_hbm.at[idx_v.at[0]], rows_v.at[0], gsem.at[0])
        pltpu.async_copy(table_hbm.at[idx_v.at[1]], rows_v.at[1], gsem.at[1])

        def iter_body(g, _):
            b = jnp.bitwise_and(g, NBUF - 1)
            pltpu.make_async_copy(
                table_hbm.at[pl.ds(0, CHUNK)], rows_v.at[b], gsem.at[b]
            ).wait()

            @plsc.parallel_loop(0, CHUNK, step=1, unroll=4)
            def row(r):
                v = [rows_v[b, r, pl.ds(L * j, L)] for j in range(D // L)]
                t = (v[0] + v[1]) + (v[2] + v[3])
                q = (v[0] * v[0] + v[1] * v[1]) + (v[2] * v[2] + v[3] * v[3])
                for p in perms:
                    t = t + _lane_perm(t, p)
                    q = q + _lane_perm(q, p)
                mean = t * (1.0 / D)
                var = q * (1.0 / D) - mean * mean
                inv = _rsqrt_nr(var + EPS)
                rvec = jnp.full((L,), r, jnp.int32)
                for j in range(D // L):
                    y = (v[j] - mean) * inv * w_regs[j] + b_regs[j]
                    plsc.store_scatter(tbuf_v.at[b], [cvecs[j], rvec], y)

            kglob = wid * bpw + g
            j_slot = kglob // n_iblk
            iblk = lax.rem(kglob, n_iblk)
            for ch in range(D // 8):
                pltpu.async_copy(
                    tbuf_v.at[b, pl.ds(8 * ch, 8), pl.ds(0, CHUNK)],
                    out_hbm.at[j_slot, ch, iblk],
                    osem.at[b],
                )

            g2 = g + 2
            b2 = jnp.bitwise_and(g2, NBUF - 1)

            @pl.when(g2 < bpw)
            def _():
                @pl.when(g >= 2)
                def _():
                    for ch in range(D // 8):
                        pltpu.make_async_copy(
                            tbuf_v.at[b2, pl.ds(0, 8), pl.ds(0, CHUNK)],
                            out_hbm.at[0, 0, 0],
                            osem.at[b2],
                        ).wait()

                pltpu.async_copy(
                    table_hbm.at[idx_v.at[g2]], rows_v.at[b2], gsem.at[b2]
                )

            return 0

        lax.fori_loop(0, bpw, iter_body, 0)
        for b in range(NBUF):
            for ch in range(D // 8):
                pltpu.make_async_copy(
                    tbuf_v.at[b, pl.ds(0, 8), pl.ds(0, CHUNK)],
                    out_hbm.at[0, 0, 0],
                    osem.at[b],
                ).wait()

    return kern


def kernel(inputs, table, ln_weight, ln_bias):
    n_tokens, n_slots = inputs.shape
    idx = inputs.T.reshape(NW, -1, CHUNK).astype(jnp.int32)
    table_p = jnp.pad(table, ((0, 0), (0, DP - D)))
    out5 = _make_kernel(n_tokens, n_slots)(idx, table_p, ln_weight, ln_bias)
    return out5.transpose(2, 4, 0, 1, 3).reshape(n_tokens, n_slots, D)

# --- scband reference (transcript-rebuilt; emitter-appended) ---
"""Pipeline reference for scband-bert-la-embedding-35038343200831 (READ-ONLY COPY).

The authoritative reference and input builder live on the scoring server;
editing this copy changes nothing except your own understanding.
"""

import jax, jax.numpy as jnp
import numpy as np

LA_NUM = 1000000
EMB = 64
EPS = 1e-12

def setup_inputs(seed: int = 0) -> dict:
    key = jax.random.key(seed)
    k1, k2 = jax.random.split(key)
    inputs = jax.random.randint(k1, (16384, 50), 0, LA_NUM, dtype=jnp.int64 if jax.config.read('jax_enable_x64') else jnp.int32)
    table = jax.random.normal(k2, (LA_NUM, EMB), dtype=jnp.float32) * 0.02
    ln_weight = jnp.ones((EMB,), dtype=jnp.float32)
    ln_bias = jnp.zeros((EMB,), dtype=jnp.float32)
    return {"inputs": inputs, "table": table, "ln_weight": ln_weight, "ln_bias": ln_bias}

def _layer_norm(x, weight, bias):
    u = jnp.mean(x, axis=-1, keepdims=True)
    s = jnp.mean(jnp.square(x - u), axis=-1, keepdims=True)
    x = (x - u) / jnp.sqrt(s + EPS)
    return weight * x + bias

def reference(inputs, table, ln_weight, ln_bias):
    # embedding lookup (gather)
    out = jnp.take(table, inputs, axis=0)
    # TF-style layer norm
    out = _layer_norm(out, ln_weight, ln_bias)
    # dropout p=0.0 -> identity
    return out

if __name__ == "__main__":
    import jax
    _d = setup_inputs()
    print(jax.jit(kernel)(*tuple(_d.values())))

</pallas_src>

<mosaic_0001>
#map = affine_map<(d0, d1) -> (0, 0, 0)>
#map1 = affine_map<(d0, d1) -> (0, 0)>
#map2 = affine_map<(d0, d1) -> (0)>
#map3 = affine_map<(d0, d1) -> (0, 0, 0, 0, 0)>
module attributes {stable_mosaic.version = 14 : i64} {
  func.func @kern(%arg0: i32, %arg1: i32, %arg2: memref<32x200x128xi32, #tpu.memory_space<hbm>>, %arg3: memref<1000000x128xf32, #tpu.memory_space<hbm>>, %arg4: memref<64xf32, #tpu.memory_space<hbm>>, %arg5: memref<64xf32, #tpu.memory_space<hbm>>, %arg6: memref<50x8x128x8x128xf32, #tpu.memory_space<hbm>>, %arg7: memref<200x128xi32, #tpu.memory_space<vmem>>, %arg8: memref<4x128x128xf32, #tpu.memory_space<vmem>>, %arg9: memref<4x64x129xf32, #tpu.memory_space<vmem>>, %arg10: memref<64xf32, #tpu.memory_space<vmem>>, %arg11: memref<64xf32, #tpu.memory_space<vmem>>, %arg12: memref<4x!tpu.dma_semaphore, #tpu.memory_space<semaphore_mem>>, %arg13: memref<4x!tpu.dma_semaphore, #tpu.memory_space<semaphore_mem>>) attributes {dimension_semantics = [#tpu.dimension_semantics<core_parallel>, #tpu.dimension_semantics<subcore_parallel>], iteration_bounds = array<i64: 2, 16>, scalar_prefetch = 0 : i64, scratch_operands = 7 : i64, tpu.core_type = #tpu.core_type<sc_vector_subcore>, window_params = [{transform_indices = #map}, {transform_indices = #map1}, {transform_indices = #map2}, {transform_indices = #map2}, {transform_indices = #map3}]} {
    %mul3A = arith.constant 2 : i32
    %mul3A_0 = arith.muli %arg1, %mul3A : i32
    %add3A = arith.addi %mul3A_0, %arg0 : i32
    "tpu.region"() ({
      %run_scoped3A = tpu.sem_alloc : memref<!tpu.dma_semaphore, #tpu.memory_space<semaphore_mem>>
      %dma_start3A_812 = arith.constant 0 : i32
      %dma_start3A_813 = arith.constant 0 : i32
      %dma_start3A_814 = tpu.memref_slice %arg2[%add3A, %dma_start3A_812, %dma_start3A_813] : memref<32x200x128xi32, #tpu.memory_space<hbm>> -> memref<1x200x128xi32, #tpu.memory_space<hbm>>
      %dma_start3A_815 = tpu.memref_squeeze %dma_start3A_814 : memref<1x200x128xi32, #tpu.memory_space<hbm>> -> memref<200x128xi32, #tpu.memory_space<hbm>>
      %dma_start3A_816 = arith.constant 0 : i32
      %dma_start3A_817 = arith.constant 0 : i32
      %dma_start3A_818 = tpu.memref_slice %arg2[%add3A, %dma_start3A_816, %dma_start3A_817] : memref<32x200x128xi32, #tpu.memory_space<hbm>> -> memref<1x200x128xi32, #tpu.memory_space<hbm>>
      %dma_start3A_819 = tpu.memref_squeeze %dma_start3A_818 : memref<1x200x128xi32, #tpu.memory_space<hbm>> -> memref<200x128xi32, #tpu.memory_space<hbm>>
      tpu.enqueue_dma source(%dma_start3A_819 : memref<200x128xi32, #tpu.memory_space<hbm>>) target(%arg7 : memref<200x128xi32, #tpu.memory_space<vmem>>) target_semaphore(%run_scoped3A : memref<!tpu.dma_semaphore, #tpu.memory_space<semaphore_mem>>)
      %dma_wait3A_820 = arith.constant 0 : i32
      %dma_wait3A_821 = arith.constant 0 : i32
      %dma_wait3A_822 = tpu.memref_slice %arg2[%add3A, %dma_wait3A_820, %dma_wait3A_821] : memref<32x200x128xi32, #tpu.memory_space<hbm>> -> memref<1x200x128xi32, #tpu.memory_space<hbm>>
      %dma_wait3A_823 = tpu.memref_squeeze %dma_wait3A_822 : memref<1x200x128xi32, #tpu.memory_space<hbm>> -> memref<200x128xi32, #tpu.memory_space<hbm>>
      %dma_wait3A_824 = arith.constant 0 : i32
      %dma_wait3A_825 = arith.constant 0 : i32
      %dma_wait3A_826 = tpu.memref_slice %arg2[%add3A, %dma_wait3A_824, %dma_wait3A_825] : memref<32x200x128xi32, #tpu.memory_space<hbm>> -> memref<1x200x128xi32, #tpu.memory_space<hbm>>
      %dma_wait3A_827 = tpu.memref_squeeze %dma_wait3A_826 : memref<1x200x128xi32, #tpu.memory_space<hbm>> -> memref<200x128xi32, #tpu.memory_space<hbm>>
      tpu.wait_dma2 semaphore(%run_scoped3A : memref<!tpu.dma_semaphore, #tpu.memory_space<semaphore_mem>>) src(%dma_wait3A_827 : memref<200x128xi32, #tpu.memory_space<hbm>>) dst(%arg7 : memref<200x128xi32, #tpu.memory_space<vmem>>)
      tpu.yield
    }) : () -> ()
    "tpu.region"() ({
      %run_scoped3A = tpu.sem_alloc : memref<!tpu.dma_semaphore, #tpu.memory_space<semaphore_mem>>
      tpu.enqueue_dma source(%arg4 : memref<64xf32, #tpu.memory_space<hbm>>) target(%arg10 : memref<64xf32, #tpu.memory_space<vmem>>) target_semaphore(%run_scoped3A : memref<!tpu.dma_semaphore, #tpu.memory_space<semaphore_mem>>)
      tpu.wait_dma2 semaphore(%run_scoped3A : memref<!tpu.dma_semaphore, #tpu.memory_space<semaphore_mem>>) src(%arg4 : memref<64xf32, #tpu.memory_space<hbm>>) dst(%arg10 : memref<64xf32, #tpu.memory_space<vmem>>)
      tpu.yield
    }) : () -> ()
    "tpu.region"() ({
      %run_scoped3A = tpu.sem_alloc : memref<!tpu.dma_semaphore, #tpu.memory_space<semaphore_mem>>
      tpu.enqueue_dma source(%arg5 : memref<64xf32, #tpu.memory_space<hbm>>) target(%arg11 : memref<64xf32, #tpu.memory_space<vmem>>) target_semaphore(%run_scoped3A : memref<!tpu.dma_semaphore, #tpu.memory_space<semaphore_mem>>)
      tpu.wait_dma2 semaphore(%run_scoped3A : memref<!tpu.dma_semaphore, #tpu.memory_space<semaphore_mem>>) src(%arg5 : memref<64xf32, #tpu.memory_space<hbm>>) dst(%arg11 : memref<64xf32, #tpu.memory_space<vmem>>)
      tpu.yield
    }) : () -> ()
    %get3A = arith.constant 0 : index
    %get3A_1 = tpu.vector_load %arg10[%get3A] {strides = array<i32>} : memref<64xf32, #tpu.memory_space<vmem>>, vector<16xf32>,
    %get3A_2 = arith.constant 16 : index
    %get3A_3 = tpu.vector_load %arg10[%get3A_2] {strides = array<i32>} : memref<64xf32, #tpu.memory_space<vmem>>, vector<16xf32>,
    %get3A_4 = arith.constant 32 : index
    %get3A_5 = tpu.vector_load %arg10[%get3A_4] {strides = array<i32>} : memref<64xf32, #tpu.memory_space<vmem>>, vector<16xf32>,
    %get3A_6 = arith.constant 48 : index
    %get3A_7 = tpu.vector_load %arg10[%get3A_6] {strides = array<i32>} : memref<64xf32, #tpu.memory_space<vmem>>, vector<16xf32>,
    %get3A_8 = arith.constant 0 : index
    %get3A_9 = tpu.vector_load %arg11[%get3A_8] {strides = array<i32>} : memref<64xf32, #tpu.memory_space<vmem>>, vector<16xf32>,
    %get3A_10 = arith.constant 16 : index
    %get3A_11 = tpu.vector_load %arg11[%get3A_10] {strides = array<i32>} : memref<64xf32, #tpu.memory_space<vmem>>, vector<16xf32>,
    %get3A_12 = arith.constant 32 : index
    %get3A_13 = tpu.vector_load %arg11[%get3A_12] {strides = array<i32>} : memref<64xf32, #tpu.memory_space<vmem>>, vector<16xf32>,
    %get3A_14 = arith.constant 48 : index
    %get3A_15 = tpu.vector_load %arg11[%get3A_14] {strides = array<i32>} : memref<64xf32, #tpu.memory_space<vmem>>, vector<16xf32>,
    %iota3A = tpu.iota {dimensions = array<i32: 0>} : vector<16xi32>
    %xor3A = arith.constant 1 : i32
    %xor3A_16 = vector.broadcast %xor3A : i32 to vector<16xi32>
    %xor3A_17 = arith.xori %iota3A, %xor3A_16 : vector<16xi32>
    %broadcast_in_dim3A = vector.shape_cast %xor3A_17 : vector<16xi32> to vector<16x1xi32>
    %xor3A_18 = arith.constant 2 : i32
    %xor3A_19 = vector.broadcast %xor3A_18 : i32 to vector<16xi32>
    %xor3A_20 = arith.xori %iota3A, %xor3A_19 : vector<16xi32>
    %broadcast_in_dim3A_21 = vector.shape_cast %xor3A_20 : vector<16xi32> to vector<16x1xi32>
    %xor3A_22 = arith.constant 4 : i32
    %xor3A_23 = vector.broadcast %xor3A_22 : i32 to vector<16xi32>
    %xor3A_24 = arith.xori %iota3A, %xor3A_23 : vector<16xi32>
    %broadcast_in_dim3A_25 = vector.shape_cast %xor3A_24 : vector<16xi32> to vector<16x1xi32>
    %xor3A_26 = arith.constant 8 : i32
    %xor3A_27 = vector.broadcast %xor3A_26 : i32 to vector<16xi32>
    %xor3A_28 = arith.xori %iota3A, %xor3A_27 : vector<16xi32>
    %broadcast_in_dim3A_29 = vector.shape_cast %xor3A_28 : vector<16xi32> to vector<16x1xi32>
    %add3A_30 = arith.constant 0 : i32
    %add3A_31 = vector.broadcast %add3A_30 : i32 to vector<16xi32>
    %add3A_32 = arith.addi %add3A_31, %iota3A : vector<16xi32>
    %add3A_33 = arith.constant 16 : i32
    %add3A_34 = vector.broadcast %add3A_33 : i32 to vector<16xi32>
    %add3A_35 = arith.addi %add3A_34, %iota3A : vector<16xi32>
    %add3A_36 = arith.constant 32 : i32
    %add3A_37 = vector.broadcast %add3A_36 : i32 to vector<16xi32>
    %add3A_38 = arith.addi %add3A_37, %iota3A : vector<16xi32>
    %add3A_39 = arith.constant 48 : i32
    %add3A_40 = vector.broadcast %add3A_39 : i32 to vector<16xi32>
    %add3A_41 = arith.addi %add3A_40, %iota3A : vector<16xi32>
    %dma_start3A = arith.constant 0 : i32
    %dma_start3A_42 = arith.constant 0 : i32
    %dma_start3A_43 = arith.constant 0 : i32
    %dma_start3A_44 = arith.constant 0 : i32
    %dma_start3A_45 = arith.constant 0 : i32
    %dma_start3A_46 = tpu.memref_slice %arg8[%dma_start3A_42, %dma_start3A_44, %dma_start3A_45] : memref<4x128x128xf32, #tpu.memory_space<vmem>> -> memref<1x128x128xf32, #tpu.memory_space<vmem>>
    %dma_start3A_47 = tpu.memref_squeeze %dma_start3A_46 : memref<1x128x128xf32, #tpu.memory_space<vmem>> -> memref<128x128xf32, #tpu.memory_space<vmem>>
    %dma_start3A_48 = arith.constant 0 : i32
    %dma_start3A_49 = tpu.memref_slice %arg7[%dma_start3A, %dma_start3A_48] : memref<200x128xi32, #tpu.memory_space<vmem>> -> memref<1x128xi32, #tpu.memory_space<vmem>>
    %dma_start3A_50 = tpu.memref_squeeze %dma_start3A_49 : memref<1x128xi32, #tpu.memory_space<vmem>> -> memref<128xi32, #tpu.memory_space<vmem>>
    %dma_start3A_51 = arith.constant 0 : i32
    %dma_start3A_52 = arith.constant 0 : i32
    %dma_start3A_53 = tpu.memref_slice %arg3[%dma_start3A_51, %dma_start3A_52] : memref<1000000x128xf32, #tpu.memory_space<hbm>> -> memref<1000000x128xf32, #tpu.memory_space<hbm>>
    %dma_start3A_54 = tpu.memref_slice %arg12[%dma_start3A_43] : memref<4x!tpu.dma_semaphore, #tpu.memory_space<semaphore_mem>> -> memref<1x!tpu.dma_semaphore, #tpu.memory_space<semaphore_mem>>
    %dma_start3A_55 = tpu.memref_squeeze %dma_start3A_54 : memref<1x!tpu.dma_semaphore, #tpu.memory_space<semaphore_mem>> -> memref<!tpu.dma_semaphore, #tpu.memory_space<semaphore_mem>>
    tpu.enqueue_indirect_dma source(%dma_start3A_53 : memref<1000000x128xf32, #tpu.memory_space<hbm>>) target(%dma_start3A_47 : memref<128x128xf32, #tpu.memory_space<vmem>>) offsets(%dma_start3A_50 : memref<128xi32, #tpu.memory_space<vmem>>) semaphore(%dma_start3A_55 : memref<!tpu.dma_semaphore, #tpu.memory_space<semaphore_mem>>)
    %dma_start3A_56 = arith.constant 1 : i32
    %dma_start3A_57 = arith.constant 1 : i32
    %dma_start3A_58 = arith.constant 1 : i32
    %dma_start3A_59 = arith.constant 0 : i32
    %dma_start3A_60 = arith.constant 0 : i32
    %dma_start3A_61 = tpu.memref_slice %arg8[%dma_start3A_57, %dma_start3A_59, %dma_start3A_60] : memref<4x128x128xf32, #tpu.memory_space<vmem>> -> memref<1x128x128xf32, #tpu.memory_space<vmem>>
    %dma_start3A_62 = tpu.memref_squeeze %dma_start3A_61 : memref<1x128x128xf32, #tpu.memory_space<vmem>> -> memref<128x128xf32, #tpu.memory_space<vmem>>
    %dma_start3A_63 = arith.constant 0 : i32
    %dma_start3A_64 = tpu.memref_slice %arg7[%dma_start3A_56, %dma_start3A_63] : memref<200x128xi32, #tpu.memory_space<vmem>> -> memref<1x128xi32, #tpu.memory_space<vmem>>
    %dma_start3A_65 = tpu.memref_squeeze %dma_start3A_64 : memref<1x128xi32, #tpu.memory_space<vmem>> -> memref<128xi32, #tpu.memory_space<vmem>>
    %dma_start3A_66 = arith.constant 0 : i32
    %dma_start3A_67 = arith.constant 0 : i32
    %dma_start3A_68 = tpu.memref_slice %arg3[%dma_start3A_66, %dma_start3A_67] : memref<1000000x128xf32, #tpu.memory_space<hbm>> -> memref<1000000x128xf32, #tpu.memory_space<hbm>>
    %dma_start3A_69 = tpu.memref_slice %arg12[%dma_start3A_58] : memref<4x!tpu.dma_semaphore, #tpu.memory_space<semaphore_mem>> -> memref<1x!tpu.dma_semaphore, #tpu.memory_space<semaphore_mem>>
    %dma_start3A_70 = tpu.memref_squeeze %dma_start3A_69 : memref<1x!tpu.dma_semaphore, #tpu.memory_space<semaphore_mem>> -> memref<!tpu.dma_semaphore, #tpu.memory_space<semaphore_mem>>
    tpu.enqueue_indirect_dma source(%dma_start3A_68 : memref<1000000x128xf32, #tpu.memory_space<hbm>>) target(%dma_start3A_62 : memref<128x128xf32, #tpu.memory_space<vmem>>) offsets(%dma_start3A_65 : memref<128xi32, #tpu.memory_space<vmem>>) semaphore(%dma_start3A_70 : memref<!tpu.dma_semaphore, #tpu.memory_space<semaphore_mem>>)
    %scan3A = arith.constant 0 : i32
    %scan3A_71 = arith.constant 0 : i32
    %scan3A_72 = arith.constant 200 : i32
    %scan3A_73 = arith.addi %scan3A_71, %scan3A_72 : i32
    %scan3A_74 = arith.constant 1 : i32
    %scan3A_75 = scf.for %scan3A_812 = %scan3A_71 to %scan3A_73 step %scan3A_74 iter_args(%scan3A_813 = %scan3A) -> (i32)  : i32 {
      %and3A = arith.constant 3 : i32
      %and3A_814 = arith.andi %scan3A_812, %and3A : i32
      %dma_wait3A_815 = arith.constant 0 : i32
      %dma_wait3A_816 = arith.constant 0 : i32
      %dma_wait3A_817 = tpu.memref_slice %arg8[%and3A_814, %dma_wait3A_815, %dma_wait3A_816] : memref<4x128x128xf32, #tpu.memory_space<vmem>> -> memref<1x128x128xf32, #tpu.memory_space<vmem>>
      %dma_wait3A_818 = tpu.memref_squeeze %dma_wait3A_817 : memref<1x128x128xf32, #tpu.memory_space<vmem>> -> memref<128x128xf32, #tpu.memory_space<vmem>>
      %dma_wait3A_819 = arith.constant 0 : i32
      %dma_wait3A_820 = arith.constant 0 : i32
      %dma_wait3A_821 = tpu.memref_slice %arg3[%dma_wait3A_819, %dma_wait3A_820] : memref<1000000x128xf32, #tpu.memory_space<hbm>> -> memref<128x128xf32, #tpu.memory_space<hbm>>
      %dma_wait3A_822 = tpu.memref_slice %arg12[%and3A_814] : memref<4x!tpu.dma_semaphore, #tpu.memory_space<semaphore_mem>> -> memref<1x!tpu.dma_semaphore, #tpu.memory_space<semaphore_mem>>
      %dma_wait3A_823 = tpu.memref_squeeze %dma_wait3A_822 : memref<1x!tpu.dma_semaphore, #tpu.memory_space<semaphore_mem>> -> memref<!tpu.dma_semaphore, #tpu.memory_space<semaphore_mem>>
      %dma_wait3A_824 = arith.constant 0 : i32
      %dma_wait3A_825 = arith.constant 0 : i32
      %dma_wait3A_826 = tpu.memref_slice %arg8[%and3A_814, %dma_wait3A_824, %dma_wait3A_825] : memref<4x128x128xf32, #tpu.memory_space<vmem>> -> memref<1x128x128xf32, #tpu.memory_space<vmem>>
      %dma_wait3A_827 = tpu.memref_squeeze %dma_wait3A_826 : memref<1x128x128xf32, #tpu.memory_space<vmem>> -> memref<128x128xf32, #tpu.memory_space<vmem>>
      %dma_wait3A_828 = arith.constant 0 : i32
      %dma_wait3A_829 = arith.constant 0 : i32
      %dma_wait3A_830 = tpu.memref_slice %arg3[%dma_wait3A_828, %dma_wait3A_829] : memref<1000000x128xf32, #tpu.memory_space<hbm>> -> memref<128x128xf32, #tpu.memory_space<hbm>>
      tpu.wait_dma2 semaphore(%dma_wait3A_823 : memref<!tpu.dma_semaphore, #tpu.memory_space<semaphore_mem>>) src(%dma_wait3A_830 : memref<128x128xf32, #tpu.memory_space<hbm>>) dst(%dma_wait3A_827 : memref<128x128xf32, #tpu.memory_space<vmem>>)
      %parallel_loop3A = arith.constant 0 : i32
      %parallel_loop3A_831 = arith.constant 128 : i32
      %parallel_loop3A_832 = arith.constant 1 : i32
      scf.for %parallel_loop3A_1014 = %parallel_loop3A to %parallel_loop3A_831 step %parallel_loop3A_832  : i32 {
        %parallel_loop3A_1015 = arith.index_cast %and3A_814 : i32 to index
        %parallel_loop3A_1016 = arith.index_cast %parallel_loop3A_1014 : i32 to index
        %parallel_loop3A_1017 = arith.constant 0 : index
        %parallel_loop3A_1018 = tpu.vector_load %arg8[%parallel_loop3A_1015, %parallel_loop3A_1016, %parallel_loop3A_1017] {strides = array<i32>} : memref<4x128x128xf32, #tpu.memory_space<vmem>>, vector<16xf32>,
        %parallel_loop3A_1019 = arith.index_cast %and3A_814 : i32 to index
        %parallel_loop3A_1020 = arith.index_cast %parallel_loop3A_1014 : i32 to index
        %parallel_loop3A_1021 = arith.constant 16 : index
        %parallel_loop3A_1022 = tpu.vector_load %arg8[%parallel_loop3A_1019, %parallel_loop3A_1020, %parallel_loop3A_1021] {strides = array<i32>} : memref<4x128x128xf32, #tpu.memory_space<vmem>>, vector<16xf32>,
        %parallel_loop3A_1023 = arith.index_cast %and3A_814 : i32 to index
        %parallel_loop3A_1024 = arith.index_cast %parallel_loop3A_1014 : i32 to index
        %parallel_loop3A_1025 = arith.constant 32 : index
        %parallel_loop3A_1026 = tpu.vector_load %arg8[%parallel_loop3A_1023, %parallel_loop3A_1024, %parallel_loop3A_1025] {strides = array<i32>} : memref<4x128x128xf32, #tpu.memory_space<vmem>>, vector<16xf32>,
        %parallel_loop3A_1027 = arith.index_cast %and3A_814 : i32 to index
        %parallel_loop3A_1028 = arith.index_cast %parallel_loop3A_1014 : i32 to index
        %parallel_loop3A_1029 = arith.constant 48 : index
        %parallel_loop3A_1030 = tpu.vector_load %arg8[%parallel_loop3A_1027, %parallel_loop3A_1028, %parallel_loop3A_1029] {strides = array<i32>} : memref<4x128x128xf32, #tpu.memory_space<vmem>>, vector<16xf32>,
        %parallel_loop3A_1031 = arith.addf %parallel_loop3A_1018, %parallel_loop3A_1022 : vector<16xf32>
        %parallel_loop3A_1032 = arith.addf %parallel_loop3A_1026, %parallel_loop3A_1030 : vector<16xf32>
        %parallel_loop3A_1033 = arith.addf %parallel_loop3A_1031, %parallel_loop3A_1032 : vector<16xf32>
        %parallel_loop3A_1034 = arith.mulf %parallel_loop3A_1018, %parallel_loop3A_1018 : vector<16xf32>
        %parallel_loop3A_1035 = arith.mulf %parallel_loop3A_1022, %parallel_loop3A_1022 : vector<16xf32>
        %parallel_loop3A_1036 = arith.addf %parallel_loop3A_1034, %parallel_loop3A_1035 : vector<16xf32>
        %parallel_loop3A_1037 = arith.mulf %parallel_loop3A_1026, %parallel_loop3A_1026 : vector<16xf32>
        %parallel_loop3A_1038 = arith.mulf %parallel_loop3A_1030, %parallel_loop3A_1030 : vector<16xf32>
        %parallel_loop3A_1039 = arith.addf %parallel_loop3A_1037, %parallel_loop3A_1038 : vector<16xf32>
        %parallel_loop3A_1040 = arith.addf %parallel_loop3A_1036, %parallel_loop3A_1039 : vector<16xf32>
        %parallel_loop3A_1041 = vector.shape_cast %broadcast_in_dim3A : vector<16x1xi32> to vector<16xi32>
        %parallel_loop3A_1042 = tpu.dynamic_gather %parallel_loop3A_1033[%parallel_loop3A_1041] in [0] : vector<16xf32>, vector<16xi32> -> vector<16xf32>
        %parallel_loop3A_1043 = arith.addf %parallel_loop3A_1033, %parallel_loop3A_1042 : vector<16xf32>
        %parallel_loop3A_1044 = vector.shape_cast %broadcast_in_dim3A : vector<16x1xi32> to vector<16xi32>
        %parallel_loop3A_1045 = tpu.dynamic_gather %parallel_loop3A_1040[%parallel_loop3A_1044] in [0] : vector<16xf32>, vector<16xi32> -> vector<16xf32>
        %parallel_loop3A_1046 = arith.addf %parallel_loop3A_1040, %parallel_loop3A_1045 : vector<16xf32>
        %parallel_loop3A_1047 = vector.shape_cast %broadcast_in_dim3A_21 : vector<16x1xi32> to vector<16xi32>
        %parallel_loop3A_1048 = tpu.dynamic_gather %parallel_loop3A_1043[%parallel_loop3A_1047] in [0] : vector<16xf32>, vector<16xi32> -> vector<16xf32>
        %parallel_loop3A_1049 = arith.addf %parallel_loop3A_1043, %parallel_loop3A_1048 : vector<16xf32>
        %parallel_loop3A_1050 = vector.shape_cast %broadcast_in_dim3A_21 : vector<16x1xi32> to vector<16xi32>
        %parallel_loop3A_1051 = tpu.dynamic_gather %parallel_loop3A_1046[%parallel_loop3A_1050] in [0] : vector<16xf32>, vector<16xi32> -> vector<16xf32>
        %parallel_loop3A_1052 = arith.addf %parallel_loop3A_1046, %parallel_loop3A_1051 : vector<16xf32>
        %parallel_loop3A_1053 = vector.shape_cast %broadcast_in_dim3A_25 : vector<16x1xi32> to vector<16xi32>
        %parallel_loop3A_1054 = tpu.dynamic_gather %parallel_loop3A_1049[%parallel_loop3A_1053] in [0] : vector<16xf32>, vector<16xi32> -> vector<16xf32>
        %parallel_loop3A_1055 = arith.addf %parallel_loop3A_1049, %parallel_loop3A_1054 : vector<16xf32>
        %parallel_loop3A_1056 = vector.shape_cast %broadcast_in_dim3A_25 : vector<16x1xi32> to vector<16xi32>
        %parallel_loop3A_1057 = tpu.dynamic_gather %parallel_loop3A_1052[%parallel_loop3A_1056] in [0] : vector<16xf32>, vector<16xi32> -> vector<16xf32>
        %parallel_loop3A_1058 = arith.addf %parallel_loop3A_1052, %parallel_loop3A_1057 : vector<16xf32>
        %parallel_loop3A_1059 = vector.shape_cast %broadcast_in_dim3A_29 : vector<16x1xi32> to vector<16xi32>
        %parallel_loop3A_1060 = tpu.dynamic_gather %parallel_loop3A_1055[%parallel_loop3A_1059] in [0] : vector<16xf32>, vector<16xi32> -> vector<16xf32>
        %parallel_loop3A_1061 = arith.addf %parallel_loop3A_1055, %parallel_loop3A_1060 : vector<16xf32>
        %parallel_loop3A_1062 = vector.shape_cast %broadcast_in_dim3A_29 : vector<16x1xi32> to vector<16xi32>
        %parallel_loop3A_1063 = tpu.dynamic_gather %parallel_loop3A_1058[%parallel_loop3A_1062] in [0] : vector<16xf32>, vector<16xi32> -> vector<16xf32>
        %parallel_loop3A_1064 = arith.addf %parallel_loop3A_1058, %parallel_loop3A_1063 : vector<16xf32>
        %parallel_loop3A_1065 = arith.constant 1.562500e-02 : f32
        %parallel_loop3A_1066 = vector.broadcast %parallel_loop3A_1065 : f32 to vector<16xf32>
        %parallel_loop3A_1067 = arith.mulf %parallel_loop3A_1061, %parallel_loop3A_1066 : vector<16xf32>
        %parallel_loop3A_1068 = arith.constant 1.562500e-02 : f32
        %parallel_loop3A_1069 = vector.broadcast %parallel_loop3A_1068 : f32 to vector<16xf32>
        %parallel_loop3A_1070 = arith.mulf %parallel_loop3A_1064, %parallel_loop3A_1069 : vector<16xf32>
        %parallel_loop3A_1071 = arith.mulf %parallel_loop3A_1067, %parallel_loop3A_1067 : vector<16xf32>
        %parallel_loop3A_1072 = arith.subf %parallel_loop3A_1070, %parallel_loop3A_1071 : vector<16xf32>
        %parallel_loop3A_1073 = arith.constant 9.99999996E-13 : f32
        %parallel_loop3A_1074 = vector.broadcast %parallel_loop3A_1073 : f32 to vector<16xf32>
        %parallel_loop3A_1075 = arith.addf %parallel_loop3A_1072, %parallel_loop3A_1074 : vector<16xf32>
        %parallel_loop3A_1076 = vector.bitcast %parallel_loop3A_1075 : vector<16xf32> to vector<16xi32>
        %parallel_loop3A_1077 = arith.constant 1 : i32
        %parallel_loop3A_1078 = vector.broadcast %parallel_loop3A_1077 : i32 to vector<16xi32>
        %parallel_loop3A_1079 = arith.shrsi %parallel_loop3A_1076, %parallel_loop3A_1078 : vector<16xi32>
        %parallel_loop3A_1080 = arith.constant 1597463007 : i32
        %parallel_loop3A_1081 = vector.broadcast %parallel_loop3A_1080 : i32 to vector<16xi32>
        %parallel_loop3A_1082 = arith.subi %parallel_loop3A_1081, %parallel_loop3A_1079 : vector<16xi32>
        %parallel_loop3A_1083 = vector.bitcast %parallel_loop3A_1082 : vector<16xi32> to vector<16xf32>
        %parallel_loop3A_1084 = arith.constant -5.000000e-01 : f32
        %parallel_loop3A_1085 = vector.broadcast %parallel_loop3A_1084 : f32 to vector<16xf32>
        %parallel_loop3A_1086 = arith.mulf %parallel_loop3A_1075, %parallel_loop3A_1085 : vector<16xf32>
        %parallel_loop3A_1087 = arith.mulf %parallel_loop3A_1086, %parallel_loop3A_1083 : vector<16xf32>
        %parallel_loop3A_1088 = arith.mulf %parallel_loop3A_1087, %parallel_loop3A_1083 : vector<16xf32>
        %parallel_loop3A_1089 = arith.constant 1.500000e+00 : f32
        %parallel_loop3A_1090 = vector.broadcast %parallel_loop3A_1089 : f32 to vector<16xf32>
        %parallel_loop3A_1091 = arith.addf %parallel_loop3A_1088, %parallel_loop3A_1090 : vector<16xf32>
        %parallel_loop3A_1092 = arith.mulf %parallel_loop3A_1083, %parallel_loop3A_1091 : vector<16xf32>
        %parallel_loop3A_1093 = vector.broadcast %parallel_loop3A_1014 : i32 to vector<16xi32>
        %parallel_loop3A_1094 = arith.subf %parallel_loop3A_1018, %parallel_loop3A_1067 : vector<16xf32>
        %parallel_loop3A_1095 = arith.mulf %parallel_loop3A_1094, %parallel_loop3A_1092 : vector<16xf32>
        %parallel_loop3A_1096 = arith.mulf %parallel_loop3A_1095, %get3A_1 : vector<16xf32>
        %parallel_loop3A_1097 = arith.addf %parallel_loop3A_1096, %get3A_9 : vector<16xf32>
        %parallel_loop3A_1098 = arith.constant 0 : i32
        %parallel_loop3A_1099 = arith.constant 0 : i32
        %parallel_loop3A_1100 = tpu.memref_slice %arg9[%and3A_814, %parallel_loop3A_1098, %parallel_loop3A_1099] : memref<4x64x129xf32, #tpu.memory_space<vmem>> -> memref<1x64x129xf32, #tpu.memory_space<vmem>>
        %parallel_loop3A_1101 = tpu.memref_squeeze %parallel_loop3A_1100 : memref<1x64x129xf32, #tpu.memory_space<vmem>> -> memref<64x129xf32, #tpu.memory_space<vmem>>
        tpu.vector_store_idx %parallel_loop3A_1101[%add3A_32, %parallel_loop3A_1093], %parallel_loop3A_1097 : memref<64x129xf32, #tpu.memory_space<vmem>>[vector<16xi32>, vector<16xi32>], vector<16xf32>,
        %parallel_loop3A_1102 = arith.subf %parallel_loop3A_1022, %parallel_loop3A_1067 : vector<16xf32>
        %parallel_loop3A_1103 = arith.mulf %parallel_loop3A_1102, %parallel_loop3A_1092 : vector<16xf32>
        %parallel_loop3A_1104 = arith.mulf %parallel_loop3A_1103, %get3A_3 : vector<16xf32>
        %parallel_loop3A_1105 = arith.addf %parallel_loop3A_1104, %get3A_11 : vector<16xf32>
        %parallel_loop3A_1106 = arith.constant 0 : i32
        %parallel_loop3A_1107 = arith.constant 0 : i32
        %parallel_loop3A_1108 = tpu.memref_slice %arg9[%and3A_814, %parallel_loop3A_1106, %parallel_loop3A_1107] : memref<4x64x129xf32, #tpu.memory_space<vmem>> -> memref<1x64x129xf32, #tpu.memory_space<vmem>>
        %parallel_loop3A_1109 = tpu.memref_squeeze %parallel_loop3A_1108 : memref<1x64x129xf32, #tpu.memory_space<vmem>> -> memref<64x129xf32, #tpu.memory_space<vmem>>
        tpu.vector_store_idx %parallel_loop3A_1109[%add3A_35, %parallel_loop3A_1093], %parallel_loop3A_1105 : memref<64x129xf32, #tpu.memory_space<vmem>>[vector<16xi32>, vector<16xi32>], vector<16xf32>,
        %parallel_loop3A_1110 = arith.subf %parallel_loop3A_1026, %parallel_loop3A_1067 : vector<16xf32>
        %parallel_loop3A_1111 = arith.mulf %parallel_loop3A_1110, %parallel_loop3A_1092 : vector<16xf32>
        %parallel_loop3A_1112 = arith.mulf %parallel_loop3A_1111, %get3A_5 : vector<16xf32>
        %parallel_loop3A_1113 = arith.addf %parallel_loop3A_1112, %get3A_13 : vector<16xf32>
        %parallel_loop3A_1114 = arith.constant 0 : i32
        %parallel_loop3A_1115 = arith.constant 0 : i32
        %parallel_loop3A_1116 = tpu.memref_slice %arg9[%and3A_814, %parallel_loop3A_1114, %parallel_loop3A_1115] : memref<4x64x129xf32, #tpu.memory_space<vmem>> -> memref<1x64x129xf32, #tpu.memory_space<vmem>>
        %parallel_loop3A_1117 = tpu.memref_squeeze %parallel_loop3A_1116 : memref<1x64x129xf32, #tpu.memory_space<vmem>> -> memref<64x129xf32, #tpu.memory_space<vmem>>
        tpu.vector_store_idx %parallel_loop3A_1117[%add3A_38, %parallel_loop3A_1093], %parallel_loop3A_1113 : memref<64x129xf32, #tpu.memory_space<vmem>>[vector<16xi32>, vector<16xi32>], vector<16xf32>,
        %parallel_loop3A_1118 = arith.subf %parallel_loop3A_1030, %parallel_loop3A_1067 : vector<16xf32>
        %parallel_loop3A_1119 = arith.mulf %parallel_loop3A_1118, %parallel_loop3A_1092 : vector<16xf32>
        %parallel_loop3A_1120 = arith.mulf %parallel_loop3A_1119, %get3A_7 : vector<16xf32>
        %parallel_loop3A_1121 = arith.addf %parallel_loop3A_1120, %get3A_15 : vector<16xf32>
        %parallel_loop3A_1122 = arith.constant 0 : i32
        %parallel_loop3A_1123 = arith.constant 0 : i32
        %parallel_loop3A_1124 = tpu.memref_slice %arg9[%and3A_814, %parallel_loop3A_1122, %parallel_loop3A_1123] : memref<4x64x129xf32, #tpu.memory_space<vmem>> -> memref<1x64x129xf32, #tpu.memory_space<vmem>>
        %parallel_loop3A_1125 = tpu.memref_squeeze %parallel_loop3A_1124 : memref<1x64x129xf32, #tpu.memory_space<vmem>> -> memref<64x129xf32, #tpu.memory_space<vmem>>
        tpu.vector_store_idx %parallel_loop3A_1125[%add3A_41, %parallel_loop3A_1093], %parallel_loop3A_1121 : memref<64x129xf32, #tpu.memory_space<vmem>>[vector<16xi32>, vector<16xi32>], vector<16xf32>,
      } {sc.loop_unroll_factor = 4 : i64, sc.parallel_access}
      %mul3A_833 = arith.constant 200 : i32
      %mul3A_834 = arith.muli %add3A, %mul3A_833 : i32
      %add3A_835 = arith.addi %mul3A_834, %scan3A_812 : i32
      %jit3A = arith.constant 128 : i32
      %div3A = arith.divsi %add3A_835, %jit3A : i32
      %sign3A = arith.constant 0 : i32
      %sign3A_836 = arith.cmpi sgt, %add3A_835, %sign3A : i32
      %sign3A_837 = arith.extui %sign3A_836 : i1 to i32
      %sign3A_838 = arith.constant 0 : i32
      %sign3A_839 = arith.cmpi slt, %add3A_835, %sign3A_838 : i32
      %sign3A_840 = arith.extui %sign3A_839 : i1 to i32
      %sign3A_841 = arith.subi %sign3A_837, %sign3A_840 : i32
      %sign3A_842 = arith.constant 0 : i32
      %sign3A_843 = arith.cmpi sgt, %jit3A, %sign3A_842 : i32
      %sign3A_844 = arith.extui %sign3A_843 : i1 to i32
      %sign3A_845 = arith.constant 0 : i32
      %sign3A_846 = arith.cmpi slt, %jit3A, %sign3A_845 : i32
      %sign3A_847 = arith.extui %sign3A_846 : i1 to i32
      %sign3A_848 = arith.subi %sign3A_844, %sign3A_847 : i32
      %ne3A = arith.cmpi ne, %sign3A_841, %sign3A_848 : i32
      %rem3A = arith.remsi %add3A_835, %jit3A : i32
      %ne3A_849 = arith.constant 0 : i32
      %ne3A_850 = arith.cmpi ne, %rem3A, %ne3A_849 : i32
      %and3A_851 = arith.andi %ne3A, %ne3A_850 : i1
      %sub3A = arith.constant 1 : i32
      %sub3A_852 = arith.subi %div3A, %sub3A : i32
      %select_n3A = arith.select %and3A_851, %sub3A_852, %div3A : i32
      %rem3A_853 = arith.constant 128 : i32
      %rem3A_854 = arith.remsi %add3A_835, %rem3A_853 : i32
      %dma_start3A_855 = arith.constant 0 : i32
      %dma_start3A_856 = arith.constant 0 : i32
      %dma_start3A_857 = arith.constant 0 : i32
      %dma_start3A_858 = tpu.memref_slice %arg9[%and3A_814, %dma_start3A_856, %dma_start3A_857] : memref<4x64x129xf32, #tpu.memory_space<vmem>> -> memref<1x8x128xf32, #tpu.memory_space<vmem>>
      %dma_start3A_859 = tpu.memref_squeeze %dma_start3A_858 : memref<1x8x128xf32, #tpu.memory_space<vmem>> -> memref<8x128xf32, #tpu.memory_space<vmem>>
      %dma_start3A_860 = arith.constant 0 : i32
      %dma_start3A_861 = arith.constant 0 : i32
      %dma_start3A_862 = tpu.memref_slice %arg6[%select_n3A, %dma_start3A_855, %rem3A_854, %dma_start3A_860, %dma_start3A_861] : memref<50x8x128x8x128xf32, #tpu.memory_space<hbm>> -> memref<1x1x1x8x128xf32, #tpu.memory_space<hbm>>
      %dma_start3A_863 = tpu.memref_squeeze %dma_start3A_862 : memref<1x1x1x8x128xf32, #tpu.memory_space<hbm>> -> memref<8x128xf32, #tpu.memory_space<hbm>>
      %dma_start3A_864 = tpu.memref_slice %arg13[%and3A_814] : memref<4x!tpu.dma_semaphore, #tpu.memory_space<semaphore_mem>> -> memref<1x!tpu.dma_semaphore, #tpu.memory_space<semaphore_mem>>
      %dma_start3A_865 = tpu.memref_squeeze %dma_start3A_864 : memref<1x!tpu.dma_semaphore, #tpu.memory_space<semaphore_mem>> -> memref<!tpu.dma_semaphore, #tpu.memory_space<semaphore_mem>>
      %dma_start3A_866 = arith.constant 0 : i32
      %dma_start3A_867 = arith.constant 0 : i32
      %dma_start3A_868 = tpu.memref_slice %arg6[%select_n3A, %dma_start3A_855, %rem3A_854, %dma_start3A_866, %dma_start3A_867] : memref<50x8x128x8x128xf32, #tpu.memory_space<hbm>> -> memref<1x1x1x8x128xf32, #tpu.memory_space<hbm>>
      %dma_start3A_869 = tpu.memref_squeeze %dma_start3A_868 : memref<1x1x1x8x128xf32, #tpu.memory_space<hbm>> -> memref<8x128xf32, #tpu.memory_space<hbm>>
      %dma_start3A_870 = arith.constant 0 : i32
      %dma_start3A_871 = arith.constant 0 : i32
      %dma_start3A_872 = tpu.memref_slice %arg9[%and3A_814, %dma_start3A_870, %dma_start3A_871] : memref<4x64x129xf32, #tpu.memory_space<vmem>> -> memref<1x8x128xf32, #tpu.memory_space<vmem>>
      %dma_start3A_873 = tpu.memref_squeeze %dma_start3A_872 : memref<1x8x128xf32, #tpu.memory_space<vmem>> -> memref<8x128xf32, #tpu.memory_space<vmem>>
      tpu.enqueue_dma source(%dma_start3A_873 : memref<8x128xf32, #tpu.memory_space<vmem>>) target(%dma_start3A_869 : memref<8x128xf32, #tpu.memory_space<hbm>>) target_semaphore(%dma_start3A_865 : memref<!tpu.dma_semaphore, #tpu.memory_space<semaphore_mem>>)
      %dma_start3A_874 = arith.constant 1 : i32
      %dma_start3A_875 = arith.constant 8 : i32
      %dma_start3A_876 = arith.constant 0 : i32
      %dma_start3A_877 = tpu.memref_slice %arg9[%and3A_814, %dma_start3A_875, %dma_start3A_876] : memref<4x64x129xf32, #tpu.memory_space<vmem>> -> memref<1x8x128xf32, #tpu.memory_space<vmem>>
      %dma_start3A_878 = tpu.memref_squeeze %dma_start3A_877 : memref<1x8x128xf32, #tpu.memory_space<vmem>> -> memref<8x128xf32, #tpu.memory_space<vmem>>
      %dma_start3A_879 = arith.constant 0 : i32
      %dma_start3A_880 = arith.constant 0 : i32
      %dma_start3A_881 = tpu.memref_slice %arg6[%select_n3A, %dma_start3A_874, %rem3A_854, %dma_start3A_879, %dma_start3A_880] : memref<50x8x128x8x128xf32, #tpu.memory_space<hbm>> -> memref<1x1x1x8x128xf32, #tpu.memory_space<hbm>>
      %dma_start3A_882 = tpu.memref_squeeze %dma_start3A_881 : memref<1x1x1x8x128xf32, #tpu.memory_space<hbm>> -> memref<8x128xf32, #tpu.memory_space<hbm>>
      %dma_start3A_883 = tpu.memref_slice %arg13[%and3A_814] : memref<4x!tpu.dma_semaphore, #tpu.memory_space<semaphore_mem>> -> memref<1x!tpu.dma_semaphore, #tpu.memory_space<semaphore_mem>>
      %dma_start3A_884 = tpu.memref_squeeze %dma_start3A_883 : memref<1x!tpu.dma_semaphore, #tpu.memory_space<semaphore_mem>> -> memref<!tpu.dma_semaphore, #tpu.memory_space<semaphore_mem>>
      %dma_start3A_885 = arith.constant 0 : i32
      %dma_start3A_886 = arith.constant 0 : i32
      %dma_start3A_887 = tpu.memref_slice %arg6[%select_n3A, %dma_start3A_874, %rem3A_854, %dma_start3A_885, %dma_start3A_886] : memref<50x8x128x8x128xf32, #tpu.memory_space<hbm>> -> memref<1x1x1x8x128xf32, #tpu.memory_space<hbm>>
      %dma_start3A_888 = tpu.memref_squeeze %dma_start3A_887 : memref<1x1x1x8x128xf32, #tpu.memory_space<hbm>> -> memref<8x128xf32, #tpu.memory_space<hbm>>
      %dma_start3A_889 = arith.constant 8 : i32
      %dma_start3A_890 = arith.constant 0 : i32
      %dma_start3A_891 = tpu.memref_slice %arg9[%and3A_814, %dma_start3A_889, %dma_start3A_890] : memref<4x64x129xf32, #tpu.memory_space<vmem>> -> memref<1x8x128xf32, #tpu.memory_space<vmem>>
      %dma_start3A_892 = tpu.memref_squeeze %dma_start3A_891 : memref<1x8x128xf32, #tpu.memory_space<vmem>> -> memref<8x128xf32, #tpu.memory_space<vmem>>
      tpu.enqueue_dma source(%dma_start3A_892 : memref<8x128xf32, #tpu.memory_space<vmem>>) target(%dma_start3A_888 : memref<8x128xf32, #tpu.memory_space<hbm>>) target_semaphore(%dma_start3A_884 : memref<!tpu.dma_semaphore, #tpu.memory_space<semaphore_mem>>)
      %dma_start3A_893 = arith.constant 2 : i32
      %dma_start3A_894 = arith.constant 16 : i32
      %dma_start3A_895 = arith.constant 0 : i32
      %dma_start3A_896 = tpu.memref_slice %arg9[%and3A_814, %dma_start3A_894, %dma_start3A_895] : memref<4x64x129xf32, #tpu.memory_space<vmem>> -> memref<1x8x128xf32, #tpu.memory_space<vmem>>
      %dma_start3A_897 = tpu.memref_squeeze %dma_start3A_896 : memref<1x8x128xf32, #tpu.memory_space<vmem>> -> memref<8x128xf32, #tpu.memory_space<vmem>>
      %dma_start3A_898 = arith.constant 0 : i32
      %dma_start3A_899 = arith.constant 0 : i32
      %dma_start3A_900 = tpu.memref_slice %arg6[%select_n3A, %dma_start3A_893, %rem3A_854, %dma_start3A_898, %dma_start3A_899] : memref<50x8x128x8x128xf32, #tpu.memory_space<hbm>> -> memref<1x1x1x8x128xf32, #tpu.memory_space<hbm>>
      %dma_start3A_901 = tpu.memref_squeeze %dma_start3A_900 : memref<1x1x1x8x128xf32, #tpu.memory_space<hbm>> -> memref<8x128xf32, #tpu.memory_space<hbm>>
      %dma_start3A_902 = tpu.memref_slice %arg13[%and3A_814] : memref<4x!tpu.dma_semaphore, #tpu.memory_space<semaphore_mem>> -> memref<1x!tpu.dma_semaphore, #tpu.memory_space<semaphore_mem>>
      %dma_start3A_903 = tpu.memref_squeeze %dma_start3A_902 : memref<1x!tpu.dma_semaphore, #tpu.memory_space<semaphore_mem>> -> memref<!tpu.dma_semaphore, #tpu.memory_space<semaphore_mem>>
      %dma_start3A_904 = arith.constant 0 : i32
      %dma_start3A_905 = arith.constant 0 : i32
      %dma_start3A_906 = tpu.memref_slice %arg6[%select_n3A, %dma_start3A_893, %rem3A_854, %dma_start3A_904, %dma_start3A_905] : memref<50x8x128x8x128xf32, #tpu.memory_space<hbm>> -> memref<1x1x1x8x128xf32, #tpu.memory_space<hbm>>
      %dma_start3A_907 = tpu.memref_squeeze %dma_start3A_906 : memref<1x1x1x8x128xf32, #tpu.memory_space<hbm>> -> memref<8x128xf32, #tpu.memory_space<hbm>>
      %dma_start3A_908 = arith.constant 16 : i32
      %dma_start3A_909 = arith.constant 0 : i32
      %dma_start3A_910 = tpu.memref_slice %arg9[%and3A_814, %dma_start3A_908, %dma_start3A_909] : memref<4x64x129xf32, #tpu.memory_space<vmem>> -> memref<1x8x128xf32, #tpu.memory_space<vmem>>
      %dma_start3A_911 = tpu.memref_squeeze %dma_start3A_910 : memref<1x8x128xf32, #tpu.memory_space<vmem>> -> memref<8x128xf32, #tpu.memory_space<vmem>>
      tpu.enqueue_dma source(%dma_start3A_911 : memref<8x128xf32, #tpu.memory_space<vmem>>) target(%dma_start3A_907 : memref<8x128xf32, #tpu.memory_space<hbm>>) target_semaphore(%dma_start3A_903 : memref<!tpu.dma_semaphore, #tpu.memory_space<semaphore_mem>>)
      %dma_start3A_912 = arith.constant 3 : i32
      %dma_start3A_913 = arith.constant 24 : i32
      %dma_start3A_914 = arith.constant 0 : i32
      %dma_start3A_915 = tpu.memref_slice %arg9[%and3A_814, %dma_start3A_913, %dma_start3A_914] : memref<4x64x129xf32, #tpu.memory_space<vmem>> -> memref<1x8x128xf32, #tpu.memory_space<vmem>>
      %dma_start3A_916 = tpu.memref_squeeze %dma_start3A_915 : memref<1x8x128xf32, #tpu.memory_space<vmem>> -> memref<8x128xf32, #tpu.memory_space<vmem>>
      %dma_start3A_917 = arith.constant 0 : i32
      %dma_start3A_918 = arith.constant 0 : i32
      %dma_start3A_919 = tpu.memref_slice %arg6[%select_n3A, %dma_start3A_912, %rem3A_854, %dma_start3A_917, %dma_start3A_918] : memref<50x8x128x8x128xf32, #tpu.memory_space<hbm>> -> memref<1x1x1x8x128xf32, #tpu.memory_space<hbm>>
      %dma_start3A_920 = tpu.memref_squeeze %dma_start3A_919 : memref<1x1x1x8x128xf32, #tpu.memory_space<hbm>> -> memref<8x128xf32, #tpu.memory_space<hbm>>
      %dma_start3A_921 = tpu.memref_slice %arg13[%and3A_814] : memref<4x!tpu.dma_semaphore, #tpu.memory_space<semaphore_mem>> -> memref<1x!tpu.dma_semaphore, #tpu.memory_space<semaphore_mem>>
      %dma_start3A_922 = tpu.memref_squeeze %dma_start3A_921 : memref<1x!tpu.dma_semaphore, #tpu.memory_space<semaphore_mem>> -> memref<!tpu.dma_semaphore, #tpu.memory_space<semaphore_mem>>
      %dma_start3A_923 = arith.constant 0 : i32
      %dma_start3A_924 = arith.constant 0 : i32
      %dma_start3A_925 = tpu.memref_slice %arg6[%select_n3A, %dma_start3A_912, %rem3A_854, %dma_start3A_923, %dma_start3A_924] : memref<50x8x128x8x128xf32, #tpu.memory_space<hbm>> -> memref<1x1x1x8x128xf32, #tpu.memory_space<hbm>>
      %dma_start3A_926 = tpu.memref_squeeze %dma_start3A_925 : memref<1x1x1x8x128xf32, #tpu.memory_space<hbm>> -> memref<8x128xf32, #tpu.memory_space<hbm>>
      %dma_start3A_927 = arith.constant 24 : i32
      %dma_start3A_928 = arith.constant 0 : i32
      %dma_start3A_929 = tpu.memref_slice %arg9[%and3A_814, %dma_start3A_927, %dma_start3A_928] : memref<4x64x129xf32, #tpu.memory_space<vmem>> -> memref<1x8x128xf32, #tpu.memory_space<vmem>>
      %dma_start3A_930 = tpu.memref_squeeze %dma_start3A_929 : memref<1x8x128xf32, #tpu.memory_space<vmem>> -> memref<8x128xf32, #tpu.memory_space<vmem>>
      tpu.enqueue_dma source(%dma_start3A_930 : memref<8x128xf32, #tpu.memory_space<vmem>>) target(%dma_start3A_926 : memref<8x128xf32, #tpu.memory_space<hbm>>) target_semaphore(%dma_start3A_922 : memref<!tpu.dma_semaphore, #tpu.memory_space<semaphore_mem>>)
      %dma_start3A_931 = arith.constant 4 : i32
      %dma_start3A_932 = arith.constant 32 : i32
      %dma_start3A_933 = arith.constant 0 : i32
      %dma_start3A_934 = tpu.memref_slice %arg9[%and3A_814, %dma_start3A_932, %dma_start3A_933] : memref<4x64x129xf32, #tpu.memory_space<vmem>> -> memref<1x8x128xf32, #tpu.memory_space<vmem>>
      %dma_start3A_935 = tpu.memref_squeeze %dma_start3A_934 : memref<1x8x128xf32, #tpu.memory_space<vmem>> -> memref<8x128xf32, #tpu.memory_space<vmem>>
      %dma_start3A_936 = arith.constant 0 : i32
      %dma_start3A_937 = arith.constant 0 : i32
      %dma_start3A_938 = tpu.memref_slice %arg6[%select_n3A, %dma_start3A_931, %rem3A_854, %dma_start3A_936, %dma_start3A_937] : memref<50x8x128x8x128xf32, #tpu.memory_space<hbm>> -> memref<1x1x1x8x128xf32, #tpu.memory_space<hbm>>
      %dma_start3A_939 = tpu.memref_squeeze %dma_start3A_938 : memref<1x1x1x8x128xf32, #tpu.memory_space<hbm>> -> memref<8x128xf32, #tpu.memory_space<hbm>>
      %dma_start3A_940 = tpu.memref_slice %arg13[%and3A_814] : memref<4x!tpu.dma_semaphore, #tpu.memory_space<semaphore_mem>> -> memref<1x!tpu.dma_semaphore, #tpu.memory_space<semaphore_mem>>
      %dma_start3A_941 = tpu.memref_squeeze %dma_start3A_940 : memref<1x!tpu.dma_semaphore, #tpu.memory_space<semaphore_mem>> -> memref<!tpu.dma_semaphore, #tpu.memory_space<semaphore_mem>>
      %dma_start3A_942 = arith.constant 0 : i32
      %dma_start3A_943 = arith.constant 0 : i32
      %dma_start3A_944 = tpu.memref_slice %arg6[%select_n3A, %dma_start3A_931, %rem3A_854, %dma_start3A_942, %dma_start3A_943] : memref<50x8x128x8x128xf32, #tpu.memory_space<hbm>> -> memref<1x1x1x8x128xf32, #tpu.memory_space<hbm>>
      %dma_start3A_945 = tpu.memref_squeeze %dma_start3A_944 : memref<1x1x1x8x128xf32, #tpu.memory_space<hbm>> -> memref<8x128xf32, #tpu.memory_space<hbm>>
      %dma_start3A_946 = arith.constant 32 : i32
      %dma_start3A_947 = arith.constant 0 : i32
      %dma_start3A_948 = tpu.memref_slice %arg9[%and3A_814, %dma_start3A_946, %dma_start3A_947] : memref<4x64x129xf32, #tpu.memory_space<vmem>> -> memref<1x8x128xf32, #tpu.memory_space<vmem>>
      %dma_start3A_949 = tpu.memref_squeeze %dma_start3A_948 : memref<1x8x128xf32, #tpu.memory_space<vmem>> -> memref<8x128xf32, #tpu.memory_space<vmem>>
      tpu.enqueue_dma source(%dma_start3A_949 : memref<8x128xf32, #tpu.memory_space<vmem>>) target(%dma_start3A_945 : memref<8x128xf32, #tpu.memory_space<hbm>>) target_semaphore(%dma_start3A_941 : memref<!tpu.dma_semaphore, #tpu.memory_space<semaphore_mem>>)
      %dma_start3A_950 = arith.constant 5 : i32
      %dma_start3A_951 = arith.constant 40 : i32
      %dma_start3A_952 = arith.constant 0 : i32
      %dma_start3A_953 = tpu.memref_slice %arg9[%and3A_814, %dma_start3A_951, %dma_start3A_952] : memref<4x64x129xf32, #tpu.memory_space<vmem>> -> memref<1x8x128xf32, #tpu.memory_space<vmem>>
      %dma_start3A_954 = tpu.memref_squeeze %dma_start3A_953 : memref<1x8x128xf32, #tpu.memory_space<vmem>> -> memref<8x128xf32, #tpu.memory_space<vmem>>
      %dma_start3A_955 = arith.constant 0 : i32
      %dma_start3A_956 = arith.constant 0 : i32
      %dma_start3A_957 = tpu.memref_slice %arg6[%select_n3A, %dma_start3A_950, %rem3A_854, %dma_start3A_955, %dma_start3A_956] : memref<50x8x128x8x128xf32, #tpu.memory_space<hbm>> -> memref<1x1x1x8x128xf32, #tpu.memory_space<hbm>>
      %dma_start3A_958 = tpu.memref_squeeze %dma_start3A_957 : memref<1x1x1x8x128xf32, #tpu.memory_space<hbm>> -> memref<8x128xf32, #tpu.memory_space<hbm>>
      %dma_start3A_959 = tpu.memref_slice %arg13[%and3A_814] : memref<4x!tpu.dma_semaphore, #tpu.memory_space<semaphore_mem>> -> memref<1x!tpu.dma_semaphore, #tpu.memory_space<semaphore_mem>>
      %dma_start3A_960 = tpu.memref_squeeze %dma_start3A_959 : memref<1x!tpu.dma_semaphore, #tpu.memory_space<semaphore_mem>> -> memref<!tpu.dma_semaphore, #tpu.memory_space<semaphore_mem>>
      %dma_start3A_961 = arith.constant 0 : i32
      %dma_start3A_962 = arith.constant 0 : i32
      %dma_start3A_963 = tpu.memref_slice %arg6[%select_n3A, %dma_start3A_950, %rem3A_854, %dma_start3A_961, %dma_start3A_962] : memref<50x8x128x8x128xf32, #tpu.memory_space<hbm>> -> memref<1x1x1x8x128xf32, #tpu.memory_space<hbm>>
      %dma_start3A_964 = tpu.memref_squeeze %dma_start3A_963 : memref<1x1x1x8x128xf32, #tpu.memory_space<hbm>> -> memref<8x128xf32, #tpu.memory_space<hbm>>
      %dma_start3A_965 = arith.constant 40 : i32
      %dma_start3A_966 = arith.constant 0 : i32
      %dma_start3A_967 = tpu.memref_slice %arg9[%and3A_814, %dma_start3A_965, %dma_start3A_966] : memref<4x64x129xf32, #tpu.memory_space<vmem>> -> memref<1x8x128xf32, #tpu.memory_space<vmem>>
      %dma_start3A_968 = tpu.memref_squeeze %dma_start3A_967 : memref<1x8x128xf32, #tpu.memory_space<vmem>> -> memref<8x128xf32, #tpu.memory_space<vmem>>
      tpu.enqueue_dma source(%dma_start3A_968 : memref<8x128xf32, #tpu.memory_space<vmem>>) target(%dma_start3A_964 : memref<8x128xf32, #tpu.memory_space<hbm>>) target_semaphore(%dma_start3A_960 : memref<!tpu.dma_semaphore, #tpu.memory_space<semaphore_mem>>)
      %dma_start3A_969 = arith.constant 6 : i32
      %dma_start3A_970 = arith.constant 48 : i32
      %dma_start3A_971 = arith.constant 0 : i32
      %dma_start3A_972 = tpu.memref_slice %arg9[%and3A_814, %dma_start3A_970, %dma_start3A_971] : memref<4x64x129xf32, #tpu.memory_space<vmem>> -> memref<1x8x128xf32, #tpu.memory_space<vmem>>
      %dma_start3A_973 = tpu.memref_squeeze %dma_start3A_972 : memref<1x8x128xf32, #tpu.memory_space<vmem>> -> memref<8x128xf32, #tpu.memory_space<vmem>>
      %dma_start3A_974 = arith.constant 0 : i32
      %dma_start3A_975 = arith.constant 0 : i32
      %dma_start3A_976 = tpu.memref_slice %arg6[%select_n3A, %dma_start3A_969, %rem3A_854, %dma_start3A_974, %dma_start3A_975] : memref<50x8x128x8x128xf32, #tpu.memory_space<hbm>> -> memref<1x1x1x8x128xf32, #tpu.memory_space<hbm>>
      %dma_start3A_977 = tpu.memref_squeeze %dma_start3A_976 : memref<1x1x1x8x128xf32, #tpu.memory_space<hbm>> -> memref<8x128xf32, #tpu.memory_space<hbm>>
      %dma_start3A_978 = tpu.memref_slice %arg13[%and3A_814] : memref<4x!tpu.dma_semaphore, #tpu.memory_space<semaphore_mem>> -> memref<1x!tpu.dma_semaphore, #tpu.memory_space<semaphore_mem>>
      %dma_start3A_979 = tpu.memref_squeeze %dma_start3A_978 : memref<1x!tpu.dma_semaphore, #tpu.memory_space<semaphore_mem>> -> memref<!tpu.dma_semaphore, #tpu.memory_space<semaphore_mem>>
      %dma_start3A_980 = arith.constant 0 : i32
      %dma_start3A_981 = arith.constant 0 : i32
      %dma_start3A_982 = tpu.memref_slice %arg6[%select_n3A, %dma_start3A_969, %rem3A_854, %dma_start3A_980, %dma_start3A_981] : memref<50x8x128x8x128xf32, #tpu.memory_space<hbm>> -> memref<1x1x1x8x128xf32, #tpu.memory_space<hbm>>
      %dma_start3A_983 = tpu.memref_squeeze %dma_start3A_982 : memref<1x1x1x8x128xf32, #tpu.memory_space<hbm>> -> memref<8x128xf32, #tpu.memory_space<hbm>>
      %dma_start3A_984 = arith.constant 48 : i32
      %dma_start3A_985 = arith.constant 0 : i32
      %dma_start3A_986 = tpu.memref_slice %arg9[%and3A_814, %dma_start3A_984, %dma_start3A_985] : memref<4x64x129xf32, #tpu.memory_space<vmem>> -> memref<1x8x128xf32, #tpu.memory_space<vmem>>
      %dma_start3A_987 = tpu.memref_squeeze %dma_start3A_986 : memref<1x8x128xf32, #tpu.memory_space<vmem>> -> memref<8x128xf32, #tpu.memory_space<vmem>>
      tpu.enqueue_dma source(%dma_start3A_987 : memref<8x128xf32, #tpu.memory_space<vmem>>) target(%dma_start3A_983 : memref<8x128xf32, #tpu.memory_space<hbm>>) target_semaphore(%dma_start3A_979 : memref<!tpu.dma_semaphore, #tpu.memory_space<semaphore_mem>>)
      %dma_start3A_988 = arith.constant 7 : i32
      %dma_start3A_989 = arith.constant 56 : i32
      %dma_start3A_990 = arith.constant 0 : i32
      %dma_start3A_991 = tpu.memref_slice %arg9[%and3A_814, %dma_start3A_989, %dma_start3A_990] : memref<4x64x129xf32, #tpu.memory_space<vmem>> -> memref<1x8x128xf32, #tpu.memory_space<vmem>>
      %dma_start3A_992 = tpu.memref_squeeze %dma_start3A_991 : memref<1x8x128xf32, #tpu.memory_space<vmem>> -> memref<8x128xf32, #tpu.memory_space<vmem>>
      %dma_start3A_993 = arith.constant 0 : i32
      %dma_start3A_994 = arith.constant 0 : i32
      %dma_start3A_995 = tpu.memref_slice %arg6[%select_n3A, %dma_start3A_988, %rem3A_854, %dma_start3A_993, %dma_start3A_994] : memref<50x8x128x8x128xf32, #tpu.memory_space<hbm>> -> memref<1x1x1x8x128xf32, #tpu.memory_space<hbm>>
      %dma_start3A_996 = tpu.memref_squeeze %dma_start3A_995 : memref<1x1x1x8x128xf32, #tpu.memory_space<hbm>> -> memref<8x128xf32, #tpu.memory_space<hbm>>
      %dma_start3A_997 = tpu.memref_slice %arg13[%and3A_814] : memref<4x!tpu.dma_semaphore, #tpu.memory_space<semaphore_mem>> -> memref<1x!tpu.dma_semaphore, #tpu.memory_space<semaphore_mem>>
      %dma_start3A_998 = tpu.memref_squeeze %dma_start3A_997 : memref<1x!tpu.dma_semaphore, #tpu.memory_space<semaphore_mem>> -> memref<!tpu.dma_semaphore, #tpu.memory_space<semaphore_mem>>
      %dma_start3A_999 = arith.constant 0 : i32
      %dma_start3A_1000 = arith.constant 0 : i32
      %dma_start3A_1001 = tpu.memref_slice %arg6[%select_n3A, %dma_start3A_988, %rem3A_854, %dma_start3A_999, %dma_start3A_1000] : memref<50x8x128x8x128xf32, #tpu.memory_space<hbm>> -> memref<1x1x1x8x128xf32, #tpu.memory_space<hbm>>
      %dma_start3A_1002 = tpu.memref_squeeze %dma_start3A_1001 : memref<1x1x1x8x128xf32, #tpu.memory_space<hbm>> -> memref<8x128xf32, #tpu.memory_space<hbm>>
      %dma_start3A_1003 = arith.constant 56 : i32
      %dma_start3A_1004 = arith.constant 0 : i32
      %dma_start3A_1005 = tpu.memref_slice %arg9[%and3A_814, %dma_start3A_1003, %dma_start3A_1004] : memref<4x64x129xf32, #tpu.memory_space<vmem>> -> memref<1x8x128xf32, #tpu.memory_space<vmem>>
      %dma_start3A_1006 = tpu.memref_squeeze %dma_start3A_1005 : memref<1x8x128xf32, #tpu.memory_space<vmem>> -> memref<8x128xf32, #tpu.memory_space<vmem>>
      tpu.enqueue_dma source(%dma_start3A_1006 : memref<8x128xf32, #tpu.memory_space<vmem>>) target(%dma_start3A_1002 : memref<8x128xf32, #tpu.memory_space<hbm>>) target_semaphore(%dma_start3A_998 : memref<!tpu.dma_semaphore, #tpu.memory_space<semaphore_mem>>)
      %add3A_1007 = arith.constant 2 : i32
      %add3A_1008 = arith.addi %scan3A_812, %add3A_1007 : i32
      %and3A_1009 = arith.constant 3 : i32
      %and3A_1010 = arith.andi %add3A_1008, %and3A_1009 : i32
      %lt3A = arith.constant 200 : i32
      %lt3A_1011 = arith.cmpi slt, %add3A_1008, %lt3A : i32
      %convert_element_type3A = arith.extui %lt3A_1011 : i1 to i32
      %cond3A = arith.constant 0 : i32
      %cond3A_1012 = arith.cmpi ne, %convert_element_type3A, %cond3A : i32
      scf.if %cond3A_1012 {
        %ge3A = arith.constant 2 : i32
        %ge3A_1014 = arith.cmpi sge, %scan3A_812, %ge3A : i32
        %convert_element_type3A_1015 = arith.extui %ge3A_1014 : i1 to i32
        %cond3A_1016 = arith.constant 0 : i32
        %cond3A_1017 = arith.cmpi ne, %convert_element_type3A_1015, %cond3A_1016 : i32
        scf.if %cond3A_1017 {
          %dma_wait3A_1030 = arith.constant 0 : i32
          %dma_wait3A_1031 = arith.constant 0 : i32
          %dma_wait3A_1032 = arith.constant 0 : i32
          %dma_wait3A_1033 = arith.constant 0 : i32
          %dma_wait3A_1034 = arith.constant 0 : i32
          %dma_wait3A_1035 = tpu.memref_slice %arg9[%and3A_1010, %dma_wait3A_1033, %dma_wait3A_1034] : memref<4x64x129xf32, #tpu.memory_space<vmem>> -> memref<1x8x128xf32, #tpu.memory_space<vmem>>
          %dma_wait3A_1036 = tpu.memref_squeeze %dma_wait3A_1035 : memref<1x8x128xf32, #tpu.memory_space<vmem>> -> memref<8x128xf32, #tpu.memory_space<vmem>>
          %dma_wait3A_1037 = arith.constant 0 : i32
          %dma_wait3A_1038 = arith.constant 0 : i32
          %dma_wait3A_1039 = tpu.memref_slice %arg6[%dma_wait3A_1030, %dma_wait3A_1031, %dma_wait3A_1032, %dma_wait3A_1037, %dma_wait3A_1038] : memref<50x8x128x8x128xf32, #tpu.memory_space<hbm>> -> memref<1x1x1x8x128xf32, #tpu.memory_space<hbm>>
          %dma_wait3A_1040 = tpu.memref_squeeze %dma_wait3A_1039 : memref<1x1x1x8x128xf32, #tpu.memory_space<hbm>> -> memref<8x128xf32, #tpu.memory_space<hbm>>
          %dma_wait3A_1041 = tpu.memref_slice %arg13[%and3A_1010] : memref<4x!tpu.dma_semaphore, #tpu.memory_space<semaphore_mem>> -> memref<1x!tpu.dma_semaphore, #tpu.memory_space<semaphore_mem>>
          %dma_wait3A_1042 = tpu.memref_squeeze %dma_wait3A_1041 : memref<1x!tpu.dma_semaphore, #tpu.memory_space<semaphore_mem>> -> memref<!tpu.dma_semaphore, #tpu.memory_space<semaphore_mem>>
          %dma_wait3A_1043 = arith.constant 0 : i32
          %dma_wait3A_1044 = arith.constant 0 : i32
          %dma_wait3A_1045 = tpu.memref_slice %arg6[%dma_wait3A_1030, %dma_wait3A_1031, %dma_wait3A_1032, %dma_wait3A_1043, %dma_wait3A_1044] : memref<50x8x128x8x128xf32, #tpu.memory_space<hbm>> -> memref<1x1x1x8x128xf32, #tpu.memory_space<hbm>>
          %dma_wait3A_1046 = tpu.memref_squeeze %dma_wait3A_1045 : memref<1x1x1x8x128xf32, #tpu.memory_space<hbm>> -> memref<8x128xf32, #tpu.memory_space<hbm>>
          %dma_wait3A_1047 = arith.constant 0 : i32
          %dma_wait3A_1048 = arith.constant 0 : i32
          %dma_wait3A_1049 = tpu.memref_slice %arg9[%and3A_1010, %dma_wait3A_1047, %dma_wait3A_1048] : memref<4x64x129xf32, #tpu.memory_space<vmem>> -> memref<1x8x128xf32, #tpu.memory_space<vmem>>
          %dma_wait3A_1050 = tpu.memref_squeeze %dma_wait3A_1049 : memref<1x8x128xf32, #tpu.memory_space<vmem>> -> memref<8x128xf32, #tpu.memory_space<vmem>>
          tpu.wait_dma2 semaphore(%dma_wait3A_1042 : memref<!tpu.dma_semaphore, #tpu.memory_space<semaphore_mem>>) src(%dma_wait3A_1050 : memref<8x128xf32, #tpu.memory_space<vmem>>) dst(%dma_wait3A_1046 : memref<8x128xf32, #tpu.memory_space<hbm>>)
          %dma_wait3A_1051 = arith.constant 0 : i32
          %dma_wait3A_1052 = arith.constant 0 : i32
          %dma_wait3A_1053 = arith.constant 0 : i32
          %dma_wait3A_1054 = arith.constant 0 : i32
          %dma_wait3A_1055 = arith.constant 0 : i32
          %dma_wait3A_1056 = tpu.memref_slice %arg9[%and3A_1010, %dma_wait3A_1054, %dma_wait3A_1055] : memref<4x64x129xf32, #tpu.memory_space<vmem>> -> memref<1x8x128xf32, #tpu.memory_space<vmem>>
          %dma_wait3A_1057 = tpu.memref_squeeze %dma_wait3A_1056 : memref<1x8x128xf32, #tpu.memory_space<vmem>> -> memref<8x128xf32, #tpu.memory_space<vmem>>
          %dma_wait3A_1058 = arith.constant 0 : i32
          %dma_wait3A_1059 = arith.constant 0 : i32
          %dma_wait3A_1060 = tpu.memref_slice %arg6[%dma_wait3A_1051, %dma_wait3A_1052, %dma_wait3A_1053, %dma_wait3A_1058, %dma_wait3A_1059] : memref<50x8x128x8x128xf32, #tpu.memory_space<hbm>> -> memref<1x1x1x8x128xf32, #tpu.memory_space<hbm>>
          %dma_wait3A_1061 = tpu.memref_squeeze %dma_wait3A_1060 : memref<1x1x1x8x128xf32, #tpu.memory_space<hbm>> -> memref<8x128xf32, #tpu.memory_space<hbm>>
          %dma_wait3A_1062 = tpu.memref_slice %arg13[%and3A_1010] : memref<4x!tpu.dma_semaphore, #tpu.memory_space<semaphore_mem>> -> memref<1x!tpu.dma_semaphore, #tpu.memory_space<semaphore_mem>>
          %dma_wait3A_1063 = tpu.memref_squeeze %dma_wait3A_1062 : memref<1x!tpu.dma_semaphore, #tpu.memory_space<semaphore_mem>> -> memref<!tpu.dma_semaphore, #tpu.memory_space<semaphore_mem>>
          %dma_wait3A_1064 = arith.constant 0 : i32
          %dma_wait3A_1065 = arith.constant 0 : i32
          %dma_wait3A_1066 = tpu.memref_slice %arg6[%dma_wait3A_1051, %dma_wait3A_1052, %dma_wait3A_1053, %dma_wait3A_1064, %dma_wait3A_1065] : memref<50x8x128x8x128xf32, #tpu.memory_space<hbm>> -> memref<1x1x1x8x128xf32, #tpu.memory_space<hbm>>
          %dma_wait3A_1067 = tpu.memref_squeeze %dma_wait3A_1066 : memref<1x1x1x8x128xf32, #tpu.memory_space<hbm>> -> memref<8x128xf32, #tpu.memory_space<hbm>>
          %dma_wait3A_1068 = arith.constant 0 : i32
          %dma_wait3A_1069 = arith.constant 0 : i32
          %dma_wait3A_1070 = tpu.memref_slice %arg9[%and3A_1010, %dma_wait3A_1068, %dma_wait3A_1069] : memref<4x64x129xf32, #tpu.memory_space<vmem>> -> memref<1x8x128xf32, #tpu.memory_space<vmem>>
          %dma_wait3A_1071 = tpu.memref_squeeze %dma_wait3A_1070 : memref<1x8x128xf32, #tpu.memory_space<vmem>> -> memref<8x128xf32, #tpu.memory_space<vmem>>
          tpu.wait_dma2 semaphore(%dma_wait3A_1063 : memref<!tpu.dma_semaphore, #tpu.memory_space<semaphore_mem>>) src(%dma_wait3A_1071 : memref<8x128xf32, #tpu.memory_space<vmem>>) dst(%dma_wait3A_1067 : memref<8x128xf32, #tpu.memory_space<hbm>>)
          %dma_wait3A_1072 = arith.constant 0 : i32
          %dma_wait3A_1073 = arith.constant 0 : i32
          %dma_wait3A_1074 = arith.constant 0 : i32
          %dma_wait3A_1075 = arith.constant 0 : i32
          %dma_wait3A_1076 = arith.constant 0 : i32
          %dma_wait3A_1077 = tpu.memref_slice %arg9[%and3A_1010, %dma_wait3A_1075, %dma_wait3A_1076] : memref<4x64x129xf32, #tpu.memory_space<vmem>> -> memref<1x8x128xf32, #tpu.memory_space<vmem>>
          %dma_wait3A_1078 = tpu.memref_squeeze %dma_wait3A_1077 : memref<1x8x128xf32, #tpu.memory_space<vmem>> -> memref<8x128xf32, #tpu.memory_space<vmem>>
          %dma_wait3A_1079 = arith.constant 0 : i32
          %dma_wait3A_1080 = arith.constant 0 : i32
          %dma_wait3A_1081 = tpu.memref_slice %arg6[%dma_wait3A_1072, %dma_wait3A_1073, %dma_wait3A_1074, %dma_wait3A_1079, %dma_wait3A_1080] : memref<50x8x128x8x128xf32, #tpu.memory_space<hbm>> -> memref<1x1x1x8x128xf32, #tpu.memory_space<hbm>>
          %dma_wait3A_1082 = tpu.memref_squeeze %dma_wait3A_1081 : memref<1x1x1x8x128xf32, #tpu.memory_space<hbm>> -> memref<8x128xf32, #tpu.memory_space<hbm>>
          %dma_wait3A_1083 = tpu.memref_slice %arg13[%and3A_1010] : memref<4x!tpu.dma_semaphore, #tpu.memory_space<semaphore_mem>> -> memref<1x!tpu.dma_semaphore, #tpu.memory_space<semaphore_mem>>
          %dma_wait3A_1084 = tpu.memref_squeeze %dma_wait3A_1083 : memref<1x!tpu.dma_semaphore, #tpu.memory_space<semaphore_mem>> -> memref<!tpu.dma_semaphore, #tpu.memory_space<semaphore_mem>>
          %dma_wait3A_1085 = arith.constant 0 : i32
          %dma_wait3A_1086 = arith.constant 0 : i32
          %dma_wait3A_1087 = tpu.memref_slice %arg6[%dma_wait3A_1072, %dma_wait3A_1073, %dma_wait3A_1074, %dma_wait3A_1085, %dma_wait3A_1086] : memref<50x8x128x8x128xf32, #tpu.memory_space<hbm>> -> memref<1x1x1x8x128xf32, #tpu.memory_space<hbm>>
          %dma_wait3A_1088 = tpu.memref_squeeze %dma_wait3A_1087 : memref<1x1x1x8x128xf32, #tpu.memory_space<hbm>> -> memref<8x128xf32, #tpu.memory_space<hbm>>
          %dma_wait3A_1089 = arith.constant 0 : i32
          %dma_wait3A_1090 = arith.constant 0 : i32
          %dma_wait3A_1091 = tpu.memref_slice %arg9[%and3A_1010, %dma_wait3A_1089, %dma_wait3A_1090] : memref<4x64x129xf32, #tpu.memory_space<vmem>> -> memref<1x8x128xf32, #tpu.memory_space<vmem>>
          %dma_wait3A_1092 = tpu.memref_squeeze %dma_wait3A_1091 : memref<1x8x128xf32, #tpu.memory_space<vmem>> -> memref<8x128xf32, #tpu.memory_space<vmem>>
          tpu.wait_dma2 semaphore(%dma_wait3A_1084 : memref<!tpu.dma_semaphore, #tpu.memory_space<semaphore_mem>>) src(%dma_wait3A_1092 : memref<8x128xf32, #tpu.memory_space<vmem>>) dst(%dma_wait3A_1088 : memref<8x128xf32, #tpu.memory_space<hbm>>)
          %dma_wait3A_1093 = arith.constant 0 : i32
          %dma_wait3A_1094 = arith.constant 0 : i32
          %dma_wait3A_1095 = arith.constant 0 : i32
          %dma_wait3A_1096 = arith.constant 0 : i32
          %dma_wait3A_1097 = arith.constant 0 : i32
          %dma_wait3A_1098 = tpu.memref_slice %arg9[%and3A_1010, %dma_wait3A_1096, %dma_wait3A_1097] : memref<4x64x129xf32, #tpu.memory_space<vmem>> -> memref<1x8x128xf32, #tpu.memory_space<vmem>>
          %dma_wait3A_1099 = tpu.memref_squeeze %dma_wait3A_1098 : memref<1x8x128xf32, #tpu.memory_space<vmem>> -> memref<8x128xf32, #tpu.memory_space<vmem>>
          %dma_wait3A_1100 = arith.constant 0 : i32
          %dma_wait3A_1101 = arith.constant 0 : i32
          %dma_wait3A_1102 = tpu.memref_slice %arg6[%dma_wait3A_1093, %dma_wait3A_1094, %dma_wait3A_1095, %dma_wait3A_1100, %dma_wait3A_1101] : memref<50x8x128x8x128xf32, #tpu.memory_space<hbm>> -> memref<1x1x1x8x128xf32, #tpu.memory_space<hbm>>
          %dma_wait3A_1103 = tpu.memref_squeeze %dma_wait3A_1102 : memref<1x1x1x8x128xf32, #tpu.memory_space<hbm>> -> memref<8x128xf32, #tpu.memory_space<hbm>>
          %dma_wait3A_1104 = tpu.memref_slice %arg13[%and3A_1010] : memref<4x!tpu.dma_semaphore, #tpu.memory_space<semaphore_mem>> -> memref<1x!tpu.dma_semaphore, #tpu.memory_space<semaphore_mem>>
          %dma_wait3A_1105 = tpu.memref_squeeze %dma_wait3A_1104 : memref<1x!tpu.dma_semaphore, #tpu.memory_space<semaphore_mem>> -> memref<!tpu.dma_semaphore, #tpu.memory_space<semaphore_mem>>
          %dma_wait3A_1106 = arith.constant 0 : i32
          %dma_wait3A_1107 = arith.constant 0 : i32
          %dma_wait3A_1108 = tpu.memref_slice %arg6[%dma_wait3A_1093, %dma_wait3A_1094, %dma_wait3A_1095, %dma_wait3A_1106, %dma_wait3A_1107] : memref<50x8x128x8x128xf32, #tpu.memory_space<hbm>> -> memref<1x1x1x8x128xf32, #tpu.memory_space<hbm>>
          %dma_wait3A_1109 = tpu.memref_squeeze %dma_wait3A_1108 : memref<1x1x1x8x128xf32, #tpu.memory_space<hbm>> -> memref<8x128xf32, #tpu.memory_space<hbm>>
          %dma_wait3A_1110 = arith.constant 0 : i32
          %dma_wait3A_1111 = arith.constant 0 : i32
          %dma_wait3A_1112 = tpu.memref_slice %arg9[%and3A_1010, %dma_wait3A_1110, %dma_wait3A_1111] : memref<4x64x129xf32, #tpu.memory_space<vmem>> -> memref<1x8x128xf32, #tpu.memory_space<vmem>>
          %dma_wait3A_1113 = tpu.memref_squeeze %dma_wait3A_1112 : memref<1x8x128xf32, #tpu.memory_space<vmem>> -> memref<8x128xf32, #tpu.memory_space<vmem>>
          tpu.wait_dma2 semaphore(%dma_wait3A_1105 : memref<!tpu.dma_semaphore, #tpu.memory_space<semaphore_mem>>) src(%dma_wait3A_1113 : memref<8x128xf32, #tpu.memory_space<vmem>>) dst(%dma_wait3A_1109 : memref<8x128xf32, #tpu.memory_space<hbm>>)
          %dma_wait3A_1114 = arith.constant 0 : i32
          %dma_wait3A_1115 = arith.constant 0 : i32
          %dma_wait3A_1116 = arith.constant 0 : i32
          %dma_wait3A_1117 = arith.constant 0 : i32
          %dma_wait3A_1118 = arith.constant 0 : i32
          %dma_wait3A_1119 = tpu.memref_slice %arg9[%and3A_1010, %dma_wait3A_1117, %dma_wait3A_1118] : memref<4x64x129xf32, #tpu.memory_space<vmem>> -> memref<1x8x128xf32, #tpu.memory_space<vmem>>
          %dma_wait3A_1120 = tpu.memref_squeeze %dma_wait3A_1119 : memref<1x8x128xf32, #tpu.memory_space<vmem>> -> memref<8x128xf32, #tpu.memory_space<vmem>>
          %dma_wait3A_1121 = arith.constant 0 : i32
          %dma_wait3A_1122 = arith.constant 0 : i32
          %dma_wait3A_1123 = tpu.memref_slice %arg6[%dma_wait3A_1114, %dma_wait3A_1115, %dma_wait3A_1116, %dma_wait3A_1121, %dma_wait3A_1122] : memref<50x8x128x8x128xf32, #tpu.memory_space<hbm>> -> memref<1x1x1x8x128xf32, #tpu.memory_space<hbm>>
          %dma_wait3A_1124 = tpu.memref_squeeze %dma_wait3A_1123 : memref<1x1x1x8x128xf32, #tpu.memory_space<hbm>> -> memref<8x128xf32, #tpu.memory_space<hbm>>
          %dma_wait3A_1125 = tpu.memref_slice %arg13[%and3A_1010] : memref<4x!tpu.dma_semaphore, #tpu.memory_space<semaphore_mem>> -> memref<1x!tpu.dma_semaphore, #tpu.memory_space<semaphore_mem>>
          %dma_wait3A_1126 = tpu.memref_squeeze %dma_wait3A_1125 : memref<1x!tpu.dma_semaphore, #tpu.memory_space<semaphore_mem>> -> memref<!tpu.dma_semaphore, #tpu.memory_space<semaphore_mem>>
          %dma_wait3A_1127 = arith.constant 0 : i32
          %dma_wait3A_1128 = arith.constant 0 : i32
          %dma_wait3A_1129 = tpu.memref_slice %arg6[%dma_wait3A_1114, %dma_wait3A_1115, %dma_wait3A_1116, %dma_wait3A_1127, %dma_wait3A_1128] : memref<50x8x128x8x128xf32, #tpu.memory_space<hbm>> -> memref<1x1x1x8x128xf32, #tpu.memory_space<hbm>>
          %dma_wait3A_1130 = tpu.memref_squeeze %dma_wait3A_1129 : memref<1x1x1x8x128xf32, #tpu.memory_space<hbm>> -> memref<8x128xf32, #tpu.memory_space<hbm>>
          %dma_wait3A_1131 = arith.constant 0 : i32
          %dma_wait3A_1132 = arith.constant 0 : i32
          %dma_wait3A_1133 = tpu.memref_slice %arg9[%and3A_1010, %dma_wait3A_1131, %dma_wait3A_1132] : memref<4x64x129xf32, #tpu.memory_space<vmem>> -> memref<1x8x128xf32, #tpu.memory_space<vmem>>
          %dma_wait3A_1134 = tpu.memref_squeeze %dma_wait3A_1133 : memref<1x8x128xf32, #tpu.memory_space<vmem>> -> memref<8x128xf32, #tpu.memory_space<vmem>>
          tpu.wait_dma2 semaphore(%dma_wait3A_1126 : memref<!tpu.dma_semaphore, #tpu.memory_space<semaphore_mem>>) src(%dma_wait3A_1134 : memref<8x128xf32, #tpu.memory_space<vmem>>) dst(%dma_wait3A_1130 : memref<8x128xf32, #tpu.memory_space<hbm>>)
          %dma_wait3A_1135 = arith.constant 0 : i32
          %dma_wait3A_1136 = arith.constant 0 : i32
          %dma_wait3A_1137 = arith.constant 0 : i32
          %dma_wait3A_1138 = arith.constant 0 : i32
          %dma_wait3A_1139 = arith.constant 0 : i32
          %dma_wait3A_1140 = tpu.memref_slice %arg9[%and3A_1010, %dma_wait3A_1138, %dma_wait3A_1139] : memref<4x64x129xf32, #tpu.memory_space<vmem>> -> memref<1x8x128xf32, #tpu.memory_space<vmem>>
          %dma_wait3A_1141 = tpu.memref_squeeze %dma_wait3A_1140 : memref<1x8x128xf32, #tpu.memory_space<vmem>> -> memref<8x128xf32, #tpu.memory_space<vmem>>
          %dma_wait3A_1142 = arith.constant 0 : i32
          %dma_wait3A_1143 = arith.constant 0 : i32
          %dma_wait3A_1144 = tpu.memref_slice %arg6[%dma_wait3A_1135, %dma_wait3A_1136, %dma_wait3A_1137, %dma_wait3A_1142, %dma_wait3A_1143] : memref<50x8x128x8x128xf32, #tpu.memory_space<hbm>> -> memref<1x1x1x8x128xf32, #tpu.memory_space<hbm>>
          %dma_wait3A_1145 = tpu.memref_squeeze %dma_wait3A_1144 : memref<1x1x1x8x128xf32, #tpu.memory_space<hbm>> -> memref<8x128xf32, #tpu.memory_space<hbm>>
          %dma_wait3A_1146 = tpu.memref_slice %arg13[%and3A_1010] : memref<4x!tpu.dma_semaphore, #tpu.memory_space<semaphore_mem>> -> memref<1x!tpu.dma_semaphore, #tpu.memory_space<semaphore_mem>>
          %dma_wait3A_1147 = tpu.memref_squeeze %dma_wait3A_1146 : memref<1x!tpu.dma_semaphore, #tpu.memory_space<semaphore_mem>> -> memref<!tpu.dma_semaphore, #tpu.memory_space<semaphore_mem>>
          %dma_wait3A_1148 = arith.constant 0 : i32
          %dma_wait3A_1149 = arith.constant 0 : i32
          %dma_wait3A_1150 = tpu.memref_slice %arg6[%dma_wait3A_1135, %dma_wait3A_1136, %dma_wait3A_1137, %dma_wait3A_1148, %dma_wait3A_1149] : memref<50x8x128x8x128xf32, #tpu.memory_space<hbm>> -> memref<1x1x1x8x128xf32, #tpu.memory_space<hbm>>
          %dma_wait3A_1151 = tpu.memref_squeeze %dma_wait3A_1150 : memref<1x1x1x8x128xf32, #tpu.memory_space<hbm>> -> memref<8x128xf32, #tpu.memory_space<hbm>>
          %dma_wait3A_1152 = arith.constant 0 : i32
          %dma_wait3A_1153 = arith.constant 0 : i32
          %dma_wait3A_1154 = tpu.memref_slice %arg9[%and3A_1010, %dma_wait3A_1152, %dma_wait3A_1153] : memref<4x64x129xf32, #tpu.memory_space<vmem>> -> memref<1x8x128xf32, #tpu.memory_space<vmem>>
          %dma_wait3A_1155 = tpu.memref_squeeze %dma_wait3A_1154 : memref<1x8x128xf32, #tpu.memory_space<vmem>> -> memref<8x128xf32, #tpu.memory_space<vmem>>
          tpu.wait_dma2 semaphore(%dma_wait3A_1147 : memref<!tpu.dma_semaphore, #tpu.memory_space<semaphore_mem>>) src(%dma_wait3A_1155 : memref<8x128xf32, #tpu.memory_space<vmem>>) dst(%dma_wait3A_1151 : memref<8x128xf32, #tpu.memory_space<hbm>>)
          %dma_wait3A_1156 = arith.constant 0 : i32
          %dma_wait3A_1157 = arith.constant 0 : i32
          %dma_wait3A_1158 = arith.constant 0 : i32
          %dma_wait3A_1159 = arith.constant 0 : i32
          %dma_wait3A_1160 = arith.constant 0 : i32
          %dma_wait3A_1161 = tpu.memref_slice %arg9[%and3A_1010, %dma_wait3A_1159, %dma_wait3A_1160] : memref<4x64x129xf32, #tpu.memory_space<vmem>> -> memref<1x8x128xf32, #tpu.memory_space<vmem>>
          %dma_wait3A_1162 = tpu.memref_squeeze %dma_wait3A_1161 : memref<1x8x128xf32, #tpu.memory_space<vmem>> -> memref<8x128xf32, #tpu.memory_space<vmem>>
          %dma_wait3A_1163 = arith.constant 0 : i32
          %dma_wait3A_1164 = arith.constant 0 : i32
          %dma_wait3A_1165 = tpu.memref_slice %arg6[%dma_wait3A_1156, %dma_wait3A_1157, %dma_wait3A_1158, %dma_wait3A_1163, %dma_wait3A_1164] : memref<50x8x128x8x128xf32, #tpu.memory_space<hbm>> -> memref<1x1x1x8x128xf32, #tpu.memory_space<hbm>>
          %dma_wait3A_1166 = tpu.memref_squeeze %dma_wait3A_1165 : memref<1x1x1x8x128xf32, #tpu.memory_space<hbm>> -> memref<8x128xf32, #tpu.memory_space<hbm>>
          %dma_wait3A_1167 = tpu.memref_slice %arg13[%and3A_1010] : memref<4x!tpu.dma_semaphore, #tpu.memory_space<semaphore_mem>> -> memref<1x!tpu.dma_semaphore, #tpu.memory_space<semaphore_mem>>
          %dma_wait3A_1168 = tpu.memref_squeeze %dma_wait3A_1167 : memref<1x!tpu.dma_semaphore, #tpu.memory_space<semaphore_mem>> -> memref<!tpu.dma_semaphore, #tpu.memory_space<semaphore_mem>>
          %dma_wait3A_1169 = arith.constant 0 : i32
          %dma_wait3A_1170 = arith.constant 0 : i32
          %dma_wait3A_1171 = tpu.memref_slice %arg6[%dma_wait3A_1156, %dma_wait3A_1157, %dma_wait3A_1158, %dma_wait3A_1169, %dma_wait3A_1170] : memref<50x8x128x8x128xf32, #tpu.memory_space<hbm>> -> memref<1x1x1x8x128xf32, #tpu.memory_space<hbm>>
          %dma_wait3A_1172 = tpu.memref_squeeze %dma_wait3A_1171 : memref<1x1x1x8x128xf32, #tpu.memory_space<hbm>> -> memref<8x128xf32, #tpu.memory_space<hbm>>
          %dma_wait3A_1173 = arith.constant 0 : i32
          %dma_wait3A_1174 = arith.constant 0 : i32
          %dma_wait3A_1175 = tpu.memref_slice %arg9[%and3A_1010, %dma_wait3A_1173, %dma_wait3A_1174] : memref<4x64x129xf32, #tpu.memory_space<vmem>> -> memref<1x8x128xf32, #tpu.memory_space<vmem>>
          %dma_wait3A_1176 = tpu.memref_squeeze %dma_wait3A_1175 : memref<1x8x128xf32, #tpu.memory_space<vmem>> -> memref<8x128xf32, #tpu.memory_space<vmem>>
          tpu.wait_dma2 semaphore(%dma_wait3A_1168 : memref<!tpu.dma_semaphore, #tpu.memory_space<semaphore_mem>>) src(%dma_wait3A_1176 : memref<8x128xf32, #tpu.memory_space<vmem>>) dst(%dma_wait3A_1172 : memref<8x128xf32, #tpu.memory_space<hbm>>)
          %dma_wait3A_1177 = arith.constant 0 : i32
          %dma_wait3A_1178 = arith.constant 0 : i32
          %dma_wait3A_1179 = arith.constant 0 : i32
          %dma_wait3A_1180 = arith.constant 0 : i32
          %dma_wait3A_1181 = arith.constant 0 : i32
          %dma_wait3A_1182 = tpu.memref_slice %arg9[%and3A_1010, %dma_wait3A_1180, %dma_wait3A_1181] : memref<4x64x129xf32, #tpu.memory_space<vmem>> -> memref<1x8x128xf32, #tpu.memory_space<vmem>>
          %dma_wait3A_1183 = tpu.memref_squeeze %dma_wait3A_1182 : memref<1x8x128xf32, #tpu.memory_space<vmem>> -> memref<8x128xf32, #tpu.memory_space<vmem>>
          %dma_wait3A_1184 = arith.constant 0 : i32
          %dma_wait3A_1185 = arith.constant 0 : i32
          %dma_wait3A_1186 = tpu.memref_slice %arg6[%dma_wait3A_1177, %dma_wait3A_1178, %dma_wait3A_1179, %dma_wait3A_1184, %dma_wait3A_1185] : memref<50x8x128x8x128xf32, #tpu.memory_space<hbm>> -> memref<1x1x1x8x128xf32, #tpu.memory_space<hbm>>
          %dma_wait3A_1187 = tpu.memref_squeeze %dma_wait3A_1186 : memref<1x1x1x8x128xf32, #tpu.memory_space<hbm>> -> memref<8x128xf32, #tpu.memory_space<hbm>>
          %dma_wait3A_1188 = tpu.memref_slice %arg13[%and3A_1010] : memref<4x!tpu.dma_semaphore, #tpu.memory_space<semaphore_mem>> -> memref<1x!tpu.dma_semaphore, #tpu.memory_space<semaphore_mem>>
          %dma_wait3A_1189 = tpu.memref_squeeze %dma_wait3A_1188 : memref<1x!tpu.dma_semaphore, #tpu.memory_space<semaphore_mem>> -> memref<!tpu.dma_semaphore, #tpu.memory_space<semaphore_mem>>
          %dma_wait3A_1190 = arith.constant 0 : i32
          %dma_wait3A_1191 = arith.constant 0 : i32
          %dma_wait3A_1192 = tpu.memref_slice %arg6[%dma_wait3A_1177, %dma_wait3A_1178, %dma_wait3A_1179, %dma_wait3A_1190, %dma_wait3A_1191] : memref<50x8x128x8x128xf32, #tpu.memory_space<hbm>> -> memref<1x1x1x8x128xf32, #tpu.memory_space<hbm>>
          %dma_wait3A_1193 = tpu.memref_squeeze %dma_wait3A_1192 : memref<1x1x1x8x128xf32, #tpu.memory_space<hbm>> -> memref<8x128xf32, #tpu.memory_space<hbm>>
          %dma_wait3A_1194 = arith.constant 0 : i32
          %dma_wait3A_1195 = arith.constant 0 : i32
          %dma_wait3A_1196 = tpu.memref_slice %arg9[%and3A_1010, %dma_wait3A_1194, %dma_wait3A_1195] : memref<4x64x129xf32, #tpu.memory_space<vmem>> -> memref<1x8x128xf32, #tpu.memory_space<vmem>>
          %dma_wait3A_1197 = tpu.memref_squeeze %dma_wait3A_1196 : memref<1x8x128xf32, #tpu.memory_space<vmem>> -> memref<8x128xf32, #tpu.memory_space<vmem>>
          tpu.wait_dma2 semaphore(%dma_wait3A_1189 : memref<!tpu.dma_semaphore, #tpu.memory_space<semaphore_mem>>) src(%dma_wait3A_1197 : memref<8x128xf32, #tpu.memory_space<vmem>>) dst(%dma_wait3A_1193 : memref<8x128xf32, #tpu.memory_space<hbm>>)
        } else {
        }
        %dma_start3A_1018 = arith.constant 0 : i32
        %dma_start3A_1019 = arith.constant 0 : i32
        %dma_start3A_1020 = tpu.memref_slice %arg8[%and3A_1010, %dma_start3A_1018, %dma_start3A_1019] : memref<4x128x128xf32, #tpu.memory_space<vmem>> -> memref<1x128x128xf32, #tpu.memory_space<vmem>>
        %dma_start3A_1021 = tpu.memref_squeeze %dma_start3A_1020 : memref<1x128x128xf32, #tpu.memory_space<vmem>> -> memref<128x128xf32, #tpu.memory_space<vmem>>
        %dma_start3A_1022 = arith.constant 0 : i32
        %dma_start3A_1023 = tpu.memref_slice %arg7[%add3A_1008, %dma_start3A_1022] : memref<200x128xi32, #tpu.memory_space<vmem>> -> memref<1x128xi32, #tpu.memory_space<vmem>>
        %dma_start3A_1024 = tpu.memref_squeeze %dma_start3A_1023 : memref<1x128xi32, #tpu.memory_space<vmem>> -> memref<128xi32, #tpu.memory_space<vmem>>
        %dma_start3A_1025 = arith.constant 0 : i32
        %dma_start3A_1026 = arith.constant 0 : i32
        %dma_start3A_1027 = tpu.memref_slice %arg3[%dma_start3A_1025, %dma_start3A_1026] : memref<1000000x128xf32, #tpu.memory_space<hbm>> -> memref<1000000x128xf32, #tpu.memory_space<hbm>>
        %dma_start3A_1028 = tpu.memref_slice %arg12[%and3A_1010] : memref<4x!tpu.dma_semaphore, #tpu.memory_space<semaphore_mem>> -> memref<1x!tpu.dma_semaphore, #tpu.memory_space<semaphore_mem>>
        %dma_start3A_1029 = tpu.memref_squeeze %dma_start3A_1028 : memref<1x!tpu.dma_semaphore, #tpu.memory_space<semaphore_mem>> -> memref<!tpu.dma_semaphore, #tpu.memory_space<semaphore_mem>>
        tpu.enqueue_indirect_dma source(%dma_start3A_1027 : memref<1000000x128xf32, #tpu.memory_space<hbm>>) target(%dma_start3A_1021 : memref<128x128xf32, #tpu.memory_space<vmem>>) offsets(%dma_start3A_1024 : memref<128xi32, #tpu.memory_space<vmem>>) semaphore(%dma_start3A_1029 : memref<!tpu.dma_semaphore, #tpu.memory_space<semaphore_mem>>)
      } else {
      }
      %scan3A_1013 = arith.constant 0 : i32
      scf.yield %scan3A_1013 : i32
    }
    %scan3A_76 = arith.constant 200 : i32
    %dma_wait3A = arith.constant 0 : i32
    %dma_wait3A_77 = arith.constant 0 : i32
    %dma_wait3A_78 = arith.constant 0 : i32
    %dma_wait3A_79 = arith.constant 0 : i32
    %dma_wait3A_80 = arith.constant 0 : i32
    %dma_wait3A_81 = arith.constant 0 : i32
    %dma_wait3A_82 = arith.constant 0 : i32
    %dma_wait3A_83 = tpu.memref_slice %arg9[%dma_wait3A, %dma_wait3A_81, %dma_wait3A_82] : memref<4x64x129xf32, #tpu.memory_space<vmem>> -> memref<1x8x128xf32, #tpu.memory_space<vmem>>
    %dma_wait3A_84 = tpu.memref_squeeze %dma_wait3A_83 : memref<1x8x128xf32, #tpu.memory_space<vmem>> -> memref<8x128xf32, #tpu.memory_space<vmem>>
    %dma_wait3A_85 = arith.constant 0 : i32
    %dma_wait3A_86 = arith.constant 0 : i32
    %dma_wait3A_87 = tpu.memref_slice %arg6[%dma_wait3A_77, %dma_wait3A_78, %dma_wait3A_79, %dma_wait3A_85, %dma_wait3A_86] : memref<50x8x128x8x128xf32, #tpu.memory_space<hbm>> -> memref<1x1x1x8x128xf32, #tpu.memory_space<hbm>>
    %dma_wait3A_88 = tpu.memref_squeeze %dma_wait3A_87 : memref<1x1x1x8x128xf32, #tpu.memory_space<hbm>> -> memref<8x128xf32, #tpu.memory_space<hbm>>
    %dma_wait3A_89 = tpu.memref_slice %arg13[%dma_wait3A_80] : memref<4x!tpu.dma_semaphore, #tpu.memory_space<semaphore_mem>> -> memref<1x!tpu.dma_semaphore, #tpu.memory_space<semaphore_mem>>
    %dma_wait3A_90 = tpu.memref_squeeze %dma_wait3A_89 : memref<1x!tpu.dma_semaphore, #tpu.memory_space<semaphore_mem>> -> memref<!tpu.dma_semaphore, #tpu.memory_space<semaphore_mem>>
    %dma_wait3A_91 = arith.constant 0 : i32
    %dma_wait3A_92 = arith.constant 0 : i32
    %dma_wait3A_93 = tpu.memref_slice %arg6[%dma_wait3A_77, %dma_wait3A_78, %dma_wait3A_79, %dma_wait3A_91, %dma_wait3A_92] : memref<50x8x128x8x128xf32, #tpu.memory_space<hbm>> -> memref<1x1x1x8x128xf32, #tpu.memory_space<hbm>>
    %dma_wait3A_94 = tpu.memref_squeeze %dma_wait3A_93 : memref<1x1x1x8x128xf32, #tpu.memory_space<hbm>> -> memref<8x128xf32, #tpu.memory_space<hbm>>
    %dma_wait3A_95 = arith.constant 0 : i32
    %dma_wait3A_96 = arith.constant 0 : i32
    %dma_wait3A_97 = tpu.memref_slice %arg9[%dma_wait3A, %dma_wait3A_95, %dma_wait3A_96] : memref<4x64x129xf32, #tpu.memory_space<vmem>> -> memref<1x8x128xf32, #tpu.memory_space<vmem>>
    %dma_wait3A_98 = tpu.memref_squeeze %dma_wait3A_97 : memref<1x8x128xf32, #tpu.memory_space<vmem>> -> memref<8x128xf32, #tpu.memory_space<vmem>>
    tpu.wait_dma2 semaphore(%dma_wait3A_90 : memref<!tpu.dma_semaphore, #tpu.memory_space<semaphore_mem>>) src(%dma_wait3A_98 : memref<8x128xf32, #tpu.memory_space<vmem>>) dst(%dma_wait3A_94 : memref<8x128xf32, #tpu.memory_space<hbm>>)
    %dma_wait3A_99 = arith.constant 0 : i32
    %dma_wait3A_100 = arith.constant 0 : i32
    %dma_wait3A_101 = arith.constant 0 : i32
    %dma_wait3A_102 = arith.constant 0 : i32
    %dma_wait3A_103 = arith.constant 0 : i32
    %dma_wait3A_104 = arith.constant 0 : i32
    %dma_wait3A_105 = arith.constant 0 : i32
    %dma_wait3A_106 = tpu.memref_slice %arg9[%dma_wait3A_99, %dma_wait3A_104, %dma_wait3A_105] : memref<4x64x129xf32, #tpu.memory_space<vmem>> -> memref<1x8x128xf32, #tpu.memory_space<vmem>>
    %dma_wait3A_107 = tpu.memref_squeeze %dma_wait3A_106 : memref<1x8x128xf32, #tpu.memory_space<vmem>> -> memref<8x128xf32, #tpu.memory_space<vmem>>
    %dma_wait3A_108 = arith.constant 0 : i32
    %dma_wait3A_109 = arith.constant 0 : i32
    %dma_wait3A_110 = tpu.memref_slice %arg6[%dma_wait3A_100, %dma_wait3A_101, %dma_wait3A_102, %dma_wait3A_108, %dma_wait3A_109] : memref<50x8x128x8x128xf32, #tpu.memory_space<hbm>> -> memref<1x1x1x8x128xf32, #tpu.memory_space<hbm>>
    %dma_wait3A_111 = tpu.memref_squeeze %dma_wait3A_110 : memref<1x1x1x8x128xf32, #tpu.memory_space<hbm>> -> memref<8x128xf32, #tpu.memory_space<hbm>>
    %dma_wait3A_112 = tpu.memref_slice %arg13[%dma_wait3A_103] : memref<4x!tpu.dma_semaphore, #tpu.memory_space<semaphore_mem>> -> memref<1x!tpu.dma_semaphore, #tpu.memory_space<semaphore_mem>>
    %dma_wait3A_113 = tpu.memref_squeeze %dma_wait3A_112 : memref<1x!tpu.dma_semaphore, #tpu.memory_space<semaphore_mem>> -> memref<!tpu.dma_semaphore, #tpu.memory_space<semaphore_mem>>
    %dma_wait3A_114 = arith.constant 0 : i32
    %dma_wait3A_115 = arith.constant 0 : i32
    %dma_wait3A_116 = tpu.memref_slice %arg6[%dma_wait3A_100, %dma_wait3A_101, %dma_wait3A_102, %dma_wait3A_114, %dma_wait3A_115] : memref<50x8x128x8x128xf32, #tpu.memory_space<hbm>> -> memref<1x1x1x8x128xf32, #tpu.memory_space<hbm>>
    %dma_wait3A_117 = tpu.memref_squeeze %dma_wait3A_116 : memref<1x1x1x8x128xf32, #tpu.memory_space<hbm>> -> memref<8x128xf32, #tpu.memory_space<hbm>>
    %dma_wait3A_118 = arith.constant 0 : i32
    %dma_wait3A_119 = arith.constant 0 : i32
    %dma_wait3A_120 = tpu.memref_slice %arg9[%dma_wait3A_99, %dma_wait3A_118, %dma_wait3A_119] : memref<4x64x129xf32, #tpu.memory_space<vmem>> -> memref<1x8x128xf32, #tpu.memory_space<vmem>>
    %dma_wait3A_121 = tpu.memref_squeeze %dma_wait3A_120 : memref<1x8x128xf32, #tpu.memory_space<vmem>> -> memref<8x128xf32, #tpu.memory_space<vmem>>
    tpu.wait_dma2 semaphore(%dma_wait3A_113 : memref<!tpu.dma_semaphore, #tpu.memory_space<semaphore_mem>>) src(%dma_wait3A_121 : memref<8x128xf32, #tpu.memory_space<vmem>>) dst(%dma_wait3A_117 : memref<8x128xf32, #tpu.memory_space<hbm>>)
    %dma_wait3A_122 = arith.constant 0 : i32
    %dma_wait3A_123 = arith.constant 0 : i32
    %dma_wait3A_124 = arith.constant 0 : i32
    %dma_wait3A_125 = arith.constant 0 : i32
    %dma_wait3A_126 = arith.constant 0 : i32
    %dma_wait3A_127 = arith.constant 0 : i32
    %dma_wait3A_128 = arith.constant 0 : i32
    %dma_wait3A_129 = tpu.memref_slice %arg9[%dma_wait3A_122, %dma_wait3A_127, %dma_wait3A_128] : memref<4x64x129xf32, #tpu.memory_space<vmem>> -> memref<1x8x128xf32, #tpu.memory_space<vmem>>
    %dma_wait3A_130 = tpu.memref_squeeze %dma_wait3A_129 : memref<1x8x128xf32, #tpu.memory_space<vmem>> -> memref<8x128xf32, #tpu.memory_space<vmem>>
    %dma_wait3A_131 = arith.constant 0 : i32
    %dma_wait3A_132 = arith.constant 0 : i32
    %dma_wait3A_133 = tpu.memref_slice %arg6[%dma_wait3A_123, %dma_wait3A_124, %dma_wait3A_125, %dma_wait3A_131, %dma_wait3A_132] : memref<50x8x128x8x128xf32, #tpu.memory_space<hbm>> -> memref<1x1x1x8x128xf32, #tpu.memory_space<hbm>>
    %dma_wait3A_134 = tpu.memref_squeeze %dma_wait3A_133 : memref<1x1x1x8x128xf32, #tpu.memory_space<hbm>> -> memref<8x128xf32, #tpu.memory_space<hbm>>
    %dma_wait3A_135 = tpu.memref_slice %arg13[%dma_wait3A_126] : memref<4x!tpu.dma_semaphore, #tpu.memory_space<semaphore_mem>> -> memref<1x!tpu.dma_semaphore, #tpu.memory_space<semaphore_mem>>
    %dma_wait3A_136 = tpu.memref_squeeze %dma_wait3A_135 : memref<1x!tpu.dma_semaphore, #tpu.memory_space<semaphore_mem>> -> memref<!tpu.dma_semaphore, #tpu.memory_space<semaphore_mem>>
    %dma_wait3A_137 = arith.constant 0 : i32
    %dma_wait3A_138 = arith.constant 0 : i32
    %dma_wait3A_139 = tpu.memref_slice %arg6[%dma_wait3A_123, %dma_wait3A_124, %dma_wait3A_125, %dma_wait3A_137, %dma_wait3A_138] : memref<50x8x128x8x128xf32, #tpu.memory_space<hbm>> -> memref<1x1x1x8x128xf32, #tpu.memory_space<hbm>>
    %dma_wait3A_140 = tpu.memref_squeeze %dma_wait3A_139 : memref<1x1x1x8x128xf32, #tpu.memory_space<hbm>> -> memref<8x128xf32, #tpu.memory_space<hbm>>
    %dma_wait3A_141 = arith.constant 0 : i32
    %dma_wait3A_142 = arith.constant 0 : i32
    %dma_wait3A_143 = tpu.memref_slice %arg9[%dma_wait3A_122, %dma_wait3A_141, %dma_wait3A_142] : memref<4x64x129xf32, #tpu.memory_space<vmem>> -> memref<1x8x128xf32, #tpu.memory_space<vmem>>
    %dma_wait3A_144 = tpu.memref_squeeze %dma_wait3A_143 : memref<1x8x128xf32, #tpu.memory_space<vmem>> -> memref<8x128xf32, #tpu.memory_space<vmem>>
    tpu.wait_dma2 semaphore(%dma_wait3A_136 : memref<!tpu.dma_semaphore, #tpu.memory_space<semaphore_mem>>) src(%dma_wait3A_144 : memref<8x128xf32, #tpu.memory_space<vmem>>) dst(%dma_wait3A_140 : memref<8x128xf32, #tpu.memory_space<hbm>>)
    %dma_wait3A_145 = arith.constant 0 : i32
    %dma_wait3A_146 = arith.constant 0 : i32
    %dma_wait3A_147 = arith.constant 0 : i32
    %dma_wait3A_148 = arith.constant 0 : i32
    %dma_wait3A_149 = arith.constant 0 : i32
    %dma_wait3A_150 = arith.constant 0 : i32
    %dma_wait3A_151 = arith.constant 0 : i32
    %dma_wait3A_152 = tpu.memref_slice %arg9[%dma_wait3A_145, %dma_wait3A_150, %dma_wait3A_151] : memref<4x64x129xf32, #tpu.memory_space<vmem>> -> memref<1x8x128xf32, #tpu.memory_space<vmem>>
    %dma_wait3A_153 = tpu.memref_squeeze %dma_wait3A_152 : memref<1x8x128xf32, #tpu.memory_space<vmem>> -> memref<8x128xf32, #tpu.memory_space<vmem>>
    %dma_wait3A_154 = arith.constant 0 : i32
    %dma_wait3A_155 = arith.constant 0 : i32
    %dma_wait3A_156 = tpu.memref_slice %arg6[%dma_wait3A_146, %dma_wait3A_147, %dma_wait3A_148, %dma_wait3A_154, %dma_wait3A_155] : memref<50x8x128x8x128xf32, #tpu.memory_space<hbm>> -> memref<1x1x1x8x128xf32, #tpu.memory_space<hbm>>
    %dma_wait3A_157 = tpu.memref_squeeze %dma_wait3A_156 : memref<1x1x1x8x128xf32, #tpu.memory_space<hbm>> -> memref<8x128xf32, #tpu.memory_space<hbm>>
    %dma_wait3A_158 = tpu.memref_slice %arg13[%dma_wait3A_149] : memref<4x!tpu.dma_semaphore, #tpu.memory_space<semaphore_mem>> -> memref<1x!tpu.dma_semaphore, #tpu.memory_space<semaphore_mem>>
    %dma_wait3A_159 = tpu.memref_squeeze %dma_wait3A_158 : memref<1x!tpu.dma_semaphore, #tpu.memory_space<semaphore_mem>> -> memref<!tpu.dma_semaphore, #tpu.memory_space<semaphore_mem>>
    %dma_wait3A_160 = arith.constant 0 : i32
    %dma_wait3A_161 = arith.constant 0 : i32
    %dma_wait3A_162 = tpu.memref_slice %arg6[%dma_wait3A_146, %dma_wait3A_147, %dma_wait3A_148, %dma_wait3A_160, %dma_wait3A_161] : memref<50x8x128x8x128xf32, #tpu.memory_space<hbm>> -> memref<1x1x1x8x128xf32, #tpu.memory_space<hbm>>
    %dma_wait3A_163 = tpu.memref_squeeze %dma_wait3A_162 : memref<1x1x1x8x128xf32, #tpu.memory_space<hbm>> -> memref<8x128xf32, #tpu.memory_space<hbm>>
    %dma_wait3A_164 = arith.constant 0 : i32
    %dma_wait3A_165 = arith.constant 0 : i32
    %dma_wait3A_166 = tpu.memref_slice %arg9[%dma_wait3A_145, %dma_wait3A_164, %dma_wait3A_165] : memref<4x64x129xf32, #tpu.memory_space<vmem>> -> memref<1x8x128xf32, #tpu.memory_space<vmem>>
    %dma_wait3A_167 = tpu.memref_squeeze %dma_wait3A_166 : memref<1x8x128xf32, #tpu.memory_space<vmem>> -> memref<8x128xf32, #tpu.memory_space<vmem>>
    tpu.wait_dma2 semaphore(%dma_wait3A_159 : memref<!tpu.dma_semaphore, #tpu.memory_space<semaphore_mem>>) src(%dma_wait3A_167 : memref<8x128xf32, #tpu.memory_space<vmem>>) dst(%dma_wait3A_163 : memref<8x128xf32, #tpu.memory_space<hbm>>)
    %dma_wait3A_168 = arith.constant 0 : i32
    %dma_wait3A_169 = arith.constant 0 : i32
    %dma_wait3A_170 = arith.constant 0 : i32
    %dma_wait3A_171 = arith.constant 0 : i32
    %dma_wait3A_172 = arith.constant 0 : i32
    %dma_wait3A_173 = arith.constant 0 : i32
    %dma_wait3A_174 = arith.constant 0 : i32
    %dma_wait3A_175 = tpu.memref_slice %arg9[%dma_wait3A_168, %dma_wait3A_173, %dma_wait3A_174] : memref<4x64x129xf32, #tpu.memory_space<vmem>> -> memref<1x8x128xf32, #tpu.memory_space<vmem>>
    %dma_wait3A_176 = tpu.memref_squeeze %dma_wait3A_175 : memref<1x8x128xf32, #tpu.memory_space<vmem>> -> memref<8x128xf32, #tpu.memory_space<vmem>>
    %dma_wait3A_177 = arith.constant 0 : i32
    %dma_wait3A_178 = arith.constant 0 : i32
    %dma_wait3A_179 = tpu.memref_slice %arg6[%dma_wait3A_169, %dma_wait3A_170, %dma_wait3A_171, %dma_wait3A_177, %dma_wait3A_178] : memref<50x8x128x8x128xf32, #tpu.memory_space<hbm>> -> memref<1x1x1x8x128xf32, #tpu.memory_space<hbm>>
    %dma_wait3A_180 = tpu.memref_squeeze %dma_wait3A_179 : memref<1x1x1x8x128xf32, #tpu.memory_space<hbm>> -> memref<8x128xf32, #tpu.memory_space<hbm>>
    %dma_wait3A_181 = tpu.memref_slice %arg13[%dma_wait3A_172] : memref<4x!tpu.dma_semaphore, #tpu.memory_space<semaphore_mem>> -> memref<1x!tpu.dma_semaphore, #tpu.memory_space<semaphore_mem>>
    %dma_wait3A_182 = tpu.memref_squeeze %dma_wait3A_181 : memref<1x!tpu.dma_semaphore, #tpu.memory_space<semaphore_mem>> -> memref<!tpu.dma_semaphore, #tpu.memory_space<semaphore_mem>>
    %dma_wait3A_183 = arith.constant 0 : i32
    %dma_wait3A_184 = arith.constant 0 : i32
    %dma_wait3A_185 = tpu.memref_slice %arg6[%dma_wait3A_169, %dma_wait3A_170, %dma_wait3A_171, %dma_wait3A_183, %dma_wait3A_184] : memref<50x8x128x8x128xf32, #tpu.memory_space<hbm>> -> memref<1x1x1x8x128xf32, #tpu.memory_space<hbm>>
    %dma_wait3A_186 = tpu.memref_squeeze %dma_wait3A_185 : memref<1x1x1x8x128xf32, #tpu.memory_space<hbm>> -> memref<8x128xf32, #tpu.memory_space<hbm>>
    %dma_wait3A_187 = arith.constant 0 : i32
    %dma_wait3A_188 = arith.constant 0 : i32
    %dma_wait3A_189 = tpu.memref_slice %arg9[%dma_wait3A_168, %dma_wait3A_187, %dma_wait3A_188] : memref<4x64x129xf32, #tpu.memory_space<vmem>> -> memref<1x8x128xf32, #tpu.memory_space<vmem>>
    %dma_wait3A_190 = tpu.memref_squeeze %dma_wait3A_189 : memref<1x8x128xf32, #tpu.memory_space<vmem>> -> memref<8x128xf32, #tpu.memory_space<vmem>>
    tpu.wait_dma2 semaphore(%dma_wait3A_182 : memref<!tpu.dma_semaphore, #tpu.memory_space<semaphore_mem>>) src(%dma_wait3A_190 : memref<8x128xf32, #tpu.memory_space<vmem>>) dst(%dma_wait3A_186 : memref<8x128xf32, #tpu.memory_space<hbm>>)
    %dma_wait3A_191 = arith.constant 0 : i32
    %dma_wait3A_192 = arith.constant 0 : i32
    %dma_wait3A_193 = arith.constant 0 : i32
    %dma_wait3A_194 = arith.constant 0 : i32
    %dma_wait3A_195 = arith.constant 0 : i32
    %dma_wait3A_196 = arith.constant 0 : i32
    %dma_wait3A_197 = arith.constant 0 : i32
    %dma_wait3A_198 = tpu.memref_slice %arg9[%dma_wait3A_191, %dma_wait3A_196, %dma_wait3A_197] : memref<4x64x129xf32, #tpu.memory_space<vmem>> -> memref<1x8x128xf32, #tpu.memory_space<vmem>>
    %dma_wait3A_199 = tpu.memref_squeeze %dma_wait3A_198 : memref<1x8x128xf32, #tpu.memory_space<vmem>> -> memref<8x128xf32, #tpu.memory_space<vmem>>
    %dma_wait3A_200 = arith.constant 0 : i32
    %dma_wait3A_201 = arith.constant 0 : i32
    %dma_wait3A_202 = tpu.memref_slice %arg6[%dma_wait3A_192, %dma_wait3A_193, %dma_wait3A_194, %dma_wait3A_200, %dma_wait3A_201] : memref<50x8x128x8x128xf32, #tpu.memory_space<hbm>> -> memref<1x1x1x8x128xf32, #tpu.memory_space<hbm>>
    %dma_wait3A_203 = tpu.memref_squeeze %dma_wait3A_202 : memref<1x1x1x8x128xf32, #tpu.memory_space<hbm>> -> memref<8x128xf32, #tpu.memory_space<hbm>>
    %dma_wait3A_204 = tpu.memref_slice %arg13[%dma_wait3A_195] : memref<4x!tpu.dma_semaphore, #tpu.memory_space<semaphore_mem>> -> memref<1x!tpu.dma_semaphore, #tpu.memory_space<semaphore_mem>>
    %dma_wait3A_205 = tpu.memref_squeeze %dma_wait3A_204 : memref<1x!tpu.dma_semaphore, #tpu.memory_space<semaphore_mem>> -> memref<!tpu.dma_semaphore, #tpu.memory_space<semaphore_mem>>
    %dma_wait3A_206 = arith.constant 0 : i32
    %dma_wait3A_207 = arith.constant 0 : i32
    %dma_wait3A_208 = tpu.memref_slice %arg6[%dma_wait3A_192, %dma_wait3A_193, %dma_wait3A_194, %dma_wait3A_206, %dma_wait3A_207] : memref<50x8x128x8x128xf32, #tpu.memory_space<hbm>> -> memref<1x1x1x8x128xf32, #tpu.memory_space<hbm>>
    %dma_wait3A_209 = tpu.memref_squeeze %dma_wait3A_208 : memref<1x1x1x8x128xf32, #tpu.memory_space<hbm>> -> memref<8x128xf32, #tpu.memory_space<hbm>>
    %dma_wait3A_210 = arith.constant 0 : i32
    %dma_wait3A_211 = arith.constant 0 : i32
    %dma_wait3A_212 = tpu.memref_slice %arg9[%dma_wait3A_191, %dma_wait3A_210, %dma_wait3A_211] : memref<4x64x129xf32, #tpu.memory_space<vmem>> -> memref<1x8x128xf32, #tpu.memory_space<vmem>>
    %dma_wait3A_213 = tpu.memref_squeeze %dma_wait3A_212 : memref<1x8x128xf32, #tpu.memory_space<vmem>> -> memref<8x128xf32, #tpu.memory_space<vmem>>
    tpu.wait_dma2 semaphore(%dma_wait3A_205 : memref<!tpu.dma_semaphore, #tpu.memory_space<semaphore_mem>>) src(%dma_wait3A_213 : memref<8x128xf32, #tpu.memory_space<vmem>>) dst(%dma_wait3A_209 : memref<8x128xf32, #tpu.memory_space<hbm>>)
    %dma_wait3A_214 = arith.constant 0 : i32
    %dma_wait3A_215 = arith.constant 0 : i32
    %dma_wait3A_216 = arith.constant 0 : i32
    %dma_wait3A_217 = arith.constant 0 : i32
    %dma_wait3A_218 = arith.constant 0 : i32
    %dma_wait3A_219 = arith.constant 0 : i32
    %dma_wait3A_220 = arith.constant 0 : i32
    %dma_wait3A_221 = tpu.memref_slice %arg9[%dma_wait3A_214, %dma_wait3A_219, %dma_wait3A_220] : memref<4x64x129xf32, #tpu.memory_space<vmem>> -> memref<1x8x128xf32, #tpu.memory_space<vmem>>
    %dma_wait3A_222 = tpu.memref_squeeze %dma_wait3A_221 : memref<1x8x128xf32, #tpu.memory_space<vmem>> -> memref<8x128xf32, #tpu.memory_space<vmem>>
    %dma_wait3A_223 = arith.constant 0 : i32
    %dma_wait3A_224 = arith.constant 0 : i32
    %dma_wait3A_225 = tpu.memref_slice %arg6[%dma_wait3A_215, %dma_wait3A_216, %dma_wait3A_217, %dma_wait3A_223, %dma_wait3A_224] : memref<50x8x128x8x128xf32, #tpu.memory_space<hbm>> -> memref<1x1x1x8x128xf32, #tpu.memory_space<hbm>>
    %dma_wait3A_226 = tpu.memref_squeeze %dma_wait3A_225 : memref<1x1x1x8x128xf32, #tpu.memory_space<hbm>> -> memref<8x128xf32, #tpu.memory_space<hbm>>
    %dma_wait3A_227 = tpu.memref_slice %arg13[%dma_wait3A_218] : memref<4x!tpu.dma_semaphore, #tpu.memory_space<semaphore_mem>> -> memref<1x!tpu.dma_semaphore, #tpu.memory_space<semaphore_mem>>
    %dma_wait3A_228 = tpu.memref_squeeze %dma_wait3A_227 : memref<1x!tpu.dma_semaphore, #tpu.memory_space<semaphore_mem>> -> memref<!tpu.dma_semaphore, #tpu.memory_space<semaphore_mem>>
    %dma_wait3A_229 = arith.constant 0 : i32
    %dma_wait3A_230 = arith.constant 0 : i32
    %dma_wait3A_231 = tpu.memref_slice %arg6[%dma_wait3A_215, %dma_wait3A_216, %dma_wait3A_217, %dma_wait3A_229, %dma_wait3A_230] : memref<50x8x128x8x128xf32, #tpu.memory_space<hbm>> -> memref<1x1x1x8x128xf32, #tpu.memory_space<hbm>>
    %dma_wait3A_232 = tpu.memref_squeeze %dma_wait3A_231 : memref<1x1x1x8x128xf32, #tpu.memory_space<hbm>> -> memref<8x128xf32, #tpu.memory_space<hbm>>
    %dma_wait3A_233 = arith.constant 0 : i32
    %dma_wait3A_234 = arith.constant 0 : i32
    %dma_wait3A_235 = tpu.memref_slice %arg9[%dma_wait3A_214, %dma_wait3A_233, %dma_wait3A_234] : memref<4x64x129xf32, #tpu.memory_space<vmem>> -> memref<1x8x128xf32, #tpu.memory_space<vmem>>
    %dma_wait3A_236 = tpu.memref_squeeze %dma_wait3A_235 : memref<1x8x128xf32, #tpu.memory_space<vmem>> -> memref<8x128xf32, #tpu.memory_space<vmem>>
    tpu.wait_dma2 semaphore(%dma_wait3A_228 : memref<!tpu.dma_semaphore, #tpu.memory_space<semaphore_mem>>) src(%dma_wait3A_236 : memref<8x128xf32, #tpu.memory_space<vmem>>) dst(%dma_wait3A_232 : memref<8x128xf32, #tpu.memory_space<hbm>>)
    %dma_wait3A_237 = arith.constant 0 : i32
    %dma_wait3A_238 = arith.constant 0 : i32
    %dma_wait3A_239 = arith.constant 0 : i32
    %dma_wait3A_240 = arith.constant 0 : i32
    %dma_wait3A_241 = arith.constant 0 : i32
    %dma_wait3A_242 = arith.constant 0 : i32
    %dma_wait3A_243 = arith.constant 0 : i32
    %dma_wait3A_244 = tpu.memref_slice %arg9[%dma_wait3A_237, %dma_wait3A_242, %dma_wait3A_243] : memref<4x64x129xf32, #tpu.memory_space<vmem>> -> memref<1x8x128xf32, #tpu.memory_space<vmem>>
    %dma_wait3A_245 = tpu.memref_squeeze %dma_wait3A_244 : memref<1x8x128xf32, #tpu.memory_space<vmem>> -> memref<8x128xf32, #tpu.memory_space<vmem>>
    %dma_wait3A_246 = arith.constant 0 : i32
    %dma_wait3A_247 = arith.constant 0 : i32
    %dma_wait3A_248 = tpu.memref_slice %arg6[%dma_wait3A_238, %dma_wait3A_239, %dma_wait3A_240, %dma_wait3A_246, %dma_wait3A_247] : memref<50x8x128x8x128xf32, #tpu.memory_space<hbm>> -> memref<1x1x1x8x128xf32, #tpu.memory_space<hbm>>
    %dma_wait3A_249 = tpu.memref_squeeze %dma_wait3A_248 : memref<1x1x1x8x128xf32, #tpu.memory_space<hbm>> -> memref<8x128xf32, #tpu.memory_space<hbm>>
    %dma_wait3A_250 = tpu.memref_slice %arg13[%dma_wait3A_241] : memref<4x!tpu.dma_semaphore, #tpu.memory_space<semaphore_mem>> -> memref<1x!tpu.dma_semaphore, #tpu.memory_space<semaphore_mem>>
    %dma_wait3A_251 = tpu.memref_squeeze %dma_wait3A_250 : memref<1x!tpu.dma_semaphore, #tpu.memory_space<semaphore_mem>> -> memref<!tpu.dma_semaphore, #tpu.memory_space<semaphore_mem>>
    %dma_wait3A_252 = arith.constant 0 : i32
    %dma_wait3A_253 = arith.constant 0 : i32
    %dma_wait3A_254 = tpu.memref_slice %arg6[%dma_wait3A_238, %dma_wait3A_239, %dma_wait3A_240, %dma_wait3A_252, %dma_wait3A_253] : memref<50x8x128x8x128xf32, #tpu.memory_space<hbm>> -> memref<1x1x1x8x128xf32, #tpu.memory_space<hbm>>
    %dma_wait3A_255 = tpu.memref_squeeze %dma_wait3A_254 : memref<1x1x1x8x128xf32, #tpu.memory_space<hbm>> -> memref<8x128xf32, #tpu.memory_space<hbm>>
    %dma_wait3A_256 = arith.constant 0 : i32
    %dma_wait3A_257 = arith.constant 0 : i32
    %dma_wait3A_258 = tpu.memref_slice %arg9[%dma_wait3A_237, %dma_wait3A_256, %dma_wait3A_257] : memref<4x64x129xf32, #tpu.memory_space<vmem>> -> memref<1x8x128xf32, #tpu.memory_space<vmem>>
    %dma_wait3A_259 = tpu.memref_squeeze %dma_wait3A_258 : memref<1x8x128xf32, #tpu.memory_space<vmem>> -> memref<8x128xf32, #tpu.memory_space<vmem>>
    tpu.wait_dma2 semaphore(%dma_wait3A_251 : memref<!tpu.dma_semaphore, #tpu.memory_space<semaphore_mem>>) src(%dma_wait3A_259 : memref<8x128xf32, #tpu.memory_space<vmem>>) dst(%dma_wait3A_255 : memref<8x128xf32, #tpu.memory_space<hbm>>)
    %dma_wait3A_260 = arith.constant 1 : i32
    %dma_wait3A_261 = arith.constant 0 : i32
    %dma_wait3A_262 = arith.constant 0 : i32
    %dma_wait3A_263 = arith.constant 0 : i32
    %dma_wait3A_264 = arith.constant 1 : i32
    %dma_wait3A_265 = arith.constant 0 : i32
    %dma_wait3A_266 = arith.constant 0 : i32
    %dma_wait3A_267 = tpu.memref_slice %arg9[%dma_wait3A_260, %dma_wait3A_265, %dma_wait3A_266] : memref<4x64x129xf32, #tpu.memory_space<vmem>> -> memref<1x8x128xf32, #tpu.memory_space<vmem>>
    %dma_wait3A_268 = tpu.memref_squeeze %dma_wait3A_267 : memref<1x8x128xf32, #tpu.memory_space<vmem>> -> memref<8x128xf32, #tpu.memory_space<vmem>>
    %dma_wait3A_269 = arith.constant 0 : i32
    %dma_wait3A_270 = arith.constant 0 : i32
    %dma_wait3A_271 = tpu.memref_slice %arg6[%dma_wait3A_261, %dma_wait3A_262, %dma_wait3A_263, %dma_wait3A_269, %dma_wait3A_270] : memref<50x8x128x8x128xf32, #tpu.memory_space<hbm>> -> memref<1x1x1x8x128xf32, #tpu.memory_space<hbm>>
    %dma_wait3A_272 = tpu.memref_squeeze %dma_wait3A_271 : memref<1x1x1x8x128xf32, #tpu.memory_space<hbm>> -> memref<8x128xf32, #tpu.memory_space<hbm>>
    %dma_wait3A_273 = tpu.memref_slice %arg13[%dma_wait3A_264] : memref<4x!tpu.dma_semaphore, #tpu.memory_space<semaphore_mem>> -> memref<1x!tpu.dma_semaphore, #tpu.memory_space<semaphore_mem>>
    %dma_wait3A_274 = tpu.memref_squeeze %dma_wait3A_273 : memref<1x!tpu.dma_semaphore, #tpu.memory_space<semaphore_mem>> -> memref<!tpu.dma_semaphore, #tpu.memory_space<semaphore_mem>>
    %dma_wait3A_275 = arith.constant 0 : i32
    %dma_wait3A_276 = arith.constant 0 : i32
    %dma_wait3A_277 = tpu.memref_slice %arg6[%dma_wait3A_261, %dma_wait3A_262, %dma_wait3A_263, %dma_wait3A_275, %dma_wait3A_276] : memref<50x8x128x8x128xf32, #tpu.memory_space<hbm>> -> memref<1x1x1x8x128xf32, #tpu.memory_space<hbm>>
    %dma_wait3A_278 = tpu.memref_squeeze %dma_wait3A_277 : memref<1x1x1x8x128xf32, #tpu.memory_space<hbm>> -> memref<8x128xf32, #tpu.memory_space<hbm>>
    %dma_wait3A_279 = arith.constant 0 : i32
    %dma_wait3A_280 = arith.constant 0 : i32
    %dma_wait3A_281 = tpu.memref_slice %arg9[%dma_wait3A_260, %dma_wait3A_279, %dma_wait3A_280] : memref<4x64x129xf32, #tpu.memory_space<vmem>> -> memref<1x8x128xf32, #tpu.memory_space<vmem>>
    %dma_wait3A_282 = tpu.memref_squeeze %dma_wait3A_281 : memref<1x8x128xf32, #tpu.memory_space<vmem>> -> memref<8x128xf32, #tpu.memory_space<vmem>>
    tpu.wait_dma2 semaphore(%dma_wait3A_274 : memref<!tpu.dma_semaphore, #tpu.memory_space<semaphore_mem>>) src(%dma_wait3A_282 : memref<8x128xf32, #tpu.memory_space<vmem>>) dst(%dma_wait3A_278 : memref<8x128xf32, #tpu.memory_space<hbm>>)
    %dma_wait3A_283 = arith.constant 1 : i32
    %dma_wait3A_284 = arith.constant 0 : i32
    %dma_wait3A_285 = arith.constant 0 : i32
    %dma_wait3A_286 = arith.constant 0 : i32
    %dma_wait3A_287 = arith.constant 1 : i32
    %dma_wait3A_288 = arith.constant 0 : i32
    %dma_wait3A_289 = arith.constant 0 : i32
    %dma_wait3A_290 = tpu.memref_slice %arg9[%dma_wait3A_283, %dma_wait3A_288, %dma_wait3A_289] : memref<4x64x129xf32, #tpu.memory_space<vmem>> -> memref<1x8x128xf32, #tpu.memory_space<vmem>>
    %dma_wait3A_291 = tpu.memref_squeeze %dma_wait3A_290 : memref<1x8x128xf32, #tpu.memory_space<vmem>> -> memref<8x128xf32, #tpu.memory_space<vmem>>
    %dma_wait3A_292 = arith.constant 0 : i32
    %dma_wait3A_293 = arith.constant 0 : i32
    %dma_wait3A_294 = tpu.memref_slice %arg6[%dma_wait3A_284, %dma_wait3A_285, %dma_wait3A_286, %dma_wait3A_292, %dma_wait3A_293] : memref<50x8x128x8x128xf32, #tpu.memory_space<hbm>> -> memref<1x1x1x8x128xf32, #tpu.memory_space<hbm>>
    %dma_wait3A_295 = tpu.memref_squeeze %dma_wait3A_294 : memref<1x1x1x8x128xf32, #tpu.memory_space<hbm>> -> memref<8x128xf32, #tpu.memory_space<hbm>>
    %dma_wait3A_296 = tpu.memref_slice %arg13[%dma_wait3A_287] : memref<4x!tpu.dma_semaphore, #tpu.memory_space<semaphore_mem>> -> memref<1x!tpu.dma_semaphore, #tpu.memory_space<semaphore_mem>>
    %dma_wait3A_297 = tpu.memref_squeeze %dma_wait3A_296 : memref<1x!tpu.dma_semaphore, #tpu.memory_space<semaphore_mem>> -> memref<!tpu.dma_semaphore, #tpu.memory_space<semaphore_mem>>
    %dma_wait3A_298 = arith.constant 0 : i32
    %dma_wait3A_299 = arith.constant 0 : i32
    %dma_wait3A_300 = tpu.memref_slice %arg6[%dma_wait3A_284, %dma_wait3A_285, %dma_wait3A_286, %dma_wait3A_298, %dma_wait3A_299] : memref<50x8x128x8x128xf32, #tpu.memory_space<hbm>> -> memref<1x1x1x8x128xf32, #tpu.memory_space<hbm>>
    %dma_wait3A_301 = tpu.memref_squeeze %dma_wait3A_300 : memref<1x1x1x8x128xf32, #tpu.memory_space<hbm>> -> memref<8x128xf32, #tpu.memory_space<hbm>>
    %dma_wait3A_302 = arith.constant 0 : i32
    %dma_wait3A_303 = arith.constant 0 : i32
    %dma_wait3A_304 = tpu.memref_slice %arg9[%dma_wait3A_283, %dma_wait3A_302, %dma_wait3A_303] : memref<4x64x129xf32, #tpu.memory_space<vmem>> -> memref<1x8x128xf32, #tpu.memory_space<vmem>>
    %dma_wait3A_305 = tpu.memref_squeeze %dma_wait3A_304 : memref<1x8x128xf32, #tpu.memory_space<vmem>> -> memref<8x128xf32, #tpu.memory_space<vmem>>
    tpu.wait_dma2 semaphore(%dma_wait3A_297 : memref<!tpu.dma_semaphore, #tpu.memory_space<semaphore_mem>>) src(%dma_wait3A_305 : memref<8x128xf32, #tpu.memory_space<vmem>>) dst(%dma_wait3A_301 : memref<8x128xf32, #tpu.memory_space<hbm>>)
    %dma_wait3A_306 = arith.constant 1 : i32
    %dma_wait3A_307 = arith.constant 0 : i32
    %dma_wait3A_308 = arith.constant 0 : i32
    %dma_wait3A_309 = arith.constant 0 : i32
    %dma_wait3A_310 = arith.constant 1 : i32
    %dma_wait3A_311 = arith.constant 0 : i32
    %dma_wait3A_312 = arith.constant 0 : i32
    %dma_wait3A_313 = tpu.memref_slice %arg9[%dma_wait3A_306, %dma_wait3A_311, %dma_wait3A_312] : memref<4x64x129xf32, #tpu.memory_space<vmem>> -> memref<1x8x128xf32, #tpu.memory_space<vmem>>
    %dma_wait3A_314 = tpu.memref_squeeze %dma_wait3A_313 : memref<1x8x128xf32, #tpu.memory_space<vmem>> -> memref<8x128xf32, #tpu.memory_space<vmem>>
    %dma_wait3A_315 = arith.constant 0 : i32
    %dma_wait3A_316 = arith.constant 0 : i32
    %dma_wait3A_317 = tpu.memref_slice %arg6[%dma_wait3A_307, %dma_wait3A_308, %dma_wait3A_309, %dma_wait3A_315, %dma_wait3A_316] : memref<50x8x128x8x128xf32, #tpu.memory_space<hbm>> -> memref<1x1x1x8x128xf32, #tpu.memory_space<hbm>>
    %dma_wait3A_318 = tpu.memref_squeeze %dma_wait3A_317 : memref<1x1x1x8x128xf32, #tpu.memory_space<hbm>> -> memref<8x128xf32, #tpu.memory_space<hbm>>
    %dma_wait3A_319 = tpu.memref_slice %arg13[%dma_wait3A_310] : memref<4x!tpu.dma_semaphore, #tpu.memory_space<semaphore_mem>> -> memref<1x!tpu.dma_semaphore, #tpu.memory_space<semaphore_mem>>
    %dma_wait3A_320 = tpu.memref_squeeze %dma_wait3A_319 : memref<1x!tpu.dma_semaphore, #tpu.memory_space<semaphore_mem>> -> memref<!tpu.dma_semaphore, #tpu.memory_space<semaphore_mem>>
    %dma_wait3A_321 = arith.constant 0 : i32
    %dma_wait3A_322 = arith.constant 0 : i32
    %dma_wait3A_323 = tpu.memref_slice %arg6[%dma_wait3A_307, %dma_wait3A_308, %dma_wait3A_309, %dma_wait3A_321, %dma_wait3A_322] : memref<50x8x128x8x128xf32, #tpu.memory_space<hbm>> -> memref<1x1x1x8x128xf32, #tpu.memory_space<hbm>>
    %dma_wait3A_324 = tpu.memref_squeeze %dma_wait3A_323 : memref<1x1x1x8x128xf32, #tpu.memory_space<hbm>> -> memref<8x128xf32, #tpu.memory_space<hbm>>
    %dma_wait3A_325 = arith.constant 0 : i32
    %dma_wait3A_326 = arith.constant 0 : i32
    %dma_wait3A_327 = tpu.memref_slice %arg9[%dma_wait3A_306, %dma_wait3A_325, %dma_wait3A_326] : memref<4x64x129xf32, #tpu.memory_space<vmem>> -> memref<1x8x128xf32, #tpu.memory_space<vmem>>
    %dma_wait3A_328 = tpu.memref_squeeze %dma_wait3A_327 : memref<1x8x128xf32, #tpu.memory_space<vmem>> -> memref<8x128xf32, #tpu.memory_space<vmem>>
    tpu.wait_dma2 semaphore(%dma_wait3A_320 : memref<!tpu.dma_semaphore, #tpu.memory_space<semaphore_mem>>) src(%dma_wait3A_328 : memref<8x128xf32, #tpu.memory_space<vmem>>) dst(%dma_wait3A_324 : memref<8x128xf32, #tpu.memory_space<hbm>>)
    %dma_wait3A_329 = arith.constant 1 : i32
    %dma_wait3A_330 = arith.constant 0 : i32
    %dma_wait3A_331 = arith.constant 0 : i32
    %dma_wait3A_332 = arith.constant 0 : i32
    %dma_wait3A_333 = arith.constant 1 : i32
    %dma_wait3A_334 = arith.constant 0 : i32
    %dma_wait3A_335 = arith.constant 0 : i32
    %dma_wait3A_336 = tpu.memref_slice %arg9[%dma_wait3A_329, %dma_wait3A_334, %dma_wait3A_335] : memref<4x64x129xf32, #tpu.memory_space<vmem>> -> memref<1x8x128xf32, #tpu.memory_space<vmem>>
    %dma_wait3A_337 = tpu.memref_squeeze %dma_wait3A_336 : memref<1x8x128xf32, #tpu.memory_space<vmem>> -> memref<8x128xf32, #tpu.memory_space<vmem>>
    %dma_wait3A_338 = arith.constant 0 : i32
    %dma_wait3A_339 = arith.constant 0 : i32
    %dma_wait3A_340 = tpu.memref_slice %arg6[%dma_wait3A_330, %dma_wait3A_331, %dma_wait3A_332, %dma_wait3A_338, %dma_wait3A_339] : memref<50x8x128x8x128xf32, #tpu.memory_space<hbm>> -> memref<1x1x1x8x128xf32, #tpu.memory_space<hbm>>
    %dma_wait3A_341 = tpu.memref_squeeze %dma_wait3A_340 : memref<1x1x1x8x128xf32, #tpu.memory_space<hbm>> -> memref<8x128xf32, #tpu.memory_space<hbm>>
    %dma_wait3A_342 = tpu.memref_slice %arg13[%dma_wait3A_333] : memref<4x!tpu.dma_semaphore, #tpu.memory_space<semaphore_mem>> -> memref<1x!tpu.dma_semaphore, #tpu.memory_space<semaphore_mem>>
    %dma_wait3A_343 = tpu.memref_squeeze %dma_wait3A_342 : memref<1x!tpu.dma_semaphore, #tpu.memory_space<semaphore_mem>> -> memref<!tpu.dma_semaphore, #tpu.memory_space<semaphore_mem>>
    %dma_wait3A_344 = arith.constant 0 : i32
    %dma_wait3A_345 = arith.constant 0 : i32
    %dma_wait3A_346 = tpu.memref_slice %arg6[%dma_wait3A_330, %dma_wait3A_331, %dma_wait3A_332, %dma_wait3A_344, %dma_wait3A_345] : memref<50x8x128x8x128xf32, #tpu.memory_space<hbm>> -> memref<1x1x1x8x128xf32, #tpu.memory_space<hbm>>
    %dma_wait3A_347 = tpu.memref_squeeze %dma_wait3A_346 : memref<1x1x1x8x128xf32, #tpu.memory_space<hbm>> -> memref<8x128xf32, #tpu.memory_space<hbm>>
    %dma_wait3A_348 = arith.constant 0 : i32
    %dma_wait3A_349 = arith.constant 0 : i32
    %dma_wait3A_350 = tpu.memref_slice %arg9[%dma_wait3A_329, %dma_wait3A_348, %dma_wait3A_349] : memref<4x64x129xf32, #tpu.memory_space<vmem>> -> memref<1x8x128xf32, #tpu.memory_space<vmem>>
    %dma_wait3A_351 = tpu.memref_squeeze %dma_wait3A_350 : memref<1x8x128xf32, #tpu.memory_space<vmem>> -> memref<8x128xf32, #tpu.memory_space<vmem>>
    tpu.wait_dma2 semaphore(%dma_wait3A_343 : memref<!tpu.dma_semaphore, #tpu.memory_space<semaphore_mem>>) src(%dma_wait3A_351 : memref<8x128xf32, #tpu.memory_space<vmem>>) dst(%dma_wait3A_347 : memref<8x128xf32, #tpu.memory_space<hbm>>)
    %dma_wait3A_352 = arith.constant 1 : i32
    %dma_wait3A_353 = arith.constant 0 : i32
    %dma_wait3A_354 = arith.constant 0 : i32
    %dma_wait3A_355 = arith.constant 0 : i32
    %dma_wait3A_356 = arith.constant 1 : i32
    %dma_wait3A_357 = arith.constant 0 : i32
    %dma_wait3A_358 = arith.constant 0 : i32
    %dma_wait3A_359 = tpu.memref_slice %arg9[%dma_wait3A_352, %dma_wait3A_357, %dma_wait3A_358] : memref<4x64x129xf32, #tpu.memory_space<vmem>> -> memref<1x8x128xf32, #tpu.memory_space<vmem>>
    %dma_wait3A_360 = tpu.memref_squeeze %dma_wait3A_359 : memref<1x8x128xf32, #tpu.memory_space<vmem>> -> memref<8x128xf32, #tpu.memory_space<vmem>>
    %dma_wait3A_361 = arith.constant 0 : i32
    %dma_wait3A_362 = arith.constant 0 : i32
    %dma_wait3A_363 = tpu.memref_slice %arg6[%dma_wait3A_353, %dma_wait3A_354, %dma_wait3A_355, %dma_wait3A_361, %dma_wait3A_362] : memref<50x8x128x8x128xf32, #tpu.memory_space<hbm>> -> memref<1x1x1x8x128xf32, #tpu.memory_space<hbm>>
    %dma_wait3A_364 = tpu.memref_squeeze %dma_wait3A_363 : memref<1x1x1x8x128xf32, #tpu.memory_space<hbm>> -> memref<8x128xf32, #tpu.memory_space<hbm>>
    %dma_wait3A_365 = tpu.memref_slice %arg13[%dma_wait3A_356] : memref<4x!tpu.dma_semaphore, #tpu.memory_space<semaphore_mem>> -> memref<1x!tpu.dma_semaphore, #tpu.memory_space<semaphore_mem>>
    %dma_wait3A_366 = tpu.memref_squeeze %dma_wait3A_365 : memref<1x!tpu.dma_semaphore, #tpu.memory_space<semaphore_mem>> -> memref<!tpu.dma_semaphore, #tpu.memory_space<semaphore_mem>>
    %dma_wait3A_367 = arith.constant 0 : i32
    %dma_wait3A_368 = arith.constant 0 : i32
    %dma_wait3A_369 = tpu.memref_slice %arg6[%dma_wait3A_353, %dma_wait3A_354, %dma_wait3A_355, %dma_wait3A_367, %dma_wait3A_368] : memref<50x8x128x8x128xf32, #tpu.memory_space<hbm>> -> memref<1x1x1x8x128xf32, #tpu.memory_space<hbm>>
    %dma_wait3A_370 = tpu.memref_squeeze %dma_wait3A_369 : memref<1x1x1x8x128xf32, #tpu.memory_space<hbm>> -> memref<8x128xf32, #tpu.memory_space<hbm>>
    %dma_wait3A_371 = arith.constant 0 : i32
    %dma_wait3A_372 = arith.constant 0 : i32
    %dma_wait3A_373 = tpu.memref_slice %arg9[%dma_wait3A_352, %dma_wait3A_371, %dma_wait3A_372] : memref<4x64x129xf32, #tpu.memory_space<vmem>> -> memref<1x8x128xf32, #tpu.memory_space<vmem>>
    %dma_wait3A_374 = tpu.memref_squeeze %dma_wait3A_373 : memref<1x8x128xf32, #tpu.memory_space<vmem>> -> memref<8x128xf32, #tpu.memory_space<vmem>>
    tpu.wait_dma2 semaphore(%dma_wait3A_366 : memref<!tpu.dma_semaphore, #tpu.memory_space<semaphore_mem>>) src(%dma_wait3A_374 : memref<8x128xf32, #tpu.memory_space<vmem>>) dst(%dma_wait3A_370 : memref<8x128xf32, #tpu.memory_space<hbm>>)
    %dma_wait3A_375 = arith.constant 1 : i32
    %dma_wait3A_376 = arith.constant 0 : i32
    %dma_wait3A_377 = arith.constant 0 : i32
    %dma_wait3A_378 = arith.constant 0 : i32
    %dma_wait3A_379 = arith.constant 1 : i32
    %dma_wait3A_380 = arith.constant 0 : i32
    %dma_wait3A_381 = arith.constant 0 : i32
    %dma_wait3A_382 = tpu.memref_slice %arg9[%dma_wait3A_375, %dma_wait3A_380, %dma_wait3A_381] : memref<4x64x129xf32, #tpu.memory_space<vmem>> -> memref<1x8x128xf32, #tpu.memory_space<vmem>>
    %dma_wait3A_383 = tpu.memref_squeeze %dma_wait3A_382 : memref<1x8x128xf32, #tpu.memory_space<vmem>> -> memref<8x128xf32, #tpu.memory_space<vmem>>
    %dma_wait3A_384 = arith.constant 0 : i32
    %dma_wait3A_385 = arith.constant 0 : i32
    %dma_wait3A_386 = tpu.memref_slice %arg6[%dma_wait3A_376, %dma_wait3A_377, %dma_wait3A_378, %dma_wait3A_384, %dma_wait3A_385] : memref<50x8x128x8x128xf32, #tpu.memory_space<hbm>> -> memref<1x1x1x8x128xf32, #tpu.memory_space<hbm>>
    %dma_wait3A_387 = tpu.memref_squeeze %dma_wait3A_386 : memref<1x1x1x8x128xf32, #tpu.memory_space<hbm>> -> memref<8x128xf32, #tpu.memory_space<hbm>>
    %dma_wait3A_388 = tpu.memref_slice %arg13[%dma_wait3A_379] : memref<4x!tpu.dma_semaphore, #tpu.memory_space<semaphore_mem>> -> memref<1x!tpu.dma_semaphore, #tpu.memory_space<semaphore_mem>>
    %dma_wait3A_389 = tpu.memref_squeeze %dma_wait3A_388 : memref<1x!tpu.dma_semaphore, #tpu.memory_space<semaphore_mem>> -> memref<!tpu.dma_semaphore, #tpu.memory_space<semaphore_mem>>
    %dma_wait3A_390 = arith.constant 0 : i32
    %dma_wait3A_391 = arith.constant 0 : i32
    %dma_wait3A_392 = tpu.memref_slice %arg6[%dma_wait3A_376, %dma_wait3A_377, %dma_wait3A_378, %dma_wait3A_390, %dma_wait3A_391] : memref<50x8x128x8x128xf32, #tpu.memory_space<hbm>> -> memref<1x1x1x8x128xf32, #tpu.memory_space<hbm>>
    %dma_wait3A_393 = tpu.memref_squeeze %dma_wait3A_392 : memref<1x1x1x8x128xf32, #tpu.memory_space<hbm>> -> memref<8x128xf32, #tpu.memory_space<hbm>>
    %dma_wait3A_394 = arith.constant 0 : i32
    %dma_wait3A_395 = arith.constant 0 : i32
    %dma_wait3A_396 = tpu.memref_slice %arg9[%dma_wait3A_375, %dma_wait3A_394, %dma_wait3A_395] : memref<4x64x129xf32, #tpu.memory_space<vmem>> -> memref<1x8x128xf32, #tpu.memory_space<vmem>>
    %dma_wait3A_397 = tpu.memref_squeeze %dma_wait3A_396 : memref<1x8x128xf32, #tpu.memory_space<vmem>> -> memref<8x128xf32, #tpu.memory_space<vmem>>
    tpu.wait_dma2 semaphore(%dma_wait3A_389 : memref<!tpu.dma_semaphore, #tpu.memory_space<semaphore_mem>>) src(%dma_wait3A_397 : memref<8x128xf32, #tpu.memory_space<vmem>>) dst(%dma_wait3A_393 : memref<8x128xf32, #tpu.memory_space<hbm>>)
    %dma_wait3A_398 = arith.constant 1 : i32
    %dma_wait3A_399 = arith.constant 0 : i32
    %dma_wait3A_400 = arith.constant 0 : i32
    %dma_wait3A_401 = arith.constant 0 : i32
    %dma_wait3A_402 = arith.constant 1 : i32
    %dma_wait3A_403 = arith.constant 0 : i32
    %dma_wait3A_404 = arith.constant 0 : i32
    %dma_wait3A_405 = tpu.memref_slice %arg9[%dma_wait3A_398, %dma_wait3A_403, %dma_wait3A_404] : memref<4x64x129xf32, #tpu.memory_space<vmem>> -> memref<1x8x128xf32, #tpu.memory_space<vmem>>
    %dma_wait3A_406 = tpu.memref_squeeze %dma_wait3A_405 : memref<1x8x128xf32, #tpu.memory_space<vmem>> -> memref<8x128xf32, #tpu.memory_space<vmem>>
    %dma_wait3A_407 = arith.constant 0 : i32
    %dma_wait3A_408 = arith.constant 0 : i32
    %dma_wait3A_409 = tpu.memref_slice %arg6[%dma_wait3A_399, %dma_wait3A_400, %dma_wait3A_401, %dma_wait3A_407, %dma_wait3A_408] : memref<50x8x128x8x128xf32, #tpu.memory_space<hbm>> -> memref<1x1x1x8x128xf32, #tpu.memory_space<hbm>>
    %dma_wait3A_410 = tpu.memref_squeeze %dma_wait3A_409 : memref<1x1x1x8x128xf32, #tpu.memory_space<hbm>> -> memref<8x128xf32, #tpu.memory_space<hbm>>
    %dma_wait3A_411 = tpu.memref_slice %arg13[%dma_wait3A_402] : memref<4x!tpu.dma_semaphore, #tpu.memory_space<semaphore_mem>> -> memref<1x!tpu.dma_semaphore, #tpu.memory_space<semaphore_mem>>
    %dma_wait3A_412 = tpu.memref_squeeze %dma_wait3A_411 : memref<1x!tpu.dma_semaphore, #tpu.memory_space<semaphore_mem>> -> memref<!tpu.dma_semaphore, #tpu.memory_space<semaphore_mem>>
    %dma_wait3A_413 = arith.constant 0 : i32
    %dma_wait3A_414 = arith.constant 0 : i32
    %dma_wait3A_415 = tpu.memref_slice %arg6[%dma_wait3A_399, %dma_wait3A_400, %dma_wait3A_401, %dma_wait3A_413, %dma_wait3A_414] : memref<50x8x128x8x128xf32, #tpu.memory_space<hbm>> -> memref<1x1x1x8x128xf32, #tpu.memory_space<hbm>>
    %dma_wait3A_416 = tpu.memref_squeeze %dma_wait3A_415 : memref<1x1x1x8x128xf32, #tpu.memory_space<hbm>> -> memref<8x128xf32, #tpu.memory_space<hbm>>
    %dma_wait3A_417 = arith.constant 0 : i32
    %dma_wait3A_418 = arith.constant 0 : i32
    %dma_wait3A_419 = tpu.memref_slice %arg9[%dma_wait3A_398, %dma_wait3A_417, %dma_wait3A_418] : memref<4x64x129xf32, #tpu.memory_space<vmem>> -> memref<1x8x128xf32, #tpu.memory_space<vmem>>
    %dma_wait3A_420 = tpu.memref_squeeze %dma_wait3A_419 : memref<1x8x128xf32, #tpu.memory_space<vmem>> -> memref<8x128xf32, #tpu.memory_space<vmem>>
    tpu.wait_dma2 semaphore(%dma_wait3A_412 : memref<!tpu.dma_semaphore, #tpu.memory_space<semaphore_mem>>) src(%dma_wait3A_420 : memref<8x128xf32, #tpu.memory_space<vmem>>) dst(%dma_wait3A_416 : memref<8x128xf32, #tpu.memory_space<hbm>>)
    %dma_wait3A_421 = arith.constant 1 : i32
    %dma_wait3A_422 = arith.constant 0 : i32
    %dma_wait3A_423 = arith.constant 0 : i32
    %dma_wait3A_424 = arith.constant 0 : i32
    %dma_wait3A_425 = arith.constant 1 : i32
    %dma_wait3A_426 = arith.constant 0 : i32
    %dma_wait3A_427 = arith.constant 0 : i32
    %dma_wait3A_428 = tpu.memref_slice %arg9[%dma_wait3A_421, %dma_wait3A_426, %dma_wait3A_427] : memref<4x64x129xf32, #tpu.memory_space<vmem>> -> memref<1x8x128xf32, #tpu.memory_space<vmem>>
    %dma_wait3A_429 = tpu.memref_squeeze %dma_wait3A_428 : memref<1x8x128xf32, #tpu.memory_space<vmem>> -> memref<8x128xf32, #tpu.memory_space<vmem>>
    %dma_wait3A_430 = arith.constant 0 : i32
    %dma_wait3A_431 = arith.constant 0 : i32
    %dma_wait3A_432 = tpu.memref_slice %arg6[%dma_wait3A_422, %dma_wait3A_423, %dma_wait3A_424, %dma_wait3A_430, %dma_wait3A_431] : memref<50x8x128x8x128xf32, #tpu.memory_space<hbm>> -> memref<1x1x1x8x128xf32, #tpu.memory_space<hbm>>
    %dma_wait3A_433 = tpu.memref_squeeze %dma_wait3A_432 : memref<1x1x1x8x128xf32, #tpu.memory_space<hbm>> -> memref<8x128xf32, #tpu.memory_space<hbm>>
    %dma_wait3A_434 = tpu.memref_slice %arg13[%dma_wait3A_425] : memref<4x!tpu.dma_semaphore, #tpu.memory_space<semaphore_mem>> -> memref<1x!tpu.dma_semaphore, #tpu.memory_space<semaphore_mem>>
    %dma_wait3A_435 = tpu.memref_squeeze %dma_wait3A_434 : memref<1x!tpu.dma_semaphore, #tpu.memory_space<semaphore_mem>> -> memref<!tpu.dma_semaphore, #tpu.memory_space<semaphore_mem>>
    %dma_wait3A_436 = arith.constant 0 : i32
    %dma_wait3A_437 = arith.constant 0 : i32
    %dma_wait3A_438 = tpu.memref_slice %arg6[%dma_wait3A_422, %dma_wait3A_423, %dma_wait3A_424, %dma_wait3A_436, %dma_wait3A_437] : memref<50x8x128x8x128xf32, #tpu.memory_space<hbm>> -> memref<1x1x1x8x128xf32, #tpu.memory_space<hbm>>
    %dma_wait3A_439 = tpu.memref_squeeze %dma_wait3A_438 : memref<1x1x1x8x128xf32, #tpu.memory_space<hbm>> -> memref<8x128xf32, #tpu.memory_space<hbm>>
    %dma_wait3A_440 = arith.constant 0 : i32
    %dma_wait3A_441 = arith.constant 0 : i32
    %dma_wait3A_442 = tpu.memref_slice %arg9[%dma_wait3A_421, %dma_wait3A_440, %dma_wait3A_441] : memref<4x64x129xf32, #tpu.memory_space<vmem>> -> memref<1x8x128xf32, #tpu.memory_space<vmem>>
    %dma_wait3A_443 = tpu.memref_squeeze %dma_wait3A_442 : memref<1x8x128xf32, #tpu.memory_space<vmem>> -> memref<8x128xf32, #tpu.memory_space<vmem>>
    tpu.wait_dma2 semaphore(%dma_wait3A_435 : memref<!tpu.dma_semaphore, #tpu.memory_space<semaphore_mem>>) src(%dma_wait3A_443 : memref<8x128xf32, #tpu.memory_space<vmem>>) dst(%dma_wait3A_439 : memref<8x128xf32, #tpu.memory_space<hbm>>)
    %dma_wait3A_444 = arith.constant 2 : i32
    %dma_wait3A_445 = arith.constant 0 : i32
    %dma_wait3A_446 = arith.constant 0 : i32
    %dma_wait3A_447 = arith.constant 0 : i32
    %dma_wait3A_448 = arith.constant 2 : i32
    %dma_wait3A_449 = arith.constant 0 : i32
    %dma_wait3A_450 = arith.constant 0 : i32
    %dma_wait3A_451 = tpu.memref_slice %arg9[%dma_wait3A_444, %dma_wait3A_449, %dma_wait3A_450] : memref<4x64x129xf32, #tpu.memory_space<vmem>> -> memref<1x8x128xf32, #tpu.memory_space<vmem>>
    %dma_wait3A_452 = tpu.memref_squeeze %dma_wait3A_451 : memref<1x8x128xf32, #tpu.memory_space<vmem>> -> memref<8x128xf32, #tpu.memory_space<vmem>>
    %dma_wait3A_453 = arith.constant 0 : i32
    %dma_wait3A_454 = arith.constant 0 : i32
    %dma_wait3A_455 = tpu.memref_slice %arg6[%dma_wait3A_445, %dma_wait3A_446, %dma_wait3A_447, %dma_wait3A_453, %dma_wait3A_454] : memref<50x8x128x8x128xf32, #tpu.memory_space<hbm>> -> memref<1x1x1x8x128xf32, #tpu.memory_space<hbm>>
    %dma_wait3A_456 = tpu.memref_squeeze %dma_wait3A_455 : memref<1x1x1x8x128xf32, #tpu.memory_space<hbm>> -> memref<8x128xf32, #tpu.memory_space<hbm>>
    %dma_wait3A_457 = tpu.memref_slice %arg13[%dma_wait3A_448] : memref<4x!tpu.dma_semaphore, #tpu.memory_space<semaphore_mem>> -> memref<1x!tpu.dma_semaphore, #tpu.memory_space<semaphore_mem>>
    %dma_wait3A_458 = tpu.memref_squeeze %dma_wait3A_457 : memref<1x!tpu.dma_semaphore, #tpu.memory_space<semaphore_mem>> -> memref<!tpu.dma_semaphore, #tpu.memory_space<semaphore_mem>>
    %dma_wait3A_459 = arith.constant 0 : i32
    %dma_wait3A_460 = arith.constant 0 : i32
    %dma_wait3A_461 = tpu.memref_slice %arg6[%dma_wait3A_445, %dma_wait3A_446, %dma_wait3A_447, %dma_wait3A_459, %dma_wait3A_460] : memref<50x8x128x8x128xf32, #tpu.memory_space<hbm>> -> memref<1x1x1x8x128xf32, #tpu.memory_space<hbm>>
    %dma_wait3A_462 = tpu.memref_squeeze %dma_wait3A_461 : memref<1x1x1x8x128xf32, #tpu.memory_space<hbm>> -> memref<8x128xf32, #tpu.memory_space<hbm>>
    %dma_wait3A_463 = arith.constant 0 : i32
    %dma_wait3A_464 = arith.constant 0 : i32
    %dma_wait3A_465 = tpu.memref_slice %arg9[%dma_wait3A_444, %dma_wait3A_463, %dma_wait3A_464] : memref<4x64x129xf32, #tpu.memory_space<vmem>> -> memref<1x8x128xf32, #tpu.memory_space<vmem>>
    %dma_wait3A_466 = tpu.memref_squeeze %dma_wait3A_465 : memref<1x8x128xf32, #tpu.memory_space<vmem>> -> memref<8x128xf32, #tpu.memory_space<vmem>>
    tpu.wait_dma2 semaphore(%dma_wait3A_458 : memref<!tpu.dma_semaphore, #tpu.memory_space<semaphore_mem>>) src(%dma_wait3A_466 : memref<8x128xf32, #tpu.memory_space<vmem>>) dst(%dma_wait3A_462 : memref<8x128xf32, #tpu.memory_space<hbm>>)
    %dma_wait3A_467 = arith.constant 2 : i32
    %dma_wait3A_468 = arith.constant 0 : i32
    %dma_wait3A_469 = arith.constant 0 : i32
    %dma_wait3A_470 = arith.constant 0 : i32
    %dma_wait3A_471 = arith.constant 2 : i32
    %dma_wait3A_472 = arith.constant 0 : i32
    %dma_wait3A_473 = arith.constant 0 : i32
    %dma_wait3A_474 = tpu.memref_slice %arg9[%dma_wait3A_467, %dma_wait3A_472, %dma_wait3A_473] : memref<4x64x129xf32, #tpu.memory_space<vmem>> -> memref<1x8x128xf32, #tpu.memory_space<vmem>>
    %dma_wait3A_475 = tpu.memref_squeeze %dma_wait3A_474 : memref<1x8x128xf32, #tpu.memory_space<vmem>> -> memref<8x128xf32, #tpu.memory_space<vmem>>
    %dma_wait3A_476 = arith.constant 0 : i32
    %dma_wait3A_477 = arith.constant 0 : i32
    %dma_wait3A_478 = tpu.memref_slice %arg6[%dma_wait3A_468, %dma_wait3A_469, %dma_wait3A_470, %dma_wait3A_476, %dma_wait3A_477] : memref<50x8x128x8x128xf32, #tpu.memory_space<hbm>> -> memref<1x1x1x8x128xf32, #tpu.memory_space<hbm>>
    %dma_wait3A_479 = tpu.memref_squeeze %dma_wait3A_478 : memref<1x1x1x8x128xf32, #tpu.memory_space<hbm>> -> memref<8x128xf32, #tpu.memory_space<hbm>>
    %dma_wait3A_480 = tpu.memref_slice %arg13[%dma_wait3A_471] : memref<4x!tpu.dma_semaphore, #tpu.memory_space<semaphore_mem>> -> memref<1x!tpu.dma_semaphore, #tpu.memory_space<semaphore_mem>>
    %dma_wait3A_481 = tpu.memref_squeeze %dma_wait3A_480 : memref<1x!tpu.dma_semaphore, #tpu.memory_space<semaphore_mem>> -> memref<!tpu.dma_semaphore, #tpu.memory_space<semaphore_mem>>
    %dma_wait3A_482 = arith.constant 0 : i32
    %dma_wait3A_483 = arith.constant 0 : i32
    %dma_wait3A_484 = tpu.memref_slice %arg6[%dma_wait3A_468, %dma_wait3A_469, %dma_wait3A_470, %dma_wait3A_482, %dma_wait3A_483] : memref<50x8x128x8x128xf32, #tpu.memory_space<hbm>> -> memref<1x1x1x8x128xf32, #tpu.memory_space<hbm>>
    %dma_wait3A_485 = tpu.memref_squeeze %dma_wait3A_484 : memref<1x1x1x8x128xf32, #tpu.memory_space<hbm>> -> memref<8x128xf32, #tpu.memory_space<hbm>>
    %dma_wait3A_486 = arith.constant 0 : i32
    %dma_wait3A_487 = arith.constant 0 : i32
    %dma_wait3A_488 = tpu.memref_slice %arg9[%dma_wait3A_467, %dma_wait3A_486, %dma_wait3A_487] : memref<4x64x129xf32, #tpu.memory_space<vmem>> -> memref<1x8x128xf32, #tpu.memory_space<vmem>>
    %dma_wait3A_489 = tpu.memref_squeeze %dma_wait3A_488 : memref<1x8x128xf32, #tpu.memory_space<vmem>> -> memref<8x128xf32, #tpu.memory_space<vmem>>
    tpu.wait_dma2 semaphore(%dma_wait3A_481 : memref<!tpu.dma_semaphore, #tpu.memory_space<semaphore_mem>>) src(%dma_wait3A_489 : memref<8x128xf32, #tpu.memory_space<vmem>>) dst(%dma_wait3A_485 : memref<8x128xf32, #tpu.memory_space<hbm>>)
    %dma_wait3A_490 = arith.constant 2 : i32
    %dma_wait3A_491 = arith.constant 0 : i32
    %dma_wait3A_492 = arith.constant 0 : i32
    %dma_wait3A_493 = arith.constant 0 : i32
    %dma_wait3A_494 = arith.constant 2 : i32
    %dma_wait3A_495 = arith.constant 0 : i32
    %dma_wait3A_496 = arith.constant 0 : i32
    %dma_wait3A_497 = tpu.memref_slice %arg9[%dma_wait3A_490, %dma_wait3A_495, %dma_wait3A_496] : memref<4x64x129xf32, #tpu.memory_space<vmem>> -> memref<1x8x128xf32, #tpu.memory_space<vmem>>
    %dma_wait3A_498 = tpu.memref_squeeze %dma_wait3A_497 : memref<1x8x128xf32, #tpu.memory_space<vmem>> -> memref<8x128xf32, #tpu.memory_space<vmem>>
    %dma_wait3A_499 = arith.constant 0 : i32
    %dma_wait3A_500 = arith.constant 0 : i32
    %dma_wait3A_501 = tpu.memref_slice %arg6[%dma_wait3A_491, %dma_wait3A_492, %dma_wait3A_493, %dma_wait3A_499, %dma_wait3A_500] : memref<50x8x128x8x128xf32, #tpu.memory_space<hbm>> -> memref<1x1x1x8x128xf32, #tpu.memory_space<hbm>>
    %dma_wait3A_502 = tpu.memref_squeeze %dma_wait3A_501 : memref<1x1x1x8x128xf32, #tpu.memory_space<hbm>> -> memref<8x128xf32, #tpu.memory_space<hbm>>
    %dma_wait3A_503 = tpu.memref_slice %arg13[%dma_wait3A_494] : memref<4x!tpu.dma_semaphore, #tpu.memory_space<semaphore_mem>> -> memref<1x!tpu.dma_semaphore, #tpu.memory_space<semaphore_mem>>
    %dma_wait3A_504 = tpu.memref_squeeze %dma_wait3A_503 : memref<1x!tpu.dma_semaphore, #tpu.memory_space<semaphore_mem>> -> memref<!tpu.dma_semaphore, #tpu.memory_space<semaphore_mem>>
    %dma_wait3A_505 = arith.constant 0 : i32
    %dma_wait3A_506 = arith.constant 0 : i32
    %dma_wait3A_507 = tpu.memref_slice %arg6[%dma_wait3A_491, %dma_wait3A_492, %dma_wait3A_493, %dma_wait3A_505, %dma_wait3A_506] : memref<50x8x128x8x128xf32, #tpu.memory_space<hbm>> -> memref<1x1x1x8x128xf32, #tpu.memory_space<hbm>>
    %dma_wait3A_508 = tpu.memref_squeeze %dma_wait3A_507 : memref<1x1x1x8x128xf32, #tpu.memory_space<hbm>> -> memref<8x128xf32, #tpu.memory_space<hbm>>
    %dma_wait3A_509 = arith.constant 0 : i32
    %dma_wait3A_510 = arith.constant 0 : i32
    %dma_wait3A_511 = tpu.memref_slice %arg9[%dma_wait3A_490, %dma_wait3A_509, %dma_wait3A_510] : memref<4x64x129xf32, #tpu.memory_space<vmem>> -> memref<1x8x128xf32, #tpu.memory_space<vmem>>
    %dma_wait3A_512 = tpu.memref_squeeze %dma_wait3A_511 : memref<1x8x128xf32, #tpu.memory_space<vmem>> -> memref<8x128xf32, #tpu.memory_space<vmem>>
    tpu.wait_dma2 semaphore(%dma_wait3A_504 : memref<!tpu.dma_semaphore, #tpu.memory_space<semaphore_mem>>) src(%dma_wait3A_512 : memref<8x128xf32, #tpu.memory_space<vmem>>) dst(%dma_wait3A_508 : memref<8x128xf32, #tpu.memory_space<hbm>>)
    %dma_wait3A_513 = arith.constant 2 : i32
    %dma_wait3A_514 = arith.constant 0 : i32
    %dma_wait3A_515 = arith.constant 0 : i32
    %dma_wait3A_516 = arith.constant 0 : i32
    %dma_wait3A_517 = arith.constant 2 : i32
    %dma_wait3A_518 = arith.constant 0 : i32
    %dma_wait3A_519 = arith.constant 0 : i32
    %dma_wait3A_520 = tpu.memref_slice %arg9[%dma_wait3A_513, %dma_wait3A_518, %dma_wait3A_519] : memref<4x64x129xf32, #tpu.memory_space<vmem>> -> memref<1x8x128xf32, #tpu.memory_space<vmem>>
    %dma_wait3A_521 = tpu.memref_squeeze %dma_wait3A_520 : memref<1x8x128xf32, #tpu.memory_space<vmem>> -> memref<8x128xf32, #tpu.memory_space<vmem>>
    %dma_wait3A_522 = arith.constant 0 : i32
    %dma_wait3A_523 = arith.constant 0 : i32
    %dma_wait3A_524 = tpu.memref_slice %arg6[%dma_wait3A_514, %dma_wait3A_515, %dma_wait3A_516, %dma_wait3A_522, %dma_wait3A_523] : memref<50x8x128x8x128xf32, #tpu.memory_space<hbm>> -> memref<1x1x1x8x128xf32, #tpu.memory_space<hbm>>
    %dma_wait3A_525 = tpu.memref_squeeze %dma_wait3A_524 : memref<1x1x1x8x128xf32, #tpu.memory_space<hbm>> -> memref<8x128xf32, #tpu.memory_space<hbm>>
    %dma_wait3A_526 = tpu.memref_slice %arg13[%dma_wait3A_517] : memref<4x!tpu.dma_semaphore, #tpu.memory_space<semaphore_mem>> -> memref<1x!tpu.dma_semaphore, #tpu.memory_space<semaphore_mem>>
    %dma_wait3A_527 = tpu.memref_squeeze %dma_wait3A_526 : memref<1x!tpu.dma_semaphore, #tpu.memory_space<semaphore_mem>> -> memref<!tpu.dma_semaphore, #tpu.memory_space<semaphore_mem>>
    %dma_wait3A_528 = arith.constant 0 : i32
    %dma_wait3A_529 = arith.constant 0 : i32
    %dma_wait3A_530 = tpu.memref_slice %arg6[%dma_wait3A_514, %dma_wait3A_515, %dma_wait3A_516, %dma_wait3A_528, %dma_wait3A_529] : memref<50x8x128x8x128xf32, #tpu.memory_space<hbm>> -> memref<1x1x1x8x128xf32, #tpu.memory_space<hbm>>
    %dma_wait3A_531 = tpu.memref_squeeze %dma_wait3A_530 : memref<1x1x1x8x128xf32, #tpu.memory_space<hbm>> -> memref<8x128xf32, #tpu.memory_space<hbm>>
    %dma_wait3A_532 = arith.constant 0 : i32
    %dma_wait3A_533 = arith.constant 0 : i32
    %dma_wait3A_534 = tpu.memref_slice %arg9[%dma_wait3A_513, %dma_wait3A_532, %dma_wait3A_533] : memref<4x64x129xf32, #tpu.memory_space<vmem>> -> memref<1x8x128xf32, #tpu.memory_space<vmem>>
    %dma_wait3A_535 = tpu.memref_squeeze %dma_wait3A_534 : memref<1x8x128xf32, #tpu.memory_space<vmem>> -> memref<8x128xf32, #tpu.memory_space<vmem>>
    tpu.wait_dma2 semaphore(%dma_wait3A_527 : memref<!tpu.dma_semaphore, #tpu.memory_space<semaphore_mem>>) src(%dma_wait3A_535 : memref<8x128xf32, #tpu.memory_space<vmem>>) dst(%dma_wait3A_531 : memref<8x128xf32, #tpu.memory_space<hbm>>)
    %dma_wait3A_536 = arith.constant 2 : i32
    %dma_wait3A_537 = arith.constant 0 : i32
    %dma_wait3A_538 = arith.constant 0 : i32
    %dma_wait3A_539 = arith.constant 0 : i32
    %dma_wait3A_540 = arith.constant 2 : i32
    %dma_wait3A_541 = arith.constant 0 : i32
    %dma_wait3A_542 = arith.constant 0 : i32
    %dma_wait3A_543 = tpu.memref_slice %arg9[%dma_wait3A_536, %dma_wait3A_541, %dma_wait3A_542] : memref<4x64x129xf32, #tpu.memory_space<vmem>> -> memref<1x8x128xf32, #tpu.memory_space<vmem>>
    %dma_wait3A_544 = tpu.memref_squeeze %dma_wait3A_543 : memref<1x8x128xf32, #tpu.memory_space<vmem>> -> memref<8x128xf32, #tpu.memory_space<vmem>>
    %dma_wait3A_545 = arith.constant 0 : i32
    %dma_wait3A_546 = arith.constant 0 : i32
    %dma_wait3A_547 = tpu.memref_slice %arg6[%dma_wait3A_537, %dma_wait3A_538, %dma_wait3A_539, %dma_wait3A_545, %dma_wait3A_546] : memref<50x8x128x8x128xf32, #tpu.memory_space<hbm>> -> memref<1x1x1x8x128xf32, #tpu.memory_space<hbm>>
    %dma_wait3A_548 = tpu.memref_squeeze %dma_wait3A_547 : memref<1x1x1x8x128xf32, #tpu.memory_space<hbm>> -> memref<8x128xf32, #tpu.memory_space<hbm>>
    %dma_wait3A_549 = tpu.memref_slice %arg13[%dma_wait3A_540] : memref<4x!tpu.dma_semaphore, #tpu.memory_space<semaphore_mem>> -> memref<1x!tpu.dma_semaphore, #tpu.memory_space<semaphore_mem>>
    %dma_wait3A_550 = tpu.memref_squeeze %dma_wait3A_549 : memref<1x!tpu.dma_semaphore, #tpu.memory_space<semaphore_mem>> -> memref<!tpu.dma_semaphore, #tpu.memory_space<semaphore_mem>>
    %dma_wait3A_551 = arith.constant 0 : i32
    %dma_wait3A_552 = arith.constant 0 : i32
    %dma_wait3A_553 = tpu.memref_slice %arg6[%dma_wait3A_537, %dma_wait3A_538, %dma_wait3A_539, %dma_wait3A_551, %dma_wait3A_552] : memref<50x8x128x8x128xf32, #tpu.memory_space<hbm>> -> memref<1x1x1x8x128xf32, #tpu.memory_space<hbm>>
    %dma_wait3A_554 = tpu.memref_squeeze %dma_wait3A_553 : memref<1x1x1x8x128xf32, #tpu.memory_space<hbm>> -> memref<8x128xf32, #tpu.memory_space<hbm>>
    %dma_wait3A_555 = arith.constant 0 : i32
    %dma_wait3A_556 = arith.constant 0 : i32
    %dma_wait3A_557 = tpu.memref_slice %arg9[%dma_wait3A_536, %dma_wait3A_555, %dma_wait3A_556] : memref<4x64x129xf32, #tpu.memory_space<vmem>> -> memref<1x8x128xf32, #tpu.memory_space<vmem>>
    %dma_wait3A_558 = tpu.memref_squeeze %dma_wait3A_557 : memref<1x8x128xf32, #tpu.memory_space<vmem>> -> memref<8x128xf32, #tpu.memory_space<vmem>>
    tpu.wait_dma2 semaphore(%dma_wait3A_550 : memref<!tpu.dma_semaphore, #tpu.memory_space<semaphore_mem>>) src(%dma_wait3A_558 : memref<8x128xf32, #tpu.memory_space<vmem>>) dst(%dma_wait3A_554 : memref<8x128xf32, #tpu.memory_space<hbm>>)
    %dma_wait3A_559 = arith.constant 2 : i32
    %dma_wait3A_560 = arith.constant 0 : i32
    %dma_wait3A_561 = arith.constant 0 : i32
    %dma_wait3A_562 = arith.constant 0 : i32
    %dma_wait3A_563 = arith.constant 2 : i32
    %dma_wait3A_564 = arith.constant 0 : i32
    %dma_wait3A_565 = arith.constant 0 : i32
    %dma_wait3A_566 = tpu.memref_slice %arg9[%dma_wait3A_559, %dma_wait3A_564, %dma_wait3A_565] : memref<4x64x129xf32, #tpu.memory_space<vmem>> -> memref<1x8x128xf32, #tpu.memory_space<vmem>>
    %dma_wait3A_567 = tpu.memref_squeeze %dma_wait3A_566 : memref<1x8x128xf32, #tpu.memory_space<vmem>> -> memref<8x128xf32, #tpu.memory_space<vmem>>
    %dma_wait3A_568 = arith.constant 0 : i32
    %dma_wait3A_569 = arith.constant 0 : i32
    %dma_wait3A_570 = tpu.memref_slice %arg6[%dma_wait3A_560, %dma_wait3A_561, %dma_wait3A_562, %dma_wait3A_568, %dma_wait3A_569] : memref<50x8x128x8x128xf32, #tpu.memory_space<hbm>> -> memref<1x1x1x8x128xf32, #tpu.memory_space<hbm>>
    %dma_wait3A_571 = tpu.memref_squeeze %dma_wait3A_570 : memref<1x1x1x8x128xf32, #tpu.memory_space<hbm>> -> memref<8x128xf32, #tpu.memory_space<hbm>>
    %dma_wait3A_572 = tpu.memref_slice %arg13[%dma_wait3A_563] : memref<4x!tpu.dma_semaphore, #tpu.memory_space<semaphore_mem>> -> memref<1x!tpu.dma_semaphore, #tpu.memory_space<semaphore_mem>>
    %dma_wait3A_573 = tpu.memref_squeeze %dma_wait3A_572 : memref<1x!tpu.dma_semaphore, #tpu.memory_space<semaphore_mem>> -> memref<!tpu.dma_semaphore, #tpu.memory_space<semaphore_mem>>
    %dma_wait3A_574 = arith.constant 0 : i32
    %dma_wait3A_575 = arith.constant 0 : i32
    %dma_wait3A_576 = tpu.memref_slice %arg6[%dma_wait3A_560, %dma_wait3A_561, %dma_wait3A_562, %dma_wait3A_574, %dma_wait3A_575] : memref<50x8x128x8x128xf32, #tpu.memory_space<hbm>> -> memref<1x1x1x8x128xf32, #tpu.memory_space<hbm>>
    %dma_wait3A_577 = tpu.memref_squeeze %dma_wait3A_576 : memref<1x1x1x8x128xf32, #tpu.memory_space<hbm>> -> memref<8x128xf32, #tpu.memory_space<hbm>>
    %dma_wait3A_578 = arith.constant 0 : i32
    %dma_wait3A_579 = arith.constant 0 : i32
    %dma_wait3A_580 = tpu.memref_slice %arg9[%dma_wait3A_559, %dma_wait3A_578, %dma_wait3A_579] : memref<4x64x129xf32, #tpu.memory_space<vmem>> -> memref<1x8x128xf32, #tpu.memory_space<vmem>>
    %dma_wait3A_581 = tpu.memref_squeeze %dma_wait3A_580 : memref<1x8x128xf32, #tpu.memory_space<vmem>> -> memref<8x128xf32, #tpu.memory_space<vmem>>
    tpu.wait_dma2 semaphore(%dma_wait3A_573 : memref<!tpu.dma_semaphore, #tpu.memory_space<semaphore_mem>>) src(%dma_wait3A_581 : memref<8x128xf32, #tpu.memory_space<vmem>>) dst(%dma_wait3A_577 : memref<8x128xf32, #tpu.memory_space<hbm>>)
    %dma_wait3A_582 = arith.constant 2 : i32
    %dma_wait3A_583 = arith.constant 0 : i32
    %dma_wait3A_584 = arith.constant 0 : i32
    %dma_wait3A_585 = arith.constant 0 : i32
    %dma_wait3A_586 = arith.constant 2 : i32
    %dma_wait3A_587 = arith.constant 0 : i32
    %dma_wait3A_588 = arith.constant 0 : i32
    %dma_wait3A_589 = tpu.memref_slice %arg9[%dma_wait3A_582, %dma_wait3A_587, %dma_wait3A_588] : memref<4x64x129xf32, #tpu.memory_space<vmem>> -> memref<1x8x128xf32, #tpu.memory_space<vmem>>
    %dma_wait3A_590 = tpu.memref_squeeze %dma_wait3A_589 : memref<1x8x128xf32, #tpu.memory_space<vmem>> -> memref<8x128xf32, #tpu.memory_space<vmem>>
    %dma_wait3A_591 = arith.constant 0 : i32
    %dma_wait3A_592 = arith.constant 0 : i32
    %dma_wait3A_593 = tpu.memref_slice %arg6[%dma_wait3A_583, %dma_wait3A_584, %dma_wait3A_585, %dma_wait3A_591, %dma_wait3A_592] : memref<50x8x128x8x128xf32, #tpu.memory_space<hbm>> -> memref<1x1x1x8x128xf32, #tpu.memory_space<hbm>>
    %dma_wait3A_594 = tpu.memref_squeeze %dma_wait3A_593 : memref<1x1x1x8x128xf32, #tpu.memory_space<hbm>> -> memref<8x128xf32, #tpu.memory_space<hbm>>
    %dma_wait3A_595 = tpu.memref_slice %arg13[%dma_wait3A_586] : memref<4x!tpu.dma_semaphore, #tpu.memory_space<semaphore_mem>> -> memref<1x!tpu.dma_semaphore, #tpu.memory_space<semaphore_mem>>
    %dma_wait3A_596 = tpu.memref_squeeze %dma_wait3A_595 : memref<1x!tpu.dma_semaphore, #tpu.memory_space<semaphore_mem>> -> memref<!tpu.dma_semaphore, #tpu.memory_space<semaphore_mem>>
    %dma_wait3A_597 = arith.constant 0 : i32
    %dma_wait3A_598 = arith.constant 0 : i32
    %dma_wait3A_599 = tpu.memref_slice %arg6[%dma_wait3A_583, %dma_wait3A_584, %dma_wait3A_585, %dma_wait3A_597, %dma_wait3A_598] : memref<50x8x128x8x128xf32, #tpu.memory_space<hbm>> -> memref<1x1x1x8x128xf32, #tpu.memory_space<hbm>>
    %dma_wait3A_600 = tpu.memref_squeeze %dma_wait3A_599 : memref<1x1x1x8x128xf32, #tpu.memory_space<hbm>> -> memref<8x128xf32, #tpu.memory_space<hbm>>
    %dma_wait3A_601 = arith.constant 0 : i32
    %dma_wait3A_602 = arith.constant 0 : i32
    %dma_wait3A_603 = tpu.memref_slice %arg9[%dma_wait3A_582, %dma_wait3A_601, %dma_wait3A_602] : memref<4x64x129xf32, #tpu.memory_space<vmem>> -> memref<1x8x128xf32, #tpu.memory_space<vmem>>
    %dma_wait3A_604 = tpu.memref_squeeze %dma_wait3A_603 : memref<1x8x128xf32, #tpu.memory_space<vmem>> -> memref<8x128xf32, #tpu.memory_space<vmem>>
    tpu.wait_dma2 semaphore(%dma_wait3A_596 : memref<!tpu.dma_semaphore, #tpu.memory_space<semaphore_mem>>) src(%dma_wait3A_604 : memref<8x128xf32, #tpu.memory_space<vmem>>) dst(%dma_wait3A_600 : memref<8x128xf32, #tpu.memory_space<hbm>>)
    %dma_wait3A_605 = arith.constant 2 : i32
    %dma_wait3A_606 = arith.constant 0 : i32
    %dma_wait3A_607 = arith.constant 0 : i32
    %dma_wait3A_608 = arith.constant 0 : i32
    %dma_wait3A_609 = arith.constant 2 : i32
    %dma_wait3A_610 = arith.constant 0 : i32
    %dma_wait3A_611 = arith.constant 0 : i32
    %dma_wait3A_612 = tpu.memref_slice %arg9[%dma_wait3A_605, %dma_wait3A_610, %dma_wait3A_611] : memref<4x64x129xf32, #tpu.memory_space<vmem>> -> memref<1x8x128xf32, #tpu.memory_space<vmem>>
    %dma_wait3A_613 = tpu.memref_squeeze %dma_wait3A_612 : memref<1x8x128xf32, #tpu.memory_space<vmem>> -> memref<8x128xf32, #tpu.memory_space<vmem>>
    %dma_wait3A_614 = arith.constant 0 : i32
    %dma_wait3A_615 = arith.constant 0 : i32
    %dma_wait3A_616 = tpu.memref_slice %arg6[%dma_wait3A_606, %dma_wait3A_607, %dma_wait3A_608, %dma_wait3A_614, %dma_wait3A_615] : memref<50x8x128x8x128xf32, #tpu.memory_space<hbm>> -> memref<1x1x1x8x128xf32, #tpu.memory_space<hbm>>
    %dma_wait3A_617 = tpu.memref_squeeze %dma_wait3A_616 : memref<1x1x1x8x128xf32, #tpu.memory_space<hbm>> -> memref<8x128xf32, #tpu.memory_space<hbm>>
    %dma_wait3A_618 = tpu.memref_slice %arg13[%dma_wait3A_609] : memref<4x!tpu.dma_semaphore, #tpu.memory_space<semaphore_mem>> -> memref<1x!tpu.dma_semaphore, #tpu.memory_space<semaphore_mem>>
    %dma_wait3A_619 = tpu.memref_squeeze %dma_wait3A_618 : memref<1x!tpu.dma_semaphore, #tpu.memory_space<semaphore_mem>> -> memref<!tpu.dma_semaphore, #tpu.memory_space<semaphore_mem>>
    %dma_wait3A_620 = arith.constant 0 : i32
    %dma_wait3A_621 = arith.constant 0 : i32
    %dma_wait3A_622 = tpu.memref_slice %arg6[%dma_wait3A_606, %dma_wait3A_607, %dma_wait3A_608, %dma_wait3A_620, %dma_wait3A_621] : memref<50x8x128x8x128xf32, #tpu.memory_space<hbm>> -> memref<1x1x1x8x128xf32, #tpu.memory_space<hbm>>
    %dma_wait3A_623 = tpu.memref_squeeze %dma_wait3A_622 : memref<1x1x1x8x128xf32, #tpu.memory_space<hbm>> -> memref<8x128xf32, #tpu.memory_space<hbm>>
    %dma_wait3A_624 = arith.constant 0 : i32
    %dma_wait3A_625 = arith.constant 0 : i32
    %dma_wait3A_626 = tpu.memref_slice %arg9[%dma_wait3A_605, %dma_wait3A_624, %dma_wait3A_625] : memref<4x64x129xf32, #tpu.memory_space<vmem>> -> memref<1x8x128xf32, #tpu.memory_space<vmem>>
    %dma_wait3A_627 = tpu.memref_squeeze %dma_wait3A_626 : memref<1x8x128xf32, #tpu.memory_space<vmem>> -> memref<8x128xf32, #tpu.memory_space<vmem>>
    tpu.wait_dma2 semaphore(%dma_wait3A_619 : memref<!tpu.dma_semaphore, #tpu.memory_space<semaphore_mem>>) src(%dma_wait3A_627 : memref<8x128xf32, #tpu.memory_space<vmem>>) dst(%dma_wait3A_623 : memref<8x128xf32, #tpu.memory_space<hbm>>)
    %dma_wait3A_628 = arith.constant 3 : i32
    %dma_wait3A_629 = arith.constant 0 : i32
    %dma_wait3A_630 = arith.constant 0 : i32
    %dma_wait3A_631 = arith.constant 0 : i32
    %dma_wait3A_632 = arith.constant 3 : i32
    %dma_wait3A_633 = arith.constant 0 : i32
    %dma_wait3A_634 = arith.constant 0 : i32
    %dma_wait3A_635 = tpu.memref_slice %arg9[%dma_wait3A_628, %dma_wait3A_633, %dma_wait3A_634] : memref<4x64x129xf32, #tpu.memory_space<vmem>> -> memref<1x8x128xf32, #tpu.memory_space<vmem>>
    %dma_wait3A_636 = tpu.memref_squeeze %dma_wait3A_635 : memref<1x8x128xf32, #tpu.memory_space<vmem>> -> memref<8x128xf32, #tpu.memory_space<vmem>>
    %dma_wait3A_637 = arith.constant 0 : i32
    %dma_wait3A_638 = arith.constant 0 : i32
    %dma_wait3A_639 = tpu.memref_slice %arg6[%dma_wait3A_629, %dma_wait3A_630, %dma_wait3A_631, %dma_wait3A_637, %dma_wait3A_638] : memref<50x8x128x8x128xf32, #tpu.memory_space<hbm>> -> memref<1x1x1x8x128xf32, #tpu.memory_space<hbm>>
    %dma_wait3A_640 = tpu.memref_squeeze %dma_wait3A_639 : memref<1x1x1x8x128xf32, #tpu.memory_space<hbm>> -> memref<8x128xf32, #tpu.memory_space<hbm>>
    %dma_wait3A_641 = tpu.memref_slice %arg13[%dma_wait3A_632] : memref<4x!tpu.dma_semaphore, #tpu.memory_space<semaphore_mem>> -> memref<1x!tpu.dma_semaphore, #tpu.memory_space<semaphore_mem>>
    %dma_wait3A_642 = tpu.memref_squeeze %dma_wait3A_641 : memref<1x!tpu.dma_semaphore, #tpu.memory_space<semaphore_mem>> -> memref<!tpu.dma_semaphore, #tpu.memory_space<semaphore_mem>>
    %dma_wait3A_643 = arith.constant 0 : i32
    %dma_wait3A_644 = arith.constant 0 : i32
    %dma_wait3A_645 = tpu.memref_slice %arg6[%dma_wait3A_629, %dma_wait3A_630, %dma_wait3A_631, %dma_wait3A_643, %dma_wait3A_644] : memref<50x8x128x8x128xf32, #tpu.memory_space<hbm>> -> memref<1x1x1x8x128xf32, #tpu.memory_space<hbm>>
    %dma_wait3A_646 = tpu.memref_squeeze %dma_wait3A_645 : memref<1x1x1x8x128xf32, #tpu.memory_space<hbm>> -> memref<8x128xf32, #tpu.memory_space<hbm>>
    %dma_wait3A_647 = arith.constant 0 : i32
    %dma_wait3A_648 = arith.constant 0 : i32
    %dma_wait3A_649 = tpu.memref_slice %arg9[%dma_wait3A_628, %dma_wait3A_647, %dma_wait3A_648] : memref<4x64x129xf32, #tpu.memory_space<vmem>> -> memref<1x8x128xf32, #tpu.memory_space<vmem>>
    %dma_wait3A_650 = tpu.memref_squeeze %dma_wait3A_649 : memref<1x8x128xf32, #tpu.memory_space<vmem>> -> memref<8x128xf32, #tpu.memory_space<vmem>>
    tpu.wait_dma2 semaphore(%dma_wait3A_642 : memref<!tpu.dma_semaphore, #tpu.memory_space<semaphore_mem>>) src(%dma_wait3A_650 : memref<8x128xf32, #tpu.memory_space<vmem>>) dst(%dma_wait3A_646 : memref<8x128xf32, #tpu.memory_space<hbm>>)
    %dma_wait3A_651 = arith.constant 3 : i32
    %dma_wait3A_652 = arith.constant 0 : i32
    %dma_wait3A_653 = arith.constant 0 : i32
    %dma_wait3A_654 = arith.constant 0 : i32
    %dma_wait3A_655 = arith.constant 3 : i32
    %dma_wait3A_656 = arith.constant 0 : i32
    %dma_wait3A_657 = arith.constant 0 : i32
    %dma_wait3A_658 = tpu.memref_slice %arg9[%dma_wait3A_651, %dma_wait3A_656, %dma_wait3A_657] : memref<4x64x129xf32, #tpu.memory_space<vmem>> -> memref<1x8x128xf32, #tpu.memory_space<vmem>>
    %dma_wait3A_659 = tpu.memref_squeeze %dma_wait3A_658 : memref<1x8x128xf32, #tpu.memory_space<vmem>> -> memref<8x128xf32, #tpu.memory_space<vmem>>
    %dma_wait3A_660 = arith.constant 0 : i32
    %dma_wait3A_661 = arith.constant 0 : i32
    %dma_wait3A_662 = tpu.memref_slice %arg6[%dma_wait3A_652, %dma_wait3A_653, %dma_wait3A_654, %dma_wait3A_660, %dma_wait3A_661] : memref<50x8x128x8x128xf32, #tpu.memory_space<hbm>> -> memref<1x1x1x8x128xf32, #tpu.memory_space<hbm>>
    %dma_wait3A_663 = tpu.memref_squeeze %dma_wait3A_662 : memref<1x1x1x8x128xf32, #tpu.memory_space<hbm>> -> memref<8x128xf32, #tpu.memory_space<hbm>>
    %dma_wait3A_664 = tpu.memref_slice %arg13[%dma_wait3A_655] : memref<4x!tpu.dma_semaphore, #tpu.memory_space<semaphore_mem>> -> memref<1x!tpu.dma_semaphore, #tpu.memory_space<semaphore_mem>>
    %dma_wait3A_665 = tpu.memref_squeeze %dma_wait3A_664 : memref<1x!tpu.dma_semaphore, #tpu.memory_space<semaphore_mem>> -> memref<!tpu.dma_semaphore, #tpu.memory_space<semaphore_mem>>
    %dma_wait3A_666 = arith.constant 0 : i32
    %dma_wait3A_667 = arith.constant 0 : i32
    %dma_wait3A_668 = tpu.memref_slice %arg6[%dma_wait3A_652, %dma_wait3A_653, %dma_wait3A_654, %dma_wait3A_666, %dma_wait3A_667] : memref<50x8x128x8x128xf32, #tpu.memory_space<hbm>> -> memref<1x1x1x8x128xf32, #tpu.memory_space<hbm>>
    %dma_wait3A_669 = tpu.memref_squeeze %dma_wait3A_668 : memref<1x1x1x8x128xf32, #tpu.memory_space<hbm>> -> memref<8x128xf32, #tpu.memory_space<hbm>>
    %dma_wait3A_670 = arith.constant 0 : i32
    %dma_wait3A_671 = arith.constant 0 : i32
    %dma_wait3A_672 = tpu.memref_slice %arg9[%dma_wait3A_651, %dma_wait3A_670, %dma_wait3A_671] : memref<4x64x129xf32, #tpu.memory_space<vmem>> -> memref<1x8x128xf32, #tpu.memory_space<vmem>>
    %dma_wait3A_673 = tpu.memref_squeeze %dma_wait3A_672 : memref<1x8x128xf32, #tpu.memory_space<vmem>> -> memref<8x128xf32, #tpu.memory_space<vmem>>
    tpu.wait_dma2 semaphore(%dma_wait3A_665 : memref<!tpu.dma_semaphore, #tpu.memory_space<semaphore_mem>>) src(%dma_wait3A_673 : memref<8x128xf32, #tpu.memory_space<vmem>>) dst(%dma_wait3A_669 : memref<8x128xf32, #tpu.memory_space<hbm>>)
    %dma_wait3A_674 = arith.constant 3 : i32
    %dma_wait3A_675 = arith.constant 0 : i32
    %dma_wait3A_676 = arith.constant 0 : i32
    %dma_wait3A_677 = arith.constant 0 : i32
    %dma_wait3A_678 = arith.constant 3 : i32
    %dma_wait3A_679 = arith.constant 0 : i32
    %dma_wait3A_680 = arith.constant 0 : i32
    %dma_wait3A_681 = tpu.memref_slice %arg9[%dma_wait3A_674, %dma_wait3A_679, %dma_wait3A_680] : memref<4x64x129xf32, #tpu.memory_space<vmem>> -> memref<1x8x128xf32, #tpu.memory_space<vmem>>
    %dma_wait3A_682 = tpu.memref_squeeze %dma_wait3A_681 : memref<1x8x128xf32, #tpu.memory_space<vmem>> -> memref<8x128xf32, #tpu.memory_space<vmem>>
    %dma_wait3A_683 = arith.constant 0 : i32
    %dma_wait3A_684 = arith.constant 0 : i32
    %dma_wait3A_685 = tpu.memref_slice %arg6[%dma_wait3A_675, %dma_wait3A_676, %dma_wait3A_677, %dma_wait3A_683, %dma_wait3A_684] : memref<50x8x128x8x128xf32, #tpu.memory_space<hbm>> -> memref<1x1x1x8x128xf32, #tpu.memory_space<hbm>>
    %dma_wait3A_686 = tpu.memref_squeeze %dma_wait3A_685 : memref<1x1x1x8x128xf32, #tpu.memory_space<hbm>> -> memref<8x128xf32, #tpu.memory_space<hbm>>
    %dma_wait3A_687 = tpu.memref_slice %arg13[%dma_wait3A_678] : memref<4x!tpu.dma_semaphore, #tpu.memory_space<semaphore_mem>> -> memref<1x!tpu.dma_semaphore, #tpu.memory_space<semaphore_mem>>
    %dma_wait3A_688 = tpu.memref_squeeze %dma_wait3A_687 : memref<1x!tpu.dma_semaphore, #tpu.memory_space<semaphore_mem>> -> memref<!tpu.dma_semaphore, #tpu.memory_space<semaphore_mem>>
    %dma_wait3A_689 = arith.constant 0 : i32
    %dma_wait3A_690 = arith.constant 0 : i32
    %dma_wait3A_691 = tpu.memref_slice %arg6[%dma_wait3A_675, %dma_wait3A_676, %dma_wait3A_677, %dma_wait3A_689, %dma_wait3A_690] : memref<50x8x128x8x128xf32, #tpu.memory_space<hbm>> -> memref<1x1x1x8x128xf32, #tpu.memory_space<hbm>>
    %dma_wait3A_692 = tpu.memref_squeeze %dma_wait3A_691 : memref<1x1x1x8x128xf32, #tpu.memory_space<hbm>> -> memref<8x128xf32, #tpu.memory_space<hbm>>
    %dma_wait3A_693 = arith.constant 0 : i32
    %dma_wait3A_694 = arith.constant 0 : i32
    %dma_wait3A_695 = tpu.memref_slice %arg9[%dma_wait3A_674, %dma_wait3A_693, %dma_wait3A_694] : memref<4x64x129xf32, #tpu.memory_space<vmem>> -> memref<1x8x128xf32, #tpu.memory_space<vmem>>
    %dma_wait3A_696 = tpu.memref_squeeze %dma_wait3A_695 : memref<1x8x128xf32, #tpu.memory_space<vmem>> -> memref<8x128xf32, #tpu.memory_space<vmem>>
    tpu.wait_dma2 semaphore(%dma_wait3A_688 : memref<!tpu.dma_semaphore, #tpu.memory_space<semaphore_mem>>) src(%dma_wait3A_696 : memref<8x128xf32, #tpu.memory_space<vmem>>) dst(%dma_wait3A_692 : memref<8x128xf32, #tpu.memory_space<hbm>>)
    %dma_wait3A_697 = arith.constant 3 : i32
    %dma_wait3A_698 = arith.constant 0 : i32
    %dma_wait3A_699 = arith.constant 0 : i32
    %dma_wait3A_700 = arith.constant 0 : i32
    %dma_wait3A_701 = arith.constant 3 : i32
    %dma_wait3A_702 = arith.constant 0 : i32
    %dma_wait3A_703 = arith.constant 0 : i32
    %dma_wait3A_704 = tpu.memref_slice %arg9[%dma_wait3A_697, %dma_wait3A_702, %dma_wait3A_703] : memref<4x64x129xf32, #tpu.memory_space<vmem>> -> memref<1x8x128xf32, #tpu.memory_space<vmem>>
    %dma_wait3A_705 = tpu.memref_squeeze %dma_wait3A_704 : memref<1x8x128xf32, #tpu.memory_space<vmem>> -> memref<8x128xf32, #tpu.memory_space<vmem>>
    %dma_wait3A_706 = arith.constant 0 : i32
    %dma_wait3A_707 = arith.constant 0 : i32
    %dma_wait3A_708 = tpu.memref_slice %arg6[%dma_wait3A_698, %dma_wait3A_699, %dma_wait3A_700, %dma_wait3A_706, %dma_wait3A_707] : memref<50x8x128x8x128xf32, #tpu.memory_space<hbm>> -> memref<1x1x1x8x128xf32, #tpu.memory_space<hbm>>
    %dma_wait3A_709 = tpu.memref_squeeze %dma_wait3A_708 : memref<1x1x1x8x128xf32, #tpu.memory_space<hbm>> -> memref<8x128xf32, #tpu.memory_space<hbm>>
    %dma_wait3A_710 = tpu.memref_slice %arg13[%dma_wait3A_701] : memref<4x!tpu.dma_semaphore, #tpu.memory_space<semaphore_mem>> -> memref<1x!tpu.dma_semaphore, #tpu.memory_space<semaphore_mem>>
    %dma_wait3A_711 = tpu.memref_squeeze %dma_wait3A_710 : memref<1x!tpu.dma_semaphore, #tpu.memory_space<semaphore_mem>> -> memref<!tpu.dma_semaphore, #tpu.memory_space<semaphore_mem>>
    %dma_wait3A_712 = arith.constant 0 : i32
    %dma_wait3A_713 = arith.constant 0 : i32
    %dma_wait3A_714 = tpu.memref_slice %arg6[%dma_wait3A_698, %dma_wait3A_699, %dma_wait3A_700, %dma_wait3A_712, %dma_wait3A_713] : memref<50x8x128x8x128xf32, #tpu.memory_space<hbm>> -> memref<1x1x1x8x128xf32, #tpu.memory_space<hbm>>
    %dma_wait3A_715 = tpu.memref_squeeze %dma_wait3A_714 : memref<1x1x1x8x128xf32, #tpu.memory_space<hbm>> -> memref<8x128xf32, #tpu.memory_space<hbm>>
    %dma_wait3A_716 = arith.constant 0 : i32
    %dma_wait3A_717 = arith.constant 0 : i32
    %dma_wait3A_718 = tpu.memref_slice %arg9[%dma_wait3A_697, %dma_wait3A_716, %dma_wait3A_717] : memref<4x64x129xf32, #tpu.memory_space<vmem>> -> memref<1x8x128xf32, #tpu.memory_space<vmem>>
    %dma_wait3A_719 = tpu.memref_squeeze %dma_wait3A_718 : memref<1x8x128xf32, #tpu.memory_space<vmem>> -> memref<8x128xf32, #tpu.memory_space<vmem>>
    tpu.wait_dma2 semaphore(%dma_wait3A_711 : memref<!tpu.dma_semaphore, #tpu.memory_space<semaphore_mem>>) src(%dma_wait3A_719 : memref<8x128xf32, #tpu.memory_space<vmem>>) dst(%dma_wait3A_715 : memref<8x128xf32, #tpu.memory_space<hbm>>)
    %dma_wait3A_720 = arith.constant 3 : i32
    %dma_wait3A_721 = arith.constant 0 : i32
    %dma_wait3A_722 = arith.constant 0 : i32
    %dma_wait3A_723 = arith.constant 0 : i32
    %dma_wait3A_724 = arith.constant 3 : i32
    %dma_wait3A_725 = arith.constant 0 : i32
    %dma_wait3A_726 = arith.constant 0 : i32
    %dma_wait3A_727 = tpu.memref_slice %arg9[%dma_wait3A_720, %dma_wait3A_725, %dma_wait3A_726] : memref<4x64x129xf32, #tpu.memory_space<vmem>> -> memref<1x8x128xf32, #tpu.memory_space<vmem>>
    %dma_wait3A_728 = tpu.memref_squeeze %dma_wait3A_727 : memref<1x8x128xf32, #tpu.memory_space<vmem>> -> memref<8x128xf32, #tpu.memory_space<vmem>>
    %dma_wait3A_729 = arith.constant 0 : i32
    %dma_wait3A_730 = arith.constant 0 : i32
    %dma_wait3A_731 = tpu.memref_slice %arg6[%dma_wait3A_721, %dma_wait3A_722, %dma_wait3A_723, %dma_wait3A_729, %dma_wait3A_730] : memref<50x8x128x8x128xf32, #tpu.memory_space<hbm>> -> memref<1x1x1x8x128xf32, #tpu.memory_space<hbm>>
    %dma_wait3A_732 = tpu.memref_squeeze %dma_wait3A_731 : memref<1x1x1x8x128xf32, #tpu.memory_space<hbm>> -> memref<8x128xf32, #tpu.memory_space<hbm>>
    %dma_wait3A_733 = tpu.memref_slice %arg13[%dma_wait3A_724] : memref<4x!tpu.dma_semaphore, #tpu.memory_space<semaphore_mem>> -> memref<1x!tpu.dma_semaphore, #tpu.memory_space<semaphore_mem>>
    %dma_wait3A_734 = tpu.memref_squeeze %dma_wait3A_733 : memref<1x!tpu.dma_semaphore, #tpu.memory_space<semaphore_mem>> -> memref<!tpu.dma_semaphore, #tpu.memory_space<semaphore_mem>>
    %dma_wait3A_735 = arith.constant 0 : i32
    %dma_wait3A_736 = arith.constant 0 : i32
    %dma_wait3A_737 = tpu.memref_slice %arg6[%dma_wait3A_721, %dma_wait3A_722, %dma_wait3A_723, %dma_wait3A_735, %dma_wait3A_736] : memref<50x8x128x8x128xf32, #tpu.memory_space<hbm>> -> memref<1x1x1x8x128xf32, #tpu.memory_space<hbm>>
    %dma_wait3A_738 = tpu.memref_squeeze %dma_wait3A_737 : memref<1x1x1x8x128xf32, #tpu.memory_space<hbm>> -> memref<8x128xf32, #tpu.memory_space<hbm>>
    %dma_wait3A_739 = arith.constant 0 : i32
    %dma_wait3A_740 = arith.constant 0 : i32
    %dma_wait3A_741 = tpu.memref_slice %arg9[%dma_wait3A_720, %dma_wait3A_739, %dma_wait3A_740] : memref<4x64x129xf32, #tpu.memory_space<vmem>> -> memref<1x8x128xf32, #tpu.memory_space<vmem>>
    %dma_wait3A_742 = tpu.memref_squeeze %dma_wait3A_741 : memref<1x8x128xf32, #tpu.memory_space<vmem>> -> memref<8x128xf32, #tpu.memory_space<vmem>>
    tpu.wait_dma2 semaphore(%dma_wait3A_734 : memref<!tpu.dma_semaphore, #tpu.memory_space<semaphore_mem>>) src(%dma_wait3A_742 : memref<8x128xf32, #tpu.memory_space<vmem>>) dst(%dma_wait3A_738 : memref<8x128xf32, #tpu.memory_space<hbm>>)
    %dma_wait3A_743 = arith.constant 3 : i32
    %dma_wait3A_744 = arith.constant 0 : i32
    %dma_wait3A_745 = arith.constant 0 : i32
    %dma_wait3A_746 = arith.constant 0 : i32
    %dma_wait3A_747 = arith.constant 3 : i32
    %dma_wait3A_748 = arith.constant 0 : i32
    %dma_wait3A_749 = arith.constant 0 : i32
    %dma_wait3A_750 = tpu.memref_slice %arg9[%dma_wait3A_743, %dma_wait3A_748, %dma_wait3A_749] : memref<4x64x129xf32, #tpu.memory_space<vmem>> -> memref<1x8x128xf32, #tpu.memory_space<vmem>>
    %dma_wait3A_751 = tpu.memref_squeeze %dma_wait3A_750 : memref<1x8x128xf32, #tpu.memory_space<vmem>> -> memref<8x128xf32, #tpu.memory_space<vmem>>
    %dma_wait3A_752 = arith.constant 0 : i32
    %dma_wait3A_753 = arith.constant 0 : i32
    %dma_wait3A_754 = tpu.memref_slice %arg6[%dma_wait3A_744, %dma_wait3A_745, %dma_wait3A_746, %dma_wait3A_752, %dma_wait3A_753] : memref<50x8x128x8x128xf32, #tpu.memory_space<hbm>> -> memref<1x1x1x8x128xf32, #tpu.memory_space<hbm>>
    %dma_wait3A_755 = tpu.memref_squeeze %dma_wait3A_754 : memref<1x1x1x8x128xf32, #tpu.memory_space<hbm>> -> memref<8x128xf32, #tpu.memory_space<hbm>>
    %dma_wait3A_756 = tpu.memref_slice %arg13[%dma_wait3A_747] : memref<4x!tpu.dma_semaphore, #tpu.memory_space<semaphore_mem>> -> memref<1x!tpu.dma_semaphore, #tpu.memory_space<semaphore_mem>>
    %dma_wait3A_757 = tpu.memref_squeeze %dma_wait3A_756 : memref<1x!tpu.dma_semaphore, #tpu.memory_space<semaphore_mem>> -> memref<!tpu.dma_semaphore, #tpu.memory_space<semaphore_mem>>
    %dma_wait3A_758 = arith.constant 0 : i32
    %dma_wait3A_759 = arith.constant 0 : i32
    %dma_wait3A_760 = tpu.memref_slice %arg6[%dma_wait3A_744, %dma_wait3A_745, %dma_wait3A_746, %dma_wait3A_758, %dma_wait3A_759] : memref<50x8x128x8x128xf32, #tpu.memory_space<hbm>> -> memref<1x1x1x8x128xf32, #tpu.memory_space<hbm>>
    %dma_wait3A_761 = tpu.memref_squeeze %dma_wait3A_760 : memref<1x1x1x8x128xf32, #tpu.memory_space<hbm>> -> memref<8x128xf32, #tpu.memory_space<hbm>>
    %dma_wait3A_762 = arith.constant 0 : i32
    %dma_wait3A_763 = arith.constant 0 : i32
    %dma_wait3A_764 = tpu.memref_slice %arg9[%dma_wait3A_743, %dma_wait3A_762, %dma_wait3A_763] : memref<4x64x129xf32, #tpu.memory_space<vmem>> -> memref<1x8x128xf32, #tpu.memory_space<vmem>>
    %dma_wait3A_765 = tpu.memref_squeeze %dma_wait3A_764 : memref<1x8x128xf32, #tpu.memory_space<vmem>> -> memref<8x128xf32, #tpu.memory_space<vmem>>
    tpu.wait_dma2 semaphore(%dma_wait3A_757 : memref<!tpu.dma_semaphore, #tpu.memory_space<semaphore_mem>>) src(%dma_wait3A_765 : memref<8x128xf32, #tpu.memory_space<vmem>>) dst(%dma_wait3A_761 : memref<8x128xf32, #tpu.memory_space<hbm>>)
    %dma_wait3A_766 = arith.constant 3 : i32
    %dma_wait3A_767 = arith.constant 0 : i32
    %dma_wait3A_768 = arith.constant 0 : i32
    %dma_wait3A_769 = arith.constant 0 : i32
    %dma_wait3A_770 = arith.constant 3 : i32
    %dma_wait3A_771 = arith.constant 0 : i32
    %dma_wait3A_772 = arith.constant 0 : i32
    %dma_wait3A_773 = tpu.memref_slice %arg9[%dma_wait3A_766, %dma_wait3A_771, %dma_wait3A_772] : memref<4x64x129xf32, #tpu.memory_space<vmem>> -> memref<1x8x128xf32, #tpu.memory_space<vmem>>
    %dma_wait3A_774 = tpu.memref_squeeze %dma_wait3A_773 : memref<1x8x128xf32, #tpu.memory_space<vmem>> -> memref<8x128xf32, #tpu.memory_space<vmem>>
    %dma_wait3A_775 = arith.constant 0 : i32
    %dma_wait3A_776 = arith.constant 0 : i32
    %dma_wait3A_777 = tpu.memref_slice %arg6[%dma_wait3A_767, %dma_wait3A_768, %dma_wait3A_769, %dma_wait3A_775, %dma_wait3A_776] : memref<50x8x128x8x128xf32, #tpu.memory_space<hbm>> -> memref<1x1x1x8x128xf32, #tpu.memory_space<hbm>>
    %dma_wait3A_778 = tpu.memref_squeeze %dma_wait3A_777 : memref<1x1x1x8x128xf32, #tpu.memory_space<hbm>> -> memref<8x128xf32, #tpu.memory_space<hbm>>
    %dma_wait3A_779 = tpu.memref_slice %arg13[%dma_wait3A_770] : memref<4x!tpu.dma_semaphore, #tpu.memory_space<semaphore_mem>> -> memref<1x!tpu.dma_semaphore, #tpu.memory_space<semaphore_mem>>
    %dma_wait3A_780 = tpu.memref_squeeze %dma_wait3A_779 : memref<1x!tpu.dma_semaphore, #tpu.memory_space<semaphore_mem>> -> memref<!tpu.dma_semaphore, #tpu.memory_space<semaphore_mem>>
    %dma_wait3A_781 = arith.constant 0 : i32
    %dma_wait3A_782 = arith.constant 0 : i32
    %dma_wait3A_783 = tpu.memref_slice %arg6[%dma_wait3A_767, %dma_wait3A_768, %dma_wait3A_769, %dma_wait3A_781, %dma_wait3A_782] : memref<50x8x128x8x128xf32, #tpu.memory_space<hbm>> -> memref<1x1x1x8x128xf32, #tpu.memory_space<hbm>>
    %dma_wait3A_784 = tpu.memref_squeeze %dma_wait3A_783 : memref<1x1x1x8x128xf32, #tpu.memory_space<hbm>> -> memref<8x128xf32, #tpu.memory_space<hbm>>
    %dma_wait3A_785 = arith.constant 0 : i32
    %dma_wait3A_786 = arith.constant 0 : i32
    %dma_wait3A_787 = tpu.memref_slice %arg9[%dma_wait3A_766, %dma_wait3A_785, %dma_wait3A_786] : memref<4x64x129xf32, #tpu.memory_space<vmem>> -> memref<1x8x128xf32, #tpu.memory_space<vmem>>
    %dma_wait3A_788 = tpu.memref_squeeze %dma_wait3A_787 : memref<1x8x128xf32, #tpu.memory_space<vmem>> -> memref<8x128xf32, #tpu.memory_space<vmem>>
    tpu.wait_dma2 semaphore(%dma_wait3A_780 : memref<!tpu.dma_semaphore, #tpu.memory_space<semaphore_mem>>) src(%dma_wait3A_788 : memref<8x128xf32, #tpu.memory_space<vmem>>) dst(%dma_wait3A_784 : memref<8x128xf32, #tpu.memory_space<hbm>>)
    %dma_wait3A_789 = arith.constant 3 : i32
    %dma_wait3A_790 = arith.constant 0 : i32
    %dma_wait3A_791 = arith.constant 0 : i32
    %dma_wait3A_792 = arith.constant 0 : i32
    %dma_wait3A_793 = arith.constant 3 : i32
    %dma_wait3A_794 = arith.constant 0 : i32
    %dma_wait3A_795 = arith.constant 0 : i32
    %dma_wait3A_796 = tpu.memref_slice %arg9[%dma_wait3A_789, %dma_wait3A_794, %dma_wait3A_795] : memref<4x64x129xf32, #tpu.memory_space<vmem>> -> memref<1x8x128xf32, #tpu.memory_space<vmem>>
    %dma_wait3A_797 = tpu.memref_squeeze %dma_wait3A_796 : memref<1x8x128xf32, #tpu.memory_space<vmem>> -> memref<8x128xf32, #tpu.memory_space<vmem>>
    %dma_wait3A_798 = arith.constant 0 : i32
    %dma_wait3A_799 = arith.constant 0 : i32
    %dma_wait3A_800 = tpu.memref_slice %arg6[%dma_wait3A_790, %dma_wait3A_791, %dma_wait3A_792, %dma_wait3A_798, %dma_wait3A_799] : memref<50x8x128x8x128xf32, #tpu.memory_space<hbm>> -> memref<1x1x1x8x128xf32, #tpu.memory_space<hbm>>
    %dma_wait3A_801 = tpu.memref_squeeze %dma_wait3A_800 : memref<1x1x1x8x128xf32, #tpu.memory_space<hbm>> -> memref<8x128xf32, #tpu.memory_space<hbm>>
    %dma_wait3A_802 = tpu.memref_slice %arg13[%dma_wait3A_793] : memref<4x!tpu.dma_semaphore, #tpu.memory_space<semaphore_mem>> -> memref<1x!tpu.dma_semaphore, #tpu.memory_space<semaphore_mem>>
    %dma_wait3A_803 = tpu.memref_squeeze %dma_wait3A_802 : memref<1x!tpu.dma_semaphore, #tpu.memory_space<semaphore_mem>> -> memref<!tpu.dma_semaphore, #tpu.memory_space<semaphore_mem>>
    %dma_wait3A_804 = arith.constant 0 : i32
    %dma_wait3A_805 = arith.constant 0 : i32
    %dma_wait3A_806 = tpu.memref_slice %arg6[%dma_wait3A_790, %dma_wait3A_791, %dma_wait3A_792, %dma_wait3A_804, %dma_wait3A_805] : memref<50x8x128x8x128xf32, #tpu.memory_space<hbm>> -> memref<1x1x1x8x128xf32, #tpu.memory_space<hbm>>
    %dma_wait3A_807 = tpu.memref_squeeze %dma_wait3A_806 : memref<1x1x1x8x128xf32, #tpu.memory_space<hbm>> -> memref<8x128xf32, #tpu.memory_space<hbm>>
    %dma_wait3A_808 = arith.constant 0 : i32
    %dma_wait3A_809 = arith.constant 0 : i32
    %dma_wait3A_810 = tpu.memref_slice %arg9[%dma_wait3A_789, %dma_wait3A_808, %dma_wait3A_809] : memref<4x64x129xf32, #tpu.memory_space<vmem>> -> memref<1x8x128xf32, #tpu.memory_space<vmem>>
    %dma_wait3A_811 = tpu.memref_squeeze %dma_wait3A_810 : memref<1x8x128xf32, #tpu.memory_space<vmem>> -> memref<8x128xf32, #tpu.memory_space<vmem>>
    tpu.wait_dma2 semaphore(%dma_wait3A_803 : memref<!tpu.dma_semaphore, #tpu.memory_space<semaphore_mem>>) src(%dma_wait3A_811 : memref<8x128xf32, #tpu.memory_space<vmem>>) dst(%dma_wait3A_807 : memref<8x128xf32, #tpu.memory_space<hbm>>)
    return
  }
}

</mosaic_0001>

<sc_bundles>
// kernel: kernel.3.cloned.1.call-start
scs
__scs_entry_jumppad:
0x0: {  	(pc) =	sbr.rel $0x88, $3  }
0x1: {  	(tag) =	ssettag $0x0;
	lr =	simm.s32 $0x1  }
0x2: {  	[smem:$0x3F9D] =	sst lr;
	_ =	strace $0xD0000000  }
0x3: {  	_ = 	snop  }
0x4: {  	_ = 	snop  }
0x5: {  	_ = 	snop  }
0x6: {  	_ = 	snop  }
0x7: {  	_ = 	snop  }
__scs_overlays_trampoline_lowered:
0x8: {  	[smem:$0x3FAC] =	sst s0  }
0x9: {  	[smem:$0x3FAD] =	sst s1  }
0xa: {  	[smem:$0x3FAE] =	sst s2  }
0xb: {  	[smem:$0x3FAF] =	sst s3  }
0xc: {  	[smem:$0x3FB0] =	sst s4  }
0xd: {  	[smem:$0x3FB1] =	sst s5  }
0xe: {  	[smem:$0x3FB2] =	sst s6  }
0xf: {  	[smem:$0x3FB3] =	sst s7  }
0x10: {  	[smem:$0x3FB4] =	sst s8  }
0x11: {  	[smem:$0x3FB5] =	sst s9;
	s0 =	simm.s32 @!p0 $0x0  }
0x12: {  	s1 =	sld [smem:$0x3F9B];
	s0 =	simm.s32 @p0 $0x1  }
0x13: {  	[smem:$0x3FB6] =	sst s0;
	s0 =	simm.s32 @!p1 $0x0  }
0x14: {  	s2 =	sld [smem:$0x3F9A];
	s0 =	simm.s32 @p1 $0x1  }
0x15: {  	[smem:$0x3FB7] =	sst s0;
	s0 =	simm.s32 @!p2 $0x0  }
0x16: {  	s3 =	sld [smem:$0x3FDB];
	s0 =	simm.s32 @p2 $0x1  }
0x17: {  	s4 =	simm.s32 $0x1BF5;
	[smem:$0x3FB9] =	sst s0  }
0x18: {  	s0 =	sld [smem:$0x3F9C];
	_ =	swait.ge [sflag:s4], $0x0  }
0x19: {  	s7 =	sld [smem:$0x3F9D]  }
0x1a: {  	s8 =	sadd.s32 $0xFFFFE003, lr  }
0x1b: {  	s9 =	sadd.s32 $0xFFFFFEF7, lr;
	s5 =	simm.s32 $0xFFFFFFFF;
	p2 =	slt.u32 s8, $0xFFFFF086  }
0x1c: {  	p1 =	slt.u32 s9, $0xF7A;
	s5 =	simm.s32 @!p2 $0x0  }
0x1d: {  	s5 =	simm.s32 @p1 $0x1;
	p0 =	seq.s32 s7, s2  }
0x1e: {  	s7 =	smul.u32 @!p0 $0xF7A, s2;
	p2 =	seq.s32 @!p0 s5, $0x0  }
0x1f: {  	s9 =	smul.u32 $0xF7A, s1;
	s8 =	simm.s32 @!p0 $0x1BF5;
	p2 =	por !p2, p0  }
0x20: {  	[sflag:s8] =	ssyncset.s32 @!p0 $0xFFFFF086;
	s6 =	sadd.s32 @!p0 s3, s7;
	s7 =	simm.s32 @!p0 $0x108  }
0x21: {  	s3 =	sadd.s32 s3, s9;
	s6 =	sadd.s32 @!p0 $0x88, s6;
	s7 =	simm.s32 @p2 $0x1082  }
0x22: {  	[simem:s7], [sflag:s8] =	dma.local @!p0 [hbm:s6], $0xF7A  }
0x23: {  	s9 =	sor.u32 $0xD0000000, s2;
	s6 =	simm.s32 $0x108;
	_ =	swait.ge @!p0 [sflag:s8], $0x0  }
0x24: {  	s3 =	sadd.s32 $0x88, s3;
	s6 =	simm.s32 @!p1 $0x1082;
	[sflag:s4] =	ssyncset.s32 $0xFFFFF086  }
0x25: {  	[simem:s6], [sflag:s4] =	dma.local [hbm:s3], $0xF7A  }
0x26: {  	[smem:$0x3F9D] =	sst s1;
	(tag) =	ssettag s2;
	_ =	strace s9  }
0x27: {  	s1 =	sld [smem:$0x3FAD]  }
0x28: {  	s2 =	sld [smem:$0x3FAE]  }
0x29: {  	s4 =	sld [smem:$0x3FB0]  }
0x2a: {  	p0 =	seq.s32 s5, $0x0;
	s5 =	sld [smem:$0x3FB1]  }
0x2b: {  	s6 =	sld [smem:$0x3FB2]  }
0x2c: {  	s7 =	sld [smem:$0x3FB3]  }
0x2d: {  	s3 =	simm.s32 $0x108;
	s8 =	sld [smem:$0x3FB4]  }
0x2e: {  	s3 =	simm.s32 @!p0 $0x1082;
	s9 =	sld [smem:$0x3FB5]  }
0x2f: {  	lr =	sadd.s32 s0, s3;
	s0 =	sld [smem:$0x3FAC]  }
0x30: {  	s3 =	sld [smem:$0x3FAF]  }
0x31: {  	[smem:$0x3FB8] =	sst s10  }
0x32: {  	s10 =	sld [smem:$0x3FB6];
	_ =	sdelay $0x3  }
0x33: {  	p0 =	seq.s32 s10, $0x1;
	s10 =	sld [smem:$0x3FB8];
	_ =	sdelay $0x3  }
0x34: {  	[smem:$0x3FB8] =	sst s10  }
0x35: {  	s10 =	sld [smem:$0x3FB7];
	_ =	sdelay $0x3  }
0x36: {  	p1 =	seq.s32 s10, $0x1;
	s10 =	sld [smem:$0x3FB8];
	_ =	sdelay $0x3  }
0x37: {  	[smem:$0x3FB8] =	sst s10  }
0x38: {  	s10 =	sld [smem:$0x3FB9]  }
0x39: {  	_ = 	snop;
	(pc) =	sbr.ind lr, $3  }
0x3a: {  	_ = 	snop  }
0x3b: {  	_ = 	snop  }
0x3c: {  	p2 =	seq.s32 s10, $0x1;
	s10 =	sld [smem:$0x3FB8]  }
0x3d: {  	_ =	shalt  }
0x3e: {  	_ =	shalt  }
0x3f: {  	_ =	shalt  }
0x40: {  	_ =	shalt  }
0x41: {  	_ =	shalt  }
0x42: {  	_ =	shalt  }
0x43: {  	_ =	shalt  }
0x44: {  	_ =	shalt  }
0x45: {  	_ =	shalt  }
0x46: {  	_ =	shalt  }
0x47: {  	_ =	shalt  }
0x48: {  	_ =	shalt  }
0x49: {  	_ =	shalt  }
0x4a: {  	_ =	shalt  }
0x4b: {  	_ =	shalt  }
0x4c: {  	_ =	shalt  }
0x4d: {  	_ =	shalt  }
0x4e: {  	_ =	shalt  }
0x4f: {  	_ =	shalt  }
0x50: {  	_ =	shalt  }
0x51: {  	_ =	shalt  }
0x52: {  	_ =	shalt  }
0x53: {  	_ =	shalt  }
0x54: {  	_ =	shalt  }
0x55: {  	_ =	shalt  }
0x56: {  	_ =	shalt  }
0x57: {  	_ =	shalt  }
0x58: {  	_ =	shalt  }
0x59: {  	_ =	shalt  }
0x5a: {  	_ =	shalt  }
0x5b: {  	_ =	shalt  }
0x5c: {  	_ =	shalt  }
0x5d: {  	_ =	shalt  }
0x5e: {  	_ =	shalt  }
0x5f: {  	_ =	shalt  }
0x60: {  	_ =	shalt  }
0x61: {  	_ =	shalt  }
0x62: {  	_ =	shalt  }
0x63: {  	_ =	shalt  }
0x64: {  	_ =	shalt  }
0x65: {  	_ =	shalt  }
0x66: {  	_ =	shalt  }
0x67: {  	_ =	shalt  }
0x68: {  	_ =	shalt  }
0x69: {  	_ =	shalt  }
0x6a: {  	_ =	shalt  }
0x6b: {  	_ =	shalt  }
0x6c: {  	_ =	shalt  }
0x6d: {  	_ =	shalt  }
0x6e: {  	_ =	shalt  }
0x6f: {  	_ =	shalt  }
0x70: {  	_ =	shalt  }
0x71: {  	_ =	shalt  }
0x72: {  	_ =	shalt  }
0x73: {  	_ =	shalt  }
0x74: {  	_ =	shalt  }
0x75: {  	_ =	shalt  }
0x76: {  	_ =	shalt  }
0x77: {  	_ =	shalt  }
0x78: {  	_ =	shalt  }
0x79: {  	_ =	shalt  }
0x7a: {  	_ =	shalt  }
0x7b: {  	_ =	shalt  }
0x7c: {  	_ =	shalt  }
0x7d: {  	_ =	shalt  }
0x7e: {  	_ =	shalt  }
0x7f: {  	_ =	shalt  }
0x80: {  	_ =	shalt  }
0x81: {  	_ =	shalt  }
0x82: {  	_ =	shalt  }
0x83: {  	_ =	shalt  }
0x84: {  	_ =	shalt  }
0x85: {  	_ =	shalt  }
0x86: {  	_ =	shalt  }
0x87: {  	_ =	shalt  }
.Lfunc_end0:
.L_simem_size_0:
called_computation_lowered:
.L_overlay_start_0:
0x88: {  	s2 =	sld [smem:$0x3FD9]  }
0x89: {  	s3 =	sld [smem:$0x3FFE];
	_ =	sdelay $0x1  }
0x8a: {  	s1 =	srdreg.scid  }
0x8b: {  	s0 =	sand.u32 $0x1, s1  }
0x8c: {  	s17 =	sshll.u32 s0, $0xA;
	s2 =	sadd.s32 s3, s2  }
0x8d: {  	s2 =	sadd.s32 s2, s17  }
0x8e: {  	[smem:$0x3FC4] =	sst s2  }
0x8f: {  	_ = 	snop  }
0x90: {  	s2 =	sld [smem:$0x3FC7]  }
0x91: {  	s18 =	sld [smem:$0x3FC6]  }
0x92: {  	s4 =	sld [smem:$0x3FD0];
	(tm) =	ssettm $0x1  }
0x93: {  	s5 =	sld [smem:$0x3FFB];
	_ =	sdelay $0x3  }
0x94: {  	_ =	strace s5  }
0x95: {  	s5 =	sld [smem:$0x3FFC];
	_ =	sdelay $0x3  }
0x96: {  	_ =	strace s5  }
0x97: {  	s5 =	sld [smem:$0x3FFD];
	_ =	sdelay $0x3  }
0x98: {  	_ =	strace s5  }
0x99: {  	_ =	strace $0x8FFFFFFF  }
0x9a: {  	s19 =	sld [smem:$0x3FDB];
	_ =	sdelay $0x1  }
0x9b: {  	s6 =	simm.s32 $_scs_section_size  }
0x9c: {  	s7 =	simm.s32 $_size__tile_overlayer_lowered;
	s8 =	simm.s32 $_tile_overlayer_lowered  }
0x9d: {  	s22 =	simm.s32 $0x1BFF;
	s21 =	sshll.u32 s8, $0x1;
	s5 =	sadd.s32 s6, s19  }
0x9e: {  	s9 =	simm.s32 $0x0;
	s20 =	sshll.u32 s7, $0x1;
	s7 =	sadd.s32 s21, s5  }
0x9f: {  	[timem:s9], [sflag:s22] =	dma.local [hbm:s7], s20  }
0xa0: {  	_ =	swait.ge [sflag:s22], s20  }
0xa1: {  	s6 =	ssub.s32 $0x0, s20;
	[sflag:s22] =	ssyncset.done $0x0  }
0xa2: {  	[sflag:s22] =	ssyncadd.s32 s6;
	_ =	sdelay $0x1  }
0xa3: {  	s23 =	simm.s32 $0x1B8B  }
0xa4: {  	_ =	swait.ge [sflag:s23], $0x1  }
0xa5: {  	[sflag:s23] =	ssyncset.done $0x0  }
0xa6: {  	s25 =	simm.s32 $0x1B8E;
	s24 =	sld [smem:$0x3FFE];
	[sflag:s23] =	ssyncadd.s32 $0xFFFFFFFF  }
0xa7: {  	s26 =	simm.s32 $execute0_lowered;
	[smem:$0x3FD2] =	sst s25  }
0xa8: {  	s7 =	sshll.u32 s26, $0x1;
	_ =	strace $0x80000046;
	[dreg:$0x1] =	wrdreg $0xFFFFFFFF  }
0xa9: {  	s28 =	simm.s32 $_size_execute0_lowered;
	s5 =	sadd.s32 s5, s7;
	[dreg:$0x0] =	wrdreg $0x0  }
0xaa: {  	s7 =	sshll.u32 s28, $0x1;
	[dreg:$0x2] =	wrdreg s5  }
0xab: {  	[dreg:$0x3] =	wrdreg s7  }
0xac: {  	[dreg:$0x4] =	wrdreg $0xC0  }
0xad: {  	_ =	task [dreg:s9], $0x5FFFF  }
0xae: {  	[dreg:$0x1] =	wrdreg $0xFFFFFFFF  }
0xaf: {  	[dreg:$0x0] =	wrdreg $0x60  }
0xb0: {  	[dreg:$0x2] =	wrdreg s24  }
0xb1: {  	[dreg:$0x3] =	wrdreg s2  }
0xb2: {  	[dreg:$0x4] =	wrdreg s18  }
0xb3: {  	[dreg:$0x5] =	wrdreg s4  }
0xb4: {  	[dreg:$0x6] =	wrdreg $0x9  }
0xb5: {  	_ =	task.clear_ibuf [dreg:s9], $0x7FFFF;
	_ =	strace $0x90000046  }
0xb6: {  	s29 =	simm.s32 $0x9;
	_ =	strace $0x80000048  }
0xb7: {  	_ =	swait.ge [sflag:s29], $0x1  }
0xb8: {  	[sflag:s29] =	ssyncadd.s32 $0xFFFFFFFF  }
0xb9: {  	_ =	strace $0x90000048  }
0xba: {  	_ =	sfence  }
0xbb: {  	s30 =	sld [smem:$0x0];
	_ =	sdelay $0x2  }
0xbc: {  	s31 =	sshll.u32 s1, $0xD;
	s1 =	sshrl.u32 s1, $0x2  }
0xbd: {  	s3 =	sand.u32 $0x4000, s31;
	s1 =	sadd.s32 s1, s30  }
0xbe: {  	s0 =	sor.u32 s3, s0;
	s1 =	sshll.u32 s1, $0x11  }
0xbf: {  	s0 =	sor.u32 s1, s0  }
0xc0: {  	s0 =	sadd.s32 $0x8F2B, s0  }
0xc1: {  	[sflag:s0] =	ssyncadd.remote.s32 $0x1  }
0xc2: {  	_ =	sfence.sel $0xFFFF  }
0xc3: {  	[dreg:$0x0] =	wrdreg $0xFFFFFFFF;
	(pc) =	sbr.abs _section_cstart, $3  }
0xc4: {  	[dreg:$0x1] =	wrdreg $0xFFFFFFFF  }
0xc5: {  	_ =	task.clear_ibuf [dreg:s9], $0x2FFFF;
	_ =	strace $0x9FFFFFFF  }
0xc6: {  	(tm) =	ssettm $0x7FFFFFFF  }
0xc7: {  	_ =	shalt  }
tec
execute0_lowered:
.L_overlay_start_1:
0x0: {  	(tag) =	ssettag $0x1  }
0x1: {  	v0 =	vimm.s32 $0xEFCDAB89  }
0x2: {  	s0 =	rddreg [dreg:$0x0];
	s1 =	srdreg.scid;
	v1 =	vimm.s32 $0x67452301;
	v2 =	vimm.s32 $0xDCFE98BA;
	v3 =	vimm.s32 $0x54761032  }
0x3: {  	s2 =	stileid.u32;
	s4 =	rddreg [dreg:$0x3];
	s5 =	simm.s32 $0x0;
	v4 =	vimm.s32 $0xBA98FEDC;
	v5 =	vimm.s32 $0x32107654;
	v6 =	vimm.s32 $0xFEDCBA98  }
0x4: {  	v7 =	vimm.s32 $0x76543210;
	s17 =	simm.s32 $0x9;
	s20 =	simm.s32 $0x80;
	s21 =	simm.s32 $0x6400;
	v0 =	vunpack.c.l.s4.s8 v0;
	v1 =	vunpack.c.l.s4.s8 v1  }
0x5: {  	s22 =	simm.s32 $0xA400;
	s23 =	simm.s32 $0x5;
	s24 =	simm.s32 $0x6;
	v2 =	vunpack.c.l.s4.s8 v2;
	v3 =	vunpack.c.l.s4.s8 v3;
	v4 =	vunpack.c.l.s4.s8 v4  }
0x6: {  	s25 =	simm.s32 $0x7;
	s26 =	simm.s32 $0x8;
	s28 =	simm.s32 $0x0;
	v5 =	vunpack.c.l.s4.s8 v5;
	v6 =	vunpack.c.l.s4.s8 v6;
	v0 =	vunpack.c.0.s8.s32 v0  }
0x7: {  	s1 =	sand.u32 $0x1, s1;
	s2 =	sshll.u32 s2, $0x1;
	[smem:$0x7FF] =	sst s5;
	v1 =	vunpack.c.0.s8.s32 v1;
	v2 =	vunpack.c.0.s8.s32 v2;
	v3 =	vunpack.c.0.s8.s32 v3  }
0x8: {  	s6 =	sadd.s32 $0xF5BA00, s0;
	s9 =	sadd.s32 $0x4000, s4;
	s10 =	sadd.s32 $0x8000, s4;
	v7 =	vunpack.c.l.s4.s8 v7;
	v4 =	vunpack.c.0.s8.s32 v4;
	v5 =	vunpack.c.0.s8.s32 v5  }
0x9: {  	s11 =	sadd.s32 $0xC000, s4;
	s12 =	sadd.s32 $0x10000, s4;
	s2 =	sor.u32 s1, s2;
	v0 =	vcombine.low v1, v0;
	v2 =	vcombine.low v3, v2;
	v1 =	vunpack.c.0.s8.s32 v6  }
0xa: {  	s13 =	sadd.s32 $0x14000, s4;
	s1 =	ssub.s32 $0x2, s1;
	s3 =	smul.u32 $0xC80, s2;
	v3 =	vcombine.low v5, v4;
	v4 =	vunpack.c.0.s8.s32 v7;
	v5 =	vlaneseq.u32  }
0xb: {  	s14 =	sadd.s32 $0x18000, s4;
	s15 =	sadd.s32 $0x1C000, s4;
	s7 =	sshrl.u32 s1, $0x1;
	v61 =	vmul.u32 $0x88, v5;
	v0 =	vand.u32 $0xF, v0;
	v6 =	vand.u32 $0xF, v1  }
0xc: {  	_ =	strace $0x80000047;
	s31 =	ssub.s32 s1, s7;
	s3 =	sadd.s32 s3, s0;
	v2 =	vand.u32 $0xF, v2;
	v3 =	vand.u32 $0xF, v3;
	v4 =	vcombine.low v6, v4  }
0xd: {  	s8 =	smul.u32 $0xC8, s2;
	s16 =	smax.u32 s31, $0x1;
	s7 =	sadd.s32 $0xF42A00, s3;
	v10 =	vadd.s32 $0x880, v61;
	v11 =	vadd.s32 $0x1100, v61;
	v12 =	vadd.s32 $0x1980, v61  }
.LBB2_1:
0xe: {  	[tilespmem:s5], [sflag:$0x9] =	stream.linear.gather [hbm4b:s7+s5], $0x6400, $0x38;
	[tilespmem:$0x1EC80] =	vst v63  }
0xf: {  	_ =	swait.ge [sflag:s17], $0x6400  }
0x10: {  	[sflag:s17] =	ssyncset.done $0x0  }
0x11: {  	[sflag:s17] =	ssyncadd.s32 $0xFFFF9C00  }
0x12: {  	s1 =	simm.s32 $0x1EC00;
	s0 =	rddreg [dreg:$0x1]  }
0x13: {  	[tilespmem:s1], [sflag:$0x9] =	stream.linear.gather [hbm4b:s0+s5], $0x40, $0x38;
	[tilespmem:$0x1EC80] =	vst v63  }
0x14: {  	_ =	swait.ge [sflag:s17], $0x40  }
0x15: {  	[sflag:s17] =	ssyncset.done $0x0  }
0x16: {  	[sflag:s17] =	ssyncadd.s32 $0xFFFFFFC0  }
0x17: {  	s31 =	simm.s32 $0x1EC40;
	s19 =	rddreg [dreg:$0x2]  }
0x18: {  	[tilespmem:s31], [sflag:$0x9] =	stream.linear.gather [hbm4b:s19+s5], $0x40, $0x38;
	[tilespmem:$0x1EC80] =	vst v63  }
0x19: {  	_ =	swait.ge [sflag:s17], $0x40  }
0x1a: {  	[sflag:s17] =	ssyncset.done $0x0  }
0x1b: {  	[sflag:s17] =	ssyncadd.s32 $0xFFFFFFC0  }
0x1c: {  	v1 =	vld [tilespmem:$0x1EC00];
	_ =	sdelay $0x4  }
0x1d: {  	[tilespmem:$0x1FF80] =	vst v1;
	v1 =	vld [tilespmem:$0x1EC10];
	_ =	sdelay $0x4  }
0x1e: {  	[tilespmem:$0x1FF90] =	vst v1;
	v1 =	vld [tilespmem:$0x1EC20];
	_ =	sdelay $0x4  }
0x1f: {  	[tilespmem:$0x1FFA0] =	vst v1;
	v1 =	vld [tilespmem:$0x1EC30];
	_ =	sdelay $0x4  }
0x20: {  	[tilespmem:$0x1FFB0] =	vst v1;
	v1 =	vld [tilespmem:$0x1EC40];
	_ =	sdelay $0x4  }
0x21: {  	[tilespmem:$0x1FFC0] =	vst v1;
	v1 =	vld [tilespmem:$0x1EC50];
	_ =	sdelay $0x4  }
0x22: {  	[tilespmem:$0x1FFD0] =	vst v1;
	v1 =	vld [tilespmem:$0x1EC60];
	_ =	sdelay $0x4  }
0x23: {  	[tilespmem:$0x1FFE0] =	vst v1;
	v1 =	vld [tilespmem:$0x1EC70];
	_ =	sdelay $0x1  }
0x24: {  	[tilespmem:s21], [sflag:$0x1] =	stream.indirect.gather [hbm4b:s6+s20], $0x80, s5, s20, $0xb8;
	[tilespmem:$0x1EC80] =	vst v63  }
0x25: {  	_ = 	snop  }
0x26: {  	[tilespmem:s22], [sflag:$0x2] =	stream.indirect.gather [hbm4b:s6+s20], $0x80, s20, s20, $0xb8;
	[tilespmem:$0x1EC80] =	vst v63  }
0x27: {  	s29 =	simm.s32 $0x0;
	s30 =	simm.s32 $0x0;
	[tilespmem:$0x1FFF0] =	vst v1  }
.LBB2_2:
0x28: {  	s31 =	sand.u32 $0x3, s30  }
0x29: {  	s0 =	sadd.s32 $0x1, s31  }
0x2a: {  	s1 =	sand.u32 $0x3, s29;
	_ =	swait.ge [sflag:s0], $0x4000  }
0x2b: {  	s1 =	sshll.u32 s1, $0xE;
	[sflag:s0] =	ssyncset.done $0x0  }
0x2c: {  	s1 =	sadd.s32 $0x6500, s1;
	[sflag:s0] =	ssyncadd.s32 $0xFFFFC000  }
0x2d: {  	v32 =	vld [tilespmem:s1+$0x80]  }
0x2e: {  	v31 =	vld [tilespmem:s1+$0x90]  }
0x2f: {  	v30 =	vld [tilespmem:s1+$0xA0]  }
0x30: {  	v29 =	vld [tilespmem:s1+$0xB0]  }
0x31: {  	v28 =	vld [tilespmem:s1+$0xFFFFFF10]  }
0x32: {  	v27 =	vld [tilespmem:s1+$0xFFFFFF20]  }
0x33: {  	v26 =	vld [tilespmem:s1+$0xFFFFFF30]  }
0x34: {  	v25 =	vld [tilespmem:s1+$0xFFFFFF80]  }
0x35: {  	v24 =	vld [tilespmem:s1+$0xFFFFFF90]  }
0x36: {  	s19 =	simm.s32 $0x0;
	v18 =	vld [tilespmem:s1+$0xFFFFFFA0]  }
0x37: {  	v16 =	vmov s19;
	v20 =	vld [tilespmem:s1+$0xFFFFFFB0];
	v21 =	vmul.f32 v32, v32;
	v22 =	vmul.f32 v31, v31  }
0x38: {  	v17 =	vadd.f32 v31, v32;
	v23 =	vmul.f32 v30, v30;
	v33 =	vmul.f32 v29, v29  }
0x39: {  	v19 =	vadd.f32 v29, v30;
	v35 =	vmul.f32 v28, v28;
	v36 =	vmul.f32 v27, v27  }
0x3a: {  	v16 =	vand.u32 $0x7C, v16;
	v37 =	vmul.f32 v26, v26;
	v40 =	vmul.f32 v25, v25  }
0x3b: {  	v41 =	vadd.f32 v24, v25;
	v42 =	vmul.f32 v24, v24;
	v34 =	vadd.f32 v19, v17;
	v19 =	vld [tilespmem:s1+$0x0]  }
0x3c: {  	v43 =	vmul.f32 v18, v18;
	v44 =	vadd.f32 v20, v18;
	v21 =	vadd.f32 v22, v21;
	v22 =	vld [tilespmem:s1+$0x10]  }
0x3d: {  	s2 =	simm.s32 $0x1;
	v56 =	vmul.f32 v20, v20;
	v33 =	vadd.f32 v33, v23;
	v23 =	vld [tilespmem:s1+$0x20];
	v36 =	vadd.f32 v37, v36  }
0x3e: {  	v17 =	vmov s2;
	v37 =	vld [tilespmem:s1+$0xFFFFFF00];
	v40 =	vadd.f32 v42, v40;
	v41 =	vadd.f32 v44, v41  }
0x3f: {  	v42 =	vadd.f32 v56, v43;
	v33 =	vadd.f32 v33, v21;
	v39 =	vperm.xlane v34, v0;
	v21 =	vld [tilespmem:s1+$0x30]  }
0x40: {  	v38 =	vadd.f32 v26, v27;
	v17 =	vand.u32 $0x7D, v17;
	v63 =	vperm.xlane v41, v0  }
0x41: {  	v52 =	vadd.f32 v42, v40;
	v34 =	vadd.f32 v34, v39;
	v55 =	vperm.xlane v33, v0  }
0x42: {  	v41 =	vadd.f32 v41, v63;
	v45 =	vmul.f32 v19, v19;
	v46 =	vadd.f32 v22, v19  }
0x43: {  	v58 =	vmul.f32 v22, v22;
	v49 =	vadd.f32 v28, v37;
	v50 =	vmul.f32 v37, v37  }
0x44: {  	v33 =	vadd.f32 v33, v55;
	v57 =	vperm.xlane v34, v2;
	v48 =	vadd.f32 v21, v23  }
0x45: {  	v47 =	vmul.f32 v23, v23;
	v38 =	vadd.f32 v38, v49;
	v35 =	vadd.f32 v35, v50  }
0x46: {  	v51 =	vmul.f32 v21, v21;
	v44 =	vadd.f32 v58, v45;
	v34 =	vadd.f32 v57, v34  }
0x47: {  	v59 =	vperm.xlane v33, v2;
	v57 =	vperm.xlane v52, v0;
	v46 =	vadd.f32 v48, v46  }
0x48: {  	v49 =	vadd.f32 v51, v47;
	v51 =	vperm.xlane v38, v0;
	v35 =	vadd.f32 v36, v35  }
0x49: {  	v33 =	vadd.f32 v59, v33;
	v60 =	vperm.xlane v34, v3;
	v36 =	vadd.f32 v52, v57  }
0x4a: {  	v53 =	vadd.f32 v49, v44;
	v55 =	vperm.xlane v46, v0;
	v38 =	vadd.f32 v38, v51  }
0x4b: {  	v56 =	vperm.xlane v35, v0;
	v34 =	vadd.f32 v60, v34;
	v62 =	vperm.xlane v33, v3  }
0x4c: {  	v49 =	vperm.xlane v36, v2;
	v42 =	vadd.f32 v46, v55;
	v58 =	vperm.xlane v53, v0  }
0x4d: {  	v35 =	vadd.f32 v35, v56;
	v60 =	vperm.xlane v38, v2;
	v33 =	vadd.f32 v62, v33  }
0x4e: {  	s3 =	simm.s32 $0x3;
	v50 =	vperm.xlane v34, v4;
	v62 =	vperm.xlane v41, v2;
	v36 =	vadd.f32 v49, v36  }
0x4f: {  	v49 =	vmov s3;
	v40 =	vadd.f32 v53, v58;
	v63 =	vperm.xlane v42, v2  }
0x50: {  	v38 =	vadd.f32 v60, v38;
	v48 =	vperm.xlane v35, v2;
	v34 =	vadd.f32 v50, v34  }
0x51: {  	v54 =	vperm.xlane v33, v4;
	v39 =	vadd.f32 v62, v41;
	v56 =	vperm.xlane v36, v3  }
0x52: {  	v42 =	vadd.f32 v63, v42;
	v35 =	vadd.f32 v48, v35;
	v50 =	vperm.xlane v40, v2  }
0x53: {  	v51 =	vperm.xlane v38, v3;
	v33 =	vadd.f32 v54, v33;
	v34 =	vmul.f32 $1.562500000e-02, v34  }
0x54: {  	v53 =	vperm.xlane v39, v3;
	v36 =	vadd.f32 v56, v36;
	v40 =	vadd.f32 v50, v40  }
0x55: {  	v38 =	vadd.f32 v51, v38;
	v54 =	vperm.xlane v42, v3;
	v55 =	vperm.xlane v35, v3  }
0x56: {  	v50 =	vand.u32 $0x7F, v49;
	v33 =	vmul.f32 $1.562500000e-02, v33;
	v39 =	vadd.f32 v53, v39  }
0x57: {  	v59 =	vmul.f32 v34, v34;
	v32 =	vsub.f32 v32, v34;
	v31 =	vsub.f32 v31, v34  }
0x58: {  	v63 =	vperm.xlane v36, v4;
	v30 =	vsub.f32 v30, v34;
	v29 =	vsub.f32 v29, v34  }
0x59: {  	v45 =	vadd.s32 v61, v50;
	v51 =	vadd.s32 v10, v50;
	v42 =	vadd.f32 v54, v42  }
0x5a: {  	v57 =	vperm.xlane v40, v3;
	v35 =	vadd.f32 v55, v35;
	v58 =	vperm.xlane v38, v4  }
0x5b: {  	v33 =	vsub.f32 v33, v59;
	v59 =	vperm.xlane v39, v4;
	v36 =	vadd.f32 v63, v36  }
0x5c: {  	v40 =	vadd.f32 v57, v40;
	v38 =	vadd.f32 v58, v38;
	v60 =	vperm.xlane v42, v4  }
0x5d: {  	v62 =	vperm.xlane v35, v4;
	v33 =	vadd.f32 $9.999999960e-13, v33;
	v39 =	vadd.f32 v59, v39  }
0x5e: {  	v36 =	vmul.f32 $1.562500000e-02, v36;
	v42 =	vadd.f32 v60, v42;
	v48 =	vperm.xlane v40, v4  }
0x5f: {  	v35 =	vadd.f32 v62, v35;
	v38 =	vmul.f32 $1.562500000e-02, v38;
	v52 =	vshra.s32 v33, $0x1  }
0x60: {  	v33 =	vmul.f32 $5.000000000e-01, v33;
	v39 =	vmul.f32 $1.562500000e-02, v39;
	v41 =	vsub.s32 $0x5F3759DF, v52  }
0x61: {  	v40 =	vadd.f32 v48, v40;
	v35 =	vmul.f32 $1.562500000e-02, v35;
	v37 =	vsub.f32 v37, v38  }
0x62: {  	v52 =	vmul.f32 $1.562500000e-02, v42;
	v53 =	vmul.f32 v38, v38;
	v28 =	vsub.f32 v28, v38  }
0x63: {  	v27 =	vsub.f32 v27, v38;
	v26 =	vsub.f32 v26, v38;
	v33 =	vmul.f32 v41, v33  }
0x64: {  	v54 =	vmul.f32 v39, v39;
	v25 =	vsub.f32 v25, v39;
	v24 =	vsub.f32 v24, v39  }
0x65: {  	v18 =	vsub.f32 v18, v39;
	v40 =	vmul.f32 $1.562500000e-02, v40;
	v35 =	vsub.f32 v35, v53  }
0x66: {  	v20 =	vsub.f32 v20, v39;
	v55 =	vmul.f32 v52, v52;
	v33 =	vmul.f32 v41, v33  }
0x67: {  	v56 =	vadd.s32 v11, v50;
	v36 =	vsub.f32 v36, v54;
	v35 =	vadd.f32 $9.999999960e-13, v35  }
0x68: {  	v34 =	vadd.s32 v12, v50;
	v38 =	vsub.f32 v40, v55;
	v33 =	vsub.f32 $1.500000000e+00, v33  }
0x69: {  	v1 =	vld [tilespmem:$0x1FF80];
	v39 =	vadd.s32 v61, v16;
	v36 =	vadd.f32 $9.999999960e-13, v36;
	v58 =	vshra.s32 v35, $0x1  }
0x6a: {  	v5 =	vld [tilespmem:$0x1FF90];
	v35 =	vmul.f32 $5.000000000e-01, v35;
	v38 =	vadd.f32 $9.999999960e-13, v38;
	v33 =	vmul.f32 v41, v33  }
0x6b: {  	v8 =	vld [tilespmem:$0x1FFC0];
	v43 =	vsub.s32 $0x5F3759DF, v58;
	v59 =	vshra.s32 v36, $0x1;
	v36 =	vmul.f32 $5.000000000e-01, v36  }
0x6c: {  	v6 =	vld [tilespmem:$0x1FFA0];
	v60 =	vshra.s32 v38, $0x1;
	v38 =	vmul.f32 $5.000000000e-01, v38;
	v35 =	vmul.f32 v43, v35  }
0x6d: {  	v9 =	vld [tilespmem:$0x1FFD0];
	v44 =	vsub.s32 $0x5F3759DF, v59;
	v32 =	vmul.f32 v33, v32;
	v31 =	vmul.f32 v33, v31  }
0x6e: {  	v7 =	vld [tilespmem:$0x1FFB0];
	v30 =	vmul.f32 v33, v30;
	v29 =	vmul.f32 v33, v29;
	v46 =	vsub.s32 $0x5F3759DF, v60  }
0x6f: {  	v13 =	vld [tilespmem:$0x1FFE0];
	v19 =	vsub.f32 v19, v52;
	v36 =	vmul.f32 v44, v36;
	v38 =	vmul.f32 v46, v38  }
0x70: {  	s19 =	smul.u32 $0x8800, s31;
	v14 =	vld [tilespmem:$0x1FFF0];
	v22 =	vsub.f32 v22, v52;
	v35 =	vmul.f32 v43, v35;
	v32 =	vmul.f32 v32, v1  }
0x71: {  	v23 =	vsub.f32 v23, v52;
	v31 =	vmul.f32 v31, v5;
	v30 =	vmul.f32 v30, v6  }
0x72: {  	s3 =	sshrl.u32 s19, $0x2;
	v36 =	vmul.f32 v44, v36;
	v62 =	vsub.f32 $1.500000000e+00, v35;
	v32 =	vadd.f32 v32, v8  }
0x73: {  	s0 =	sadd.s32 $0x16400, s3;
	v21 =	vsub.f32 v21, v52;
	v29 =	vmul.f32 v29, v7;
	v38 =	vmul.f32 v46, v38  }
0x74: {  	v31 =	vadd.f32 v31, v9;
	v63 =	vsub.f32 $1.500000000e+00, v36;
	[tilespmem:v45+s0+$0x0] =	vst.idx.msk $0xffff, v32;
	v32 =	vmul.f32 v43, v62  }
0x75: {  	v30 =	vadd.f32 v30, v13;
	v29 =	vadd.f32 v29, v14;
	v36 =	vadd.s32 v10, v16  }
0x76: {  	s18 =	simm.s32 $0x2;
	v45 =	vadd.s32 v11, v16;
	v48 =	vmul.f32 v44, v63;
	v50 =	vmul.f32 v32, v37  }
0x77: {  	v57 =	vmov s18;
	[tilespmem:v51+s0+$0x0] =	vst.idx.msk $0xffff, v31;
	v51 =	vmul.f32 v32, v28;
	v52 =	vmul.f32 v32, v27  }
0x78: {  	v31 =	vsub.f32 $1.500000000e+00, v38;
	[tilespmem:v56+s0+$0x0] =	vst.idx.msk $0xffff, v30;
	v53 =	vmul.f32 v32, v26;
	v54 =	vmul.f32 v48, v25  }
0x79: {  	v30 =	vadd.s32 v12, v16;
	v55 =	vmul.f32 v48, v24;
	v18 =	vmul.f32 v48, v18  }
0x7a: {  	v28 =	vadd.s32 v11, v17;
	v20 =	vmul.f32 v48, v20;
	v27 =	vadd.s32 v12, v17  }
0x7b: {  	v16 =	vand.u32 $0x7E, v57;
	v49 =	vmul.f32 v46, v31;
	[tilespmem:v34+s0+$0x0] =	vst.idx.msk $0xffff, v29;
	v31 =	vadd.s32 v61, v17  }
0x7c: {  	v29 =	vadd.s32 v10, v17;
	v56 =	vmul.f32 v51, v5;
	v57 =	vmul.f32 v52, v6  }
0x7d: {  	v26 =	vadd.s32 v61, v16;
	v58 =	vmul.f32 v53, v7;
	v41 =	vmul.f32 v54, v1  }
0x7e: {  	s2 =	sadd.s32 $0x200, s1;
	v25 =	vadd.s32 v10, v16;
	v18 =	vmul.f32 v18, v6;
	v17 =	vmul.f32 v49, v19  }
0x7f: {  	v33 =	vld [tilespmem:s2+$0x90];
	v24 =	vadd.s32 v11, v16;
	v19 =	vmul.f32 v49, v22;
	v22 =	vmul.f32 v49, v23  }
0x80: {  	v32 =	vld [tilespmem:s2+$0x80];
	v23 =	vmul.f32 v49, v21;
	v21 =	vmul.f32 v50, v1;
	v60 =	vadd.f32 v56, v9  }
0x81: {  	v35 =	vld [tilespmem:s2+$0xB0];
	v20 =	vmul.f32 v20, v7;
	v62 =	vadd.f32 v57, v13;
	v40 =	vadd.f32 v58, v14  }
0x82: {  	v34 =	vld [tilespmem:s2+$0xA0];
	v42 =	vmul.f32 v55, v5;
	v41 =	vadd.f32 v41, v8;
	v59 =	vadd.f32 v21, v8  }
0x83: {  	s18 =	simm.s32 $0x5;
	v38 =	vadd.f32 v18, v13;
	v37 =	vadd.f32 v20, v14;
	v20 =	vld [tilespmem:s2+$0xFFFFFF80];
	v63 =	vmul.f32 v17, v1  }
0x84: {  	s1 =	simm.s32 $0x4;
	v18 =	vmov s18;
	v50 =	vmul.f32 v19, v5;
	v21 =	vld [tilespmem:s2+$0xFFFFFF10];
	v49 =	vmul.f32 v22, v6;
	[tilespmem:v39+s0+$0x0] =	vst.idx.msk $0xffff, v59  }
0x85: {  	v19 =	vmul.f32 v23, v7;
	v22 =	vld [tilespmem:s2+$0xFFFFFF20];
	v17 =	vmov s1;
	v46 =	vadd.f32 v33, v32;
	[tilespmem:v36+s0+$0x0] =	vst.idx.msk $0xffff, v60  }
0x86: {  	s18 =	simm.s32 $0x8;
	v23 =	vld [tilespmem:s2+$0xFFFFFF30];
	v17 =	vand.u32 $0x7C, v17;
	v39 =	vadd.f32 v42, v9;
	v36 =	vadd.f32 v63, v8;
	[tilespmem:v45+s0+$0x0] =	vst.idx.msk $0xffff, v62  }
.LBB2_3:
0x87: {  	v48 =	vld [tilespmem:s2+$0xFFFFFF90]  }
0x88: {  	v42 =	vld [tilespmem:s2+$0xFFFFFFA0]  }
0x89: {  	v14 =	vld [tilespmem:$0x1FFD0]  }
0x8a: {  	v45 =	vmul.f32 v32, v32;
	v47 =	vmul.f32 v33, v33;
	v44 =	vld [tilespmem:s2+$0xFFFFFFB0]  }
0x8b: {  	v15 =	vld [tilespmem:$0x1FFE0];
	[tilespmem:v31+s0+$0x0] =	vst.idx.msk $0xffff, v41;
	v54 =	vmul.f32 v22, v22  }
0x8c: {  	v56 =	vadd.f32 v47, v45;
	v60 =	vmul.f32 v23, v23;
	v57 =	vadd.f32 v23, v22  }
0x8d: {  	v45 =	vld [tilespmem:s2+$0x10];
	v43 =	vadd.f32 v35, v34;
	v51 =	vmul.f32 v34, v34;
	v52 =	vmul.f32 v35, v35  }
0x8e: {  	v13 =	vmovc v12;
	v47 =	vld [tilespmem:s2+$0x20];
	v58 =	vmul.f32 v20, v20;
	v50 =	vadd.f32 v50, v14;
	v59 =	vadd.f32 v48, v20  }
0x8f: {  	v12 =	vmovc v11;
	v54 =	vadd.f32 v60, v54;
	v60 =	vmul.f32 v48, v48;
	v55 =	vadd.f32 v43, v46;
	v43 =	vld [tilespmem:s2+$0x0]  }
0x90: {  	v11 =	vmovc v10;
	v53 =	vmul.f32 v21, v21;
	v52 =	vadd.f32 v52, v51;
	v51 =	vadd.f32 v49, v15;
	v49 =	vld [tilespmem:s2+$0xFFFFFF00]  }
0x91: {  	v10 =	vmovc v61;
	v61 =	vmul.f32 v42, v42;
	v62 =	vadd.f32 v44, v42;
	v58 =	vadd.f32 v60, v58  }
0x92: {  	v46 =	vld [tilespmem:s2+$0x30];
	v60 =	vmul.f32 v44, v44;
	v52 =	vadd.f32 v52, v56;
	v56 =	vperm.xlane v55, v0  }
0x93: {  	v59 =	vadd.f32 v62, v59;
	v62 =	vmul.f32 v45, v45;
	v5 =	vmul.f32 v47, v47  }
0x94: {  	v60 =	vadd.f32 v60, v61;
	v55 =	vadd.f32 v55, v56;
	v56 =	vperm.xlane v52, v0  }
0x95: {  	v63 =	vmul.f32 v43, v43;
	v1 =	vadd.f32 v45, v43;
	v7 =	vadd.f32 v21, v49  }
0x96: {  	v8 =	vmul.f32 v49, v49;
	v52 =	vadd.f32 v52, v56;
	v56 =	vperm.xlane v55, v2  }
0x97: {  	v6 =	vadd.f32 v46, v47;
	v9 =	vmul.f32 v46, v46;
	v7 =	vadd.f32 v57, v7  }
0x98: {  	v8 =	vadd.f32 v53, v8;
	v55 =	vadd.f32 v56, v55;
	v56 =	vperm.xlane v52, v2  }
0x99: {  	v53 =	vperm.xlane v59, v0;
	v62 =	vadd.f32 v62, v63;
	v5 =	vadd.f32 v9, v5  }
0x9a: {  	v1 =	vadd.f32 v6, v1;
	v52 =	vadd.f32 v56, v52;
	v56 =	vperm.xlane v55, v3  }
0x9b: {  	[tilespmem:v29+s0+$0x0] =	vst.idx.msk $0xffff, v39;
	v8 =	vadd.f32 v54, v8;
	v5 =	vadd.f32 v5, v62  }
0x9c: {  	v53 =	vadd.f32 v59, v53;
	v6 =	vadd.f32 v56, v55;
	v55 =	vperm.xlane v52, v3  }
0x9d: {  	v54 =	vadd.f32 v60, v58;
	v62 =	vperm.xlane v8, v0;
	v59 =	vperm.xlane v5, v0  }
0x9e: {  	v31 =	vperm.xlane v53, v2;
	v9 =	vadd.f32 v55, v52;
	v63 =	vperm.xlane v6, v4  }
0x9f: {  	v56 =	vperm.xlane v7, v0;
	v8 =	vadd.f32 v8, v62;
	v55 =	vperm.xlane v1, v0  }
0xa0: {  	v31 =	vadd.f32 v31, v53;
	v53 =	vld [tilespmem:$0x1FFF0];
	v6 =	vadd.f32 v63, v6;
	v60 =	vperm.xlane v9, v4  }
0xa1: {  	v7 =	vadd.f32 v7, v56;
	v63 =	vperm.xlane v54, v0;
	v1 =	vadd.f32 v1, v55  }
0xa2: {  	[tilespmem:v30+s0+$0x0] =	vst.idx.msk $0xffff, v40;
	v5 =	vadd.f32 v5, v59;
	v9 =	vadd.f32 v60, v9;
	v6 =	vmul.f32 $1.562500000e-02, v6  }
0xa3: {  	s19 =	sadd.s32 $0x3, s1;
	v30 =	vperm.xlane v7, v2;
	v60 =	vadd.f32 v54, v63;
	v63 =	vperm.xlane v1, v2  }
0xa4: {  	[tilespmem:v28+s0+$0x0] =	vst.idx.msk $0xffff, v38;
	v59 =	vmov s19;
	v9 =	vmul.f32 $1.562500000e-02, v9;
	v62 =	vmul.f32 v6, v6  }
0xa5: {  	v7 =	vadd.f32 v30, v7;
	v30 =	vperm.xlane v8, v2;
	v19 =	vadd.f32 v19, v53  }
0xa6: {  	v57 =	vperm.xlane v31, v3;
	v1 =	vadd.f32 v63, v1;
	v9 =	vsub.f32 v9, v62  }
0xa7: {  	v8 =	vadd.f32 v30, v8;
	v30 =	vperm.xlane v5, v2;
	v29 =	vperm.xlane v7, v3  }
0xa8: {  	[tilespmem:v27+s0+$0x0] =	vst.idx.msk $0xffff, v37;
	v55 =	vperm.xlane v60, v2;
	v28 =	vperm.xlane v1, v3;
	v9 =	vadd.f32 $9.999999960e-13, v9  }
0xa9: {  	v5 =	vadd.f32 v30, v5;
	v7 =	vadd.f32 v29, v7;
	v27 =	vperm.xlane v8, v3  }
0xaa: {  	v1 =	vadd.f32 v28, v1;
	v30 =	vshra.s32 v9, $0x1;
	v9 =	vmul.f32 $5.000000000e-01, v9  }
0xab: {  	[tilespmem:v26+s0+$0x0] =	vst.idx.msk $0xffff, v36;
	v8 =	vadd.f32 v27, v8;
	v27 =	vperm.xlane v7, v4;
	v29 =	vsub.s32 $0x5F3759DF, v30  }
0xac: {  	v56 =	vadd.f32 v55, v60;
	v28 =	vperm.xlane v5, v3;
	v9 =	vmul.f32 v29, v9  }
0xad: {  	v60 =	vsub.f32 v33, v6;
	v7 =	vadd.f32 v27, v7;
	v27 =	vperm.xlane v1, v4  }
0xae: {  	v62 =	vsub.f32 v34, v6;
	v5 =	vadd.f32 v28, v5;
	v9 =	vmul.f32 v29, v9  }
0xaf: {  	v26 =	vperm.xlane v8, v4;
	v30 =	vadd.f32 v57, v31;
	v1 =	vadd.f32 v27, v1  }
0xb0: {  	v41 =	vld [tilespmem:$0x1FFA0];
	v61 =	vmovc v10;
	v10 =	vmovc v11;
	v31 =	vperm.xlane v56, v3;
	v27 =	vsub.f32 v32, v6;
	v9 =	vsub.f32 $1.500000000e+00, v9  }
0xb1: {  	v11 =	vmovc v12;
	v12 =	vmovc v13;
	v13 =	vld [tilespmem:$0x1FF80];
	v6 =	vsub.f32 v35, v6;
	v7 =	vmul.f32 $1.562500000e-02, v7;
	v58 =	vperm.xlane v30, v4  }
0xb2: {  	v39 =	vld [tilespmem:$0x1FF90];
	v8 =	vadd.f32 v26, v8;
	v31 =	vadd.f32 v31, v56;
	v9 =	vmul.f32 v29, v9  }
0xb3: {  	[tilespmem:v25+s0+$0x0] =	vst.idx.msk $0xffff, v50;
	v52 =	vld [tilespmem:$0x1FFC0];
	v1 =	vmul.f32 $1.562500000e-02, v1;
	v21 =	vsub.f32 v21, v7;
	v28 =	vadd.f32 v58, v30  }
0xb4: {  	[tilespmem:v24+s0+$0x0] =	vst.idx.msk $0xffff, v51;
	v51 =	vld [tilespmem:$0x1FFB0];
	v30 =	vperm.xlane v31, v4;
	v25 =	vmul.f32 v9, v27;
	v27 =	vand.u32 $0x7F, v59  }
0xb5: {  	v56 =	vsub.f32 v43, v1;
	v33 =	vmul.f32 v9, v60;
	v24 =	vadd.s32 v61, v27  }
0xb6: {  	v32 =	vmul.f32 v9, v62;
	v63 =	vadd.s32 v10, v27;
	v25 =	vmul.f32 v25, v13  }
0xb7: {  	v6 =	vmul.f32 v9, v6;
	v38 =	vadd.s32 v11, v27;
	v33 =	vmul.f32 v33, v39  }
0xb8: {  	v27 =	vadd.s32 v12, v27;
	v9 =	vadd.f32 v25, v52;
	v25 =	vmul.f32 v32, v41  }
0xb9: {  	v57 =	vsub.f32 v45, v1;
	v6 =	vmul.f32 v6, v51;
	v26 =	vadd.f32 v33, v14  }
0xba: {  	v29 =	vperm.xlane v5, v4;
	[tilespmem:v24+s0+$0x0] =	vst.idx.msk $0xffff, v9;
	v9 =	vadd.f32 v25, v15  }
0xbb: {  	v30 =	vadd.f32 v30, v31;
	v6 =	vadd.f32 v6, v53;
	v24 =	vmul.f32 $1.562500000e-02, v28;
	[tilespmem:v63+s0+$0x0] =	vst.idx.msk $0xffff, v26  }
0xbc: {  	v8 =	vmul.f32 $1.562500000e-02, v8;
	v5 =	vadd.f32 v29, v5;
	[tilespmem:v38+s0+$0x0] =	vst.idx.msk $0xffff, v9;
	v9 =	vmul.f32 v7, v7  }
0xbd: {  	v26 =	vmul.f32 $1.562500000e-02, v30;
	[tilespmem:v27+s0+$0x0] =	vst.idx.msk $0xffff, v6;
	v6 =	vsub.f32 v22, v7;
	v22 =	vmul.f32 v24, v24  }
0xbe: {  	v5 =	vmul.f32 $1.562500000e-02, v5;
	v8 =	vsub.f32 v8, v9;
	v9 =	vmul.f32 v1, v1  }
0xbf: {  	v58 =	vsub.f32 v47, v1;
	v22 =	vsub.f32 v26, v22  }
0xc0: {  	v54 =	vadd.s32 v61, v17;
	v8 =	vadd.f32 $9.999999960e-13, v8;
	v5 =	vsub.f32 v5, v9  }
0xc1: {  	v59 =	vadd.s32 v10, v17;
	v60 =	vadd.s32 v11, v17;
	v9 =	vadd.f32 $9.999999960e-13, v22  }
0xc2: {  	v26 =	vadd.s32 v12, v16;
	v16 =	vshra.s32 v8, $0x1;
	v5 =	vadd.f32 $9.999999960e-13, v5  }
0xc3: {  	v8 =	vmul.f32 $5.000000000e-01, v8;
	v16 =	vsub.s32 $0x5F3759DF, v16;
	v27 =	vshra.s32 v9, $0x1  }
0xc4: {  	v9 =	vmul.f32 $5.000000000e-01, v9;
	v28 =	vshra.s32 v5, $0x1;
	v5 =	vmul.f32 $5.000000000e-01, v5  }
0xc5: {  	v27 =	vsub.s32 $0x5F3759DF, v27;
	v8 =	vmul.f32 v16, v8;
	v28 =	vsub.s32 $0x5F3759DF, v28  }
0xc6: {  	v25 =	vsub.f32 v49, v7;
	v9 =	vmul.f32 v27, v9;
	v5 =	vmul.f32 v28, v5  }
0xc7: {  	s2 =	sadd.s32 $0x200, s2;
	v30 =	vadd.s32 v12, v17;
	v17 =	vand.u32 $0x7D, v18;
	v8 =	vmul.f32 v16, v8  }
0xc8: {  	v20 =	vsub.f32 v20, v24;
	v32 =	vld [tilespmem:s2+$0x80];
	v9 =	vmul.f32 v27, v9;
	v5 =	vmul.f32 v28, v5  }
0xc9: {  	v55 =	vsub.f32 v42, v24;
	v31 =	vadd.s32 v61, v17;
	v33 =	vld [tilespmem:s2+$0x90];
	v8 =	vsub.f32 $1.500000000e+00, v8  }
0xca: {  	v29 =	vadd.s32 v10, v17;
	v9 =	vsub.f32 $1.500000000e+00, v9;
	v5 =	vsub.f32 $1.500000000e+00, v5  }
0xcb: {  	v7 =	vsub.f32 v23, v7;
	v1 =	vsub.f32 v46, v1;
	v8 =	vmul.f32 v16, v8  }
0xcc: {  	v22 =	vsub.f32 v48, v24;
	v9 =	vmul.f32 v27, v9;
	v5 =	vmul.f32 v28, v5  }
0xcd: {  	v24 =	vsub.f32 v44, v24;
	v18 =	vmul.f32 v8, v25;
	v21 =	vmul.f32 v8, v21  }
0xce: {  	s19 =	sadd.s32 $0x2, s1;
	v46 =	vadd.f32 v33, v32;
	v6 =	vmul.f32 v8, v6;
	v7 =	vmul.f32 v8, v7  }
0xcf: {  	v23 =	vmov s19;
	[tilespmem:v26+s0+$0x0] =	vst.idx.msk $0xffff, v19;
	v8 =	vmul.f32 v9, v20;
	v19 =	vmul.f32 v9, v22  }
0xd0: {  	v27 =	vadd.s32 v12, v17;
	v20 =	vmul.f32 v9, v55;
	v9 =	vmul.f32 v9, v24  }
0xd1: {  	v28 =	vadd.s32 v11, v17;
	v17 =	vmul.f32 v5, v56;
	v22 =	vmul.f32 v5, v57  }
0xd2: {  	v16 =	vand.u32 $0x7E, v23;
	v23 =	vmul.f32 v5, v58;
	v1 =	vmul.f32 v5, v1  }
0xd3: {  	v26 =	vadd.s32 v61, v16;
	v5 =	vmul.f32 v18, v13;
	v18 =	vmul.f32 v21, v39  }
0xd4: {  	v25 =	vadd.s32 v10, v16;
	v6 =	vmul.f32 v6, v41;
	v7 =	vmul.f32 v7, v51  }
0xd5: {  	v24 =	vadd.s32 v11, v16;
	v8 =	vmul.f32 v8, v13;
	v62 =	vmul.f32 v19, v39  }
0xd6: {  	p0 =	slt.u32 s18, $0x7C;
	v34 =	vld [tilespmem:s2+$0xA0];
	v20 =	vmul.f32 v20, v41;
	v9 =	vmul.f32 v9, v51;
	v5 =	vadd.f32 v5, v52  }
.Ltmp0:
0xd7: {  	v35 =	vld [tilespmem:s2+$0xB0];
	v18 =	vadd.f32 v18, v14;
	v6 =	vadd.f32 v6, v15;
	v63 =	vmul.f32 v17, v13;
	(pc) =	sbr.rel @p0 .LBB2_3-.Ltmp0, $4  }
0xd8: {  	v21 =	vld [tilespmem:s2+$0xFFFFFF10];
	v50 =	vmul.f32 v22, v39;
	v40 =	vadd.f32 v7, v53;
	v49 =	vmul.f32 v23, v41  }
0xd9: {  	v19 =	vmul.f32 v1, v51;
	v22 =	vld [tilespmem:s2+$0xFFFFFF20];
	v1 =	vmov s18;
	v41 =	vadd.f32 v8, v52;
	[tilespmem:v54+s0+$0x0] =	vst.idx.msk $0xffff, v5  }
0xda: {  	s19 =	sadd.s32 $0x1, s18;
	v39 =	vadd.f32 v62, v14;
	v17 =	vand.u32 $0x7C, v1;
	v38 =	vadd.f32 v20, v15;
	v23 =	vld [tilespmem:s2+$0xFFFFFF30];
	[tilespmem:v59+s0+$0x0] =	vst.idx.msk $0xffff, v18  }
0xdb: {  	s1 =	smov.u32 s18;
	s18 =	sadd.s32 $0x4, s18;
	v37 =	vadd.f32 v9, v53;
	v20 =	vld [tilespmem:s2+$0xFFFFFF80];
	v36 =	vadd.f32 v63, v52;
	v18 =	vmov s19;
	[tilespmem:v60+s0+$0x0] =	vst.idx.msk $0xffff, v6  }
0xdc: {  	v43 =	vld [tilespmem:s2+$0xFFFFFF90]  }
0xdd: {  	v45 =	vld [tilespmem:s2+$0xFFFFFFA0]  }
0xde: {  	v1 =	vadd.f32 v35, v34;
	v5 =	vmul.f32 v32, v32;
	v6 =	vmul.f32 v33, v33;
	v44 =	vld [tilespmem:s2+$0xFFFFFFB0]  }
0xdf: {  	v7 =	vmul.f32 v34, v34;
	v8 =	vmul.f32 v35, v35;
	v47 =	vld [tilespmem:s2+$0x0]  }
0xe0: {  	v42 =	vld [tilespmem:s2+$0x10];
	v1 =	vadd.f32 v1, v46  }
0xe1: {  	v51 =	vld [tilespmem:s2+$0xFFFFFF00];
	v9 =	vmul.f32 v21, v21;
	v5 =	vadd.f32 v6, v5;
	v6 =	vadd.f32 v8, v7  }
0xe2: {  	v14 =	vld [tilespmem:$0x1FFD0];
	v16 =	vadd.s32 v12, v16;
	v7 =	vmul.f32 v22, v22;
	v8 =	vmul.f32 v23, v23  }
0xe3: {  	v15 =	vld [tilespmem:$0x1FFE0];
	v52 =	vadd.f32 v23, v22;
	v5 =	vadd.f32 v6, v5;
	v6 =	vperm.xlane v1, v0  }
0xe4: {  	v48 =	vmul.f32 v20, v20;
	v53 =	vadd.f32 v43, v20;
	v54 =	vmul.f32 v43, v43  }
0xe5: {  	v7 =	vadd.f32 v8, v7;
	v8 =	vmul.f32 v45, v45;
	v55 =	vadd.f32 v44, v45  }
0xe6: {  	v56 =	vmul.f32 v44, v44;
	v57 =	vmul.f32 v47, v47;
	v58 =	vadd.f32 v42, v47  }
0xe7: {  	v46 =	vld [tilespmem:s2+$0x20];
	v50 =	vadd.f32 v50, v14;
	v1 =	vadd.f32 v1, v6;
	v6 =	vperm.xlane v5, v0  }
0xe8: {  	v60 =	vmul.f32 v51, v51;
	v49 =	vadd.f32 v49, v15;
	v54 =	vadd.f32 v54, v48  }
0xe9: {  	v48 =	vld [tilespmem:s2+$0x30];
	v53 =	vadd.f32 v55, v53;
	v5 =	vadd.f32 v5, v6;
	v6 =	vperm.xlane v1, v2  }
0xea: {  	v59 =	vmul.f32 v42, v42;
	v55 =	vadd.f32 v21, v51;
	v8 =	vadd.f32 v56, v8  }
0xeb: {  	v9 =	vadd.f32 v9, v60;
	v1 =	vadd.f32 v6, v1;
	v6 =	vperm.xlane v5, v2  }
0xec: {  	v57 =	vadd.f32 v59, v57;
	v52 =	vadd.f32 v52, v55;
	v55 =	vmul.f32 v46, v46  }
0xed: {  	v7 =	vadd.f32 v7, v9;
	v5 =	vadd.f32 v6, v5;
	v6 =	vperm.xlane v1, v3  }
0xee: {  	v8 =	vadd.f32 v8, v54;
	v9 =	vperm.xlane v52, v0;
	v56 =	vadd.f32 v48, v46  }
0xef: {  	v62 =	vperm.xlane v53, v0;
	v1 =	vadd.f32 v6, v1;
	v6 =	vperm.xlane v5, v3  }
0xf0: {  	v60 =	vmul.f32 v48, v48;
	v9 =	vadd.f32 v52, v9;
	v56 =	vadd.f32 v56, v58  }
0xf1: {  	v52 =	vperm.xlane v7, v0;
	v5 =	vadd.f32 v6, v5;
	v6 =	vperm.xlane v1, v4  }
0xf2: {  	v55 =	vadd.f32 v60, v55;
	v60 =	vperm.xlane v8, v0;
	v63 =	vperm.xlane v56, v0  }
0xf3: {  	v7 =	vadd.f32 v7, v52;
	v1 =	vadd.f32 v6, v1;
	v6 =	vperm.xlane v5, v4  }
0xf4: {  	v58 =	vperm.xlane v9, v2;
	v55 =	vadd.f32 v55, v57;
	v56 =	vadd.f32 v56, v63  }
0xf5: {  	v8 =	vadd.f32 v8, v60;
	v5 =	vadd.f32 v6, v5;
	v1 =	vmul.f32 $1.562500000e-02, v1  }
0xf6: {  	v6 =	vadd.f32 v53, v62;
	v62 =	vperm.xlane v55, v0;
	v60 =	vperm.xlane v56, v2  }
0xf7: {  	v9 =	vadd.f32 v58, v9;
	v5 =	vmul.f32 $1.562500000e-02, v5;
	v63 =	vmul.f32 v1, v1  }
0xf8: {  	v59 =	vperm.xlane v6, v2;
	v54 =	vadd.f32 v55, v62;
	v62 =	vperm.xlane v7, v2  }
0xf9: {  	v55 =	vadd.f32 v60, v56;
	v56 =	vperm.xlane v9, v3;
	v5 =	vsub.f32 v5, v63  }
0xfa: {  	v58 =	vsub.f32 v32, v1;
	v6 =	vadd.f32 v59, v6;
	v63 =	vperm.xlane v8, v2  }
0xfb: {  	v7 =	vadd.f32 v62, v7;
	v60 =	vperm.xlane v54, v2;
	v5 =	vadd.f32 $9.999999960e-13, v5  }
0xfc: {  	v9 =	vadd.f32 v56, v9;
	v8 =	vadd.f32 v63, v8;
	v63 =	vperm.xlane v6, v3  }
0xfd: {  	[tilespmem:v30+s0+$0x0] =	vst.idx.msk $0xffff, v40;
	v52 =	vadd.f32 v60, v54;
	v60 =	vperm.xlane v55, v3;
	v62 =	vshra.s32 v5, $0x1  }
0xfe: {  	[tilespmem:v31+s0+$0x0] =	vst.idx.msk $0xffff, v41;
	v5 =	vmul.f32 $5.000000000e-01, v5;
	v6 =	vadd.f32 v63, v6;
	v63 =	vperm.xlane v8, v3  }
0xff: {  	[tilespmem:v29+s0+$0x0] =	vst.idx.msk $0xffff, v39;
	v54 =	vadd.f32 v60, v55;
	v57 =	vsub.s32 $0x5F3759DF, v62;
	v62 =	vperm.xlane v7, v3  }
0x100: {  	v60 =	vperm.xlane v52, v3;
	v5 =	vmul.f32 v57, v5;
	v8 =	vadd.f32 v63, v8  }
0x101: {  	v63 =	vperm.xlane v6, v4;
	v7 =	vadd.f32 v62, v7;
	v62 =	vperm.xlane v9, v4  }
0x102: {  	v59 =	vsub.f32 v33, v1;
	v52 =	vadd.f32 v60, v52;
	v5 =	vmul.f32 v57, v5  }
0x103: {  	v13 =	vld [tilespmem:$0x1FF80];
	v6 =	vadd.f32 v63, v6;
	v63 =	vperm.xlane v8, v4;
	v9 =	vadd.f32 v62, v9  }
0x104: {  	v39 =	vld [tilespmem:$0x1FF90];
	[tilespmem:v28+s0+$0x0] =	vst.idx.msk $0xffff, v38;
	v60 =	vsub.f32 v34, v1;
	v62 =	vperm.xlane v54, v4;
	v5 =	vsub.f32 $1.500000000e+00, v5  }
0x105: {  	[tilespmem:v26+s0+$0x0] =	vst.idx.msk $0xffff, v36;
	v8 =	vadd.f32 v63, v8;
	v6 =	vmul.f32 $1.562500000e-02, v6;
	v9 =	vmul.f32 $1.562500000e-02, v9  }
0x106: {  	v1 =	vsub.f32 v35, v1;
	v5 =	vmul.f32 v57, v5;
	v57 =	vperm.xlane v7, v4  }
0x107: {  	[tilespmem:v27+s0+$0x0] =	vst.idx.msk $0xffff, v37;
	v35 =	vadd.f32 v62, v54;
	v8 =	vmul.f32 $1.562500000e-02, v8;
	v40 =	vmul.f32 v6, v6  }
0x108: {  	s19 =	sadd.s32 $0x3, s1;
	v7 =	vadd.f32 v57, v7;
	v32 =	vmul.f32 v5, v58;
	v33 =	vmul.f32 v5, v59  }
0x109: {  	v36 =	vld [tilespmem:$0x1FFA0];
	v34 =	vmul.f32 v5, v60;
	v1 =	vmul.f32 v5, v1;
	v5 =	vmov s19  }
0x10a: {  	v37 =	vld [tilespmem:$0x1FFC0];
	v57 =	vmul.f32 v9, v9;
	v58 =	vperm.xlane v52, v4;
	v5 =	vand.u32 $0x7F, v5  }
0x10b: {  	v8 =	vsub.f32 v8, v40;
	v7 =	vmul.f32 $1.562500000e-02, v7;
	v59 =	vadd.s32 v61, v5  }
0x10c: {  	v60 =	vmul.f32 v32, v13;
	v62 =	vmul.f32 v33, v39;
	v63 =	vadd.s32 v10, v5  }
0x10d: {  	[tilespmem:v25+s0+$0x0] =	vst.idx.msk $0xffff, v50;
	v41 =	vadd.f32 v58, v52;
	v53 =	vadd.s32 v11, v5;
	v8 =	vadd.f32 $9.999999960e-13, v8  }
0x10e: {  	v54 =	vmul.f32 v34, v36;
	v34 =	vld [tilespmem:$0x1FFB0];
	v58 =	vsub.f32 v51, v9;
	v7 =	vsub.f32 v7, v57  }
0x10f: {  	[tilespmem:v24+s0+$0x0] =	vst.idx.msk $0xffff, v49;
	v49 =	vsub.f32 v20, v6;
	v29 =	vadd.f32 v60, v37  }
0x110: {  	v5 =	vadd.s32 v12, v5;
	v33 =	vld [tilespmem:$0x1FFF0];
	v55 =	vadd.f32 v62, v14;
	v7 =	vadd.f32 $9.999999960e-13, v7  }
0x111: {  	v56 =	vadd.f32 v54, v15;
	v57 =	vshra.s32 v8, $0x1;
	v8 =	vmul.f32 $5.000000000e-01, v8  }
0x112: {  	v24 =	vsub.s32 $0x5F3759DF, v57;
	v52 =	vshra.s32 v7, $0x1;
	v7 =	vmul.f32 $5.000000000e-01, v7  }
0x113: {  	v1 =	vmul.f32 v1, v34;
	[tilespmem:v59+s0+$0x0] =	vst.idx.msk $0xffff, v29;
	v59 =	vmul.f32 $1.562500000e-02, v35;
	v30 =	vsub.s32 $0x5F3759DF, v52  }
0x114: {  	v60 =	vsub.f32 v21, v9;
	v8 =	vmul.f32 v24, v8;
	v7 =	vmul.f32 v30, v7  }
0x115: {  	[tilespmem:v63+s0+$0x0] =	vst.idx.msk $0xffff, v55;
	v63 =	vmul.f32 $1.562500000e-02, v41;
	v1 =	vadd.f32 v1, v33;
	v32 =	vmul.f32 v59, v59  }
0x116: {  	v8 =	vmul.f32 v24, v8;
	[tilespmem:v53+s0+$0x0] =	vst.idx.msk $0xffff, v56;
	v7 =	vmul.f32 v30, v7  }
0x117: {  	v18 =	vand.u32 $0x7D, v18;
	v62 =	vsub.f32 v22, v9;
	[tilespmem:v5+s0+$0x0] =	vst.idx.msk $0xffff, v1;
	v1 =	vsub.f32 v63, v32  }
0x118: {  	v40 =	vadd.s32 v10, v17;
	v5 =	vsub.f32 $1.500000000e+00, v8;
	v7 =	vsub.f32 $1.500000000e+00, v7  }
0x119: {  	v9 =	vsub.f32 v23, v9;
	v54 =	vadd.s32 v12, v17;
	v1 =	vadd.f32 $9.999999960e-13, v1  }
0x11a: {  	v19 =	vadd.f32 v19, v33;
	v5 =	vmul.f32 v24, v5;
	v7 =	vmul.f32 v30, v7  }
0x11b: {  	v35 =	vadd.s32 v61, v17;
	v52 =	vshra.s32 v1, $0x1;
	v1 =	vmul.f32 $5.000000000e-01, v1  }
0x11c: {  	[tilespmem:v16+s0+$0x0] =	vst.idx.msk $0xffff, v19;
	v20 =	vmul.f32 v5, v49;
	v19 =	vsub.s32 $0x5F3759DF, v52;
	v38 =	vmul.f32 v7, v58  }
0x11d: {  	v53 =	vsub.f32 v45, v6;
	v1 =	vmul.f32 v19, v1;
	v8 =	vmul.f32 v7, v60  }
0x11e: {  	v55 =	vsub.f32 v47, v59;
	v50 =	vmul.f32 v7, v62;
	v41 =	vmul.f32 v38, v13  }
0x11f: {  	v7 =	vmul.f32 v7, v9;
	v9 =	vadd.s32 v11, v17;
	v8 =	vmul.f32 v8, v39  }
0x120: {  	v1 =	vmul.f32 v19, v1;
	v16 =	vmul.f32 v50, v36;
	v51 =	vadd.f32 v41, v37  }
0x121: {  	v57 =	vadd.s32 v10, v18;
	v56 =	vsub.f32 v42, v59;
	v8 =	vadd.f32 v8, v14  }
0x122: {  	v20 =	vmul.f32 v20, v13;
	v1 =	vsub.f32 $1.500000000e+00, v1;
	v16 =	vadd.f32 v16, v15;
	[tilespmem:v35+s0+$0x0] =	vst.idx.msk $0xffff, v51  }
0x123: {  	v7 =	vmul.f32 v7, v34;
	[tilespmem:v40+s0+$0x0] =	vst.idx.msk $0xffff, v8;
	v8 =	vsub.f32 v43, v6  }
0x124: {  	v1 =	vmul.f32 v19, v1;
	[tilespmem:v9+s0+$0x0] =	vst.idx.msk $0xffff, v16;
	v9 =	vadd.s32 v61, v18  }
0x125: {  	v21 =	vmul.f32 v5, v53;
	v58 =	vsub.f32 v48, v59;
	v8 =	vmul.f32 v5, v8  }
0x126: {  	v20 =	vadd.f32 v20, v37;
	v7 =	vadd.f32 v7, v33;
	v60 =	vmul.f32 v1, v55  }
0x127: {  	v6 =	vsub.f32 v44, v6;
	v16 =	vmul.f32 v1, v56;
	v8 =	vmul.f32 v8, v39  }
0x128: {  	[tilespmem:v54+s0+$0x0] =	vst.idx.msk $0xffff, v7;
	v7 =	vsub.f32 v46, v59;
	v59 =	vadd.s32 v11, v18  }
0x129: {  	s2 =	sadd.s32 $0x2, s1;
	v8 =	vadd.f32 v8, v14;
	[tilespmem:v9+s0+$0x0] =	vst.idx.msk $0xffff, v20;
	v9 =	vmul.f32 v21, v36  }
0x12a: {  	v5 =	vmul.f32 v5, v6;
	v6 =	vmov s2;
	v16 =	vmul.f32 v16, v39  }
0x12b: {  	v6 =	vand.u32 $0x7E, v6;
	[tilespmem:v57+s0+$0x0] =	vst.idx.msk $0xffff, v8;
	v8 =	vadd.s32 v12, v18;
	v9 =	vadd.f32 v9, v15  }
0x12c: {  	v7 =	vmul.f32 v1, v7;
	v62 =	vadd.s32 v61, v6;
	v5 =	vmul.f32 v5, v34  }
0x12d: {  	v18 =	vmul.f32 v60, v13;
	[tilespmem:v59+s0+$0x0] =	vst.idx.msk $0xffff, v9;
	v9 =	vadd.s32 v10, v6  }
0x12e: {  	v1 =	vmul.f32 v1, v58;
	v63 =	vadd.s32 v11, v6;
	v5 =	vadd.f32 v5, v33  }
0x12f: {  	v7 =	vmul.f32 v7, v36;
	v18 =	vadd.f32 v18, v37;
	v6 =	vadd.s32 v12, v6  }
0x130: {  	s18 =	sadd.s32 s8, s30;
	v1 =	vmul.f32 v1, v34;
	[tilespmem:v8+s0+$0x0] =	vst.idx.msk $0xffff, v5;
	v5 =	vadd.f32 v16, v14  }
0x131: {  	s1 =	sshll.u32 s18, $0x7;
	s19 =	sshll.u32 s18, $0xA;
	v7 =	vadd.f32 v7, v15;
	[tilespmem:v62+s0+$0x0] =	vst.idx.msk $0xffff, v18  }
0x132: {  	s1 =	sand.u32 $0x3F80, s1;
	s2 =	sand.u32 $0xFFE0000, s19;
	v1 =	vadd.f32 v1, v33;
	[tilespmem:v9+s0+$0x0] =	vst.idx.msk $0xffff, v5  }
0x133: {  	s2 =	sor.u32 s1, s2;
	[tilespmem:v63+s0+$0x0] =	vst.idx.msk $0xffff, v7  }
0x134: {  	s1 =	sadd.s32 $0x5, s31;
	s18 =	sadd.s32 s4, s2;
	[tilespmem:v6+s0+$0x0] =	vst.idx.msk $0xffff, v1  }
0x135: {  	[hbm4b:s18+s5] =	stream.linear.scatter [tilespmem:s0], [sflag:s1], $0x80, $0x38;
	[tilespmem:$0x1EC80] =	vst v63  }
0x136: {  	s31 =	sadd.s32 $0x16488, s3;
	s19 =	sadd.s32 $0x10, s18  }
0x137: {  	[hbm4b:s19+s5] =	stream.linear.scatter [tilespmem:s31], [sflag:s1], $0x80, $0x38;
	[tilespmem:$0x1EC80] =	vst v63  }
0x138: {  	s19 =	sadd.s32 $0x16510, s3;
	s31 =	sadd.s32 $0x20, s18  }
0x139: {  	[hbm4b:s31+s5] =	stream.linear.scatter [tilespmem:s19], [sflag:s1], $0x80, $0x38;
	[tilespmem:$0x1EC80] =	vst v63  }
0x13a: {  	s19 =	sadd.s32 $0x16598, s3;
	s31 =	sadd.s32 $0x30, s18  }
0x13b: {  	[hbm4b:s31+s5] =	stream.linear.scatter [tilespmem:s19], [sflag:s1], $0x80, $0x38;
	[tilespmem:$0x1EC80] =	vst v63  }
0x13c: {  	s19 =	sadd.s32 $0x16620, s3;
	s31 =	sadd.s32 $0x40, s18  }
0x13d: {  	[hbm4b:s31+s5] =	stream.linear.scatter [tilespmem:s19], [sflag:s1], $0x80, $0x38;
	[tilespmem:$0x1EC80] =	vst v63  }
0x13e: {  	s19 =	sadd.s32 $0x166A8, s3;
	s31 =	sadd.s32 $0x50, s18  }
0x13f: {  	[hbm4b:s31+s5] =	stream.linear.scatter [tilespmem:s19], [sflag:s1], $0x80, $0x38;
	[tilespmem:$0x1EC80] =	vst v63  }
0x140: {  	s19 =	sadd.s32 $0x16730, s3;
	s31 =	sadd.s32 $0x60, s18  }
0x141: {  	[hbm4b:s31+s5] =	stream.linear.scatter [tilespmem:s19], [sflag:s1], $0x80, $0x38;
	[tilespmem:$0x1EC80] =	vst v63  }
0x142: {  	s18 =	sadd.s32 $0x70, s18;
	s19 =	sadd.s32 $0x167B8, s3  }
0x143: {  	[hbm4b:s18+s5] =	stream.linear.scatter [tilespmem:s19], [sflag:s1], $0x80, $0x38;
	[tilespmem:$0x1EC80] =	vst v63  }
0x144: {  	s0 =	sadd.s32 s2, s9;
	s31 =	sadd.s32 $0x16840, s3  }
0x145: {  	[hbm4b:s0+s5] =	stream.linear.scatter [tilespmem:s31], [sflag:s1], $0x80, $0x38;
	[tilespmem:$0x1EC80] =	vst v63  }
0x146: {  	s19 =	sadd.s32 $0x168C8, s3;
	s31 =	sadd.s32 $0x10, s0  }
0x147: {  	[hbm4b:s31+s5] =	stream.linear.scatter [tilespmem:s19], [sflag:s1], $0x80, $0x38;
	[tilespmem:$0x1EC80] =	vst v63  }
0x148: {  	s19 =	sadd.s32 $0x16950, s3;
	s31 =	sadd.s32 $0x20, s0  }
0x149: {  	[hbm4b:s31+s5] =	stream.linear.scatter [tilespmem:s19], [sflag:s1], $0x80, $0x38;
	[tilespmem:$0x1EC80] =	vst v63  }
0x14a: {  	s19 =	sadd.s32 $0x169D8, s3;
	s31 =	sadd.s32 $0x30, s0  }
0x14b: {  	[hbm4b:s31+s5] =	stream.linear.scatter [tilespmem:s19], [sflag:s1], $0x80, $0x38;
	[tilespmem:$0x1EC80] =	vst v63  }
0x14c: {  	s19 =	sadd.s32 $0x16A60, s3;
	s31 =	sadd.s32 $0x40, s0  }
0x14d: {  	[hbm4b:s31+s5] =	stream.linear.scatter [tilespmem:s19], [sflag:s1], $0x80, $0x38;
	[tilespmem:$0x1EC80] =	vst v63  }
0x14e: {  	s19 =	sadd.s32 $0x16AE8, s3;
	s31 =	sadd.s32 $0x50, s0  }
0x14f: {  	[hbm4b:s31+s5] =	stream.linear.scatter [tilespmem:s19], [sflag:s1], $0x80, $0x38;
	[tilespmem:$0x1EC80] =	vst v63  }
0x150: {  	s19 =	sadd.s32 $0x16B70, s3;
	s31 =	sadd.s32 $0x60, s0  }
0x151: {  	[hbm4b:s31+s5] =	stream.linear.scatter [tilespmem:s19], [sflag:s1], $0x80, $0x38;
	[tilespmem:$0x1EC80] =	vst v63  }
0x152: {  	s0 =	sadd.s32 $0x70, s0;
	s19 =	sadd.s32 $0x16BF8, s3  }
0x153: {  	[hbm4b:s0+s5] =	stream.linear.scatter [tilespmem:s19], [sflag:s1], $0x80, $0x38;
	[tilespmem:$0x1EC80] =	vst v63  }
0x154: {  	s31 =	sadd.s32 $0x16C80, s3;
	s0 =	sadd.s32 s2, s10  }
0x155: {  	[hbm4b:s0+s5] =	stream.linear.scatter [tilespmem:s31], [sflag:s1], $0x80, $0x38;
	[tilespmem:$0x1EC80] =	vst v63  }
0x156: {  	s19 =	sadd.s32 $0x16D08, s3;
	s31 =	sadd.s32 $0x10, s0  }
0x157: {  	[hbm4b:s31+s5] =	stream.linear.scatter [tilespmem:s19], [sflag:s1], $0x80, $0x38;
	[tilespmem:$0x1EC80] =	vst v63  }
0x158: {  	s19 =	sadd.s32 $0x16D90, s3;
	s31 =	sadd.s32 $0x20, s0  }
0x159: {  	[hbm4b:s31+s5] =	stream.linear.scatter [tilespmem:s19], [sflag:s1], $0x80, $0x38;
	[tilespmem:$0x1EC80] =	vst v63  }
0x15a: {  	s19 =	sadd.s32 $0x16E18, s3;
	s31 =	sadd.s32 $0x30, s0  }
0x15b: {  	[hbm4b:s31+s5] =	stream.linear.scatter [tilespmem:s19], [sflag:s1], $0x80, $0x38;
	[tilespmem:$0x1EC80] =	vst v63  }
0x15c: {  	s19 =	sadd.s32 $0x16EA0, s3;
	s31 =	sadd.s32 $0x40, s0  }
0x15d: {  	[hbm4b:s31+s5] =	stream.linear.scatter [tilespmem:s19], [sflag:s1], $0x80, $0x38;
	[tilespmem:$0x1EC80] =	vst v63  }
0x15e: {  	s19 =	sadd.s32 $0x16F28, s3;
	s31 =	sadd.s32 $0x50, s0  }
0x15f: {  	[hbm4b:s31+s5] =	stream.linear.scatter [tilespmem:s19], [sflag:s1], $0x80, $0x38;
	[tilespmem:$0x1EC80] =	vst v63  }
0x160: {  	s19 =	sadd.s32 $0x16FB0, s3;
	s31 =	sadd.s32 $0x60, s0  }
0x161: {  	[hbm4b:s31+s5] =	stream.linear.scatter [tilespmem:s19], [sflag:s1], $0x80, $0x38;
	[tilespmem:$0x1EC80] =	vst v63  }
0x162: {  	s0 =	sadd.s32 $0x70, s0;
	s19 =	sadd.s32 $0x17038, s3  }
0x163: {  	[hbm4b:s0+s5] =	stream.linear.scatter [tilespmem:s19], [sflag:s1], $0x80, $0x38;
	[tilespmem:$0x1EC80] =	vst v63  }
0x164: {  	s31 =	sadd.s32 $0x170C0, s3;
	s0 =	sadd.s32 s2, s11  }
0x165: {  	[hbm4b:s0+s5] =	stream.linear.scatter [tilespmem:s31], [sflag:s1], $0x80, $0x38;
	[tilespmem:$0x1EC80] =	vst v63  }
0x166: {  	s19 =	sadd.s32 $0x17148, s3;
	s31 =	sadd.s32 $0x10, s0  }
0x167: {  	[hbm4b:s31+s5] =	stream.linear.scatter [tilespmem:s19], [sflag:s1], $0x80, $0x38;
	[tilespmem:$0x1EC80] =	vst v63  }
0x168: {  	s19 =	sadd.s32 $0x171D0, s3;
	s31 =	sadd.s32 $0x20, s0  }
0x169: {  	[hbm4b:s31+s5] =	stream.linear.scatter [tilespmem:s19], [sflag:s1], $0x80, $0x38;
	[tilespmem:$0x1EC80] =	vst v63  }
0x16a: {  	s19 =	sadd.s32 $0x17258, s3;
	s31 =	sadd.s32 $0x30, s0  }
0x16b: {  	[hbm4b:s31+s5] =	stream.linear.scatter [tilespmem:s19], [sflag:s1], $0x80, $0x38;
	[tilespmem:$0x1EC80] =	vst v63  }
0x16c: {  	s19 =	sadd.s32 $0x172E0, s3;
	s31 =	sadd.s32 $0x40, s0  }
0x16d: {  	[hbm4b:s31+s5] =	stream.linear.scatter [tilespmem:s19], [sflag:s1], $0x80, $0x38;
	[tilespmem:$0x1EC80] =	vst v63  }
0x16e: {  	s19 =	sadd.s32 $0x17368, s3;
	s31 =	sadd.s32 $0x50, s0  }
0x16f: {  	[hbm4b:s31+s5] =	stream.linear.scatter [tilespmem:s19], [sflag:s1], $0x80, $0x38;
	[tilespmem:$0x1EC80] =	vst v63  }
0x170: {  	s19 =	sadd.s32 $0x173F0, s3;
	s31 =	sadd.s32 $0x60, s0  }
0x171: {  	[hbm4b:s31+s5] =	stream.linear.scatter [tilespmem:s19], [sflag:s1], $0x80, $0x38;
	[tilespmem:$0x1EC80] =	vst v63  }
0x172: {  	s0 =	sadd.s32 $0x70, s0;
	s19 =	sadd.s32 $0x17478, s3  }
0x173: {  	[hbm4b:s0+s5] =	stream.linear.scatter [tilespmem:s19], [sflag:s1], $0x80, $0x38;
	[tilespmem:$0x1EC80] =	vst v63  }
0x174: {  	s31 =	sadd.s32 $0x17500, s3;
	s0 =	sadd.s32 s2, s12  }
0x175: {  	[hbm4b:s0+s5] =	stream.linear.scatter [tilespmem:s31], [sflag:s1], $0x80, $0x38;
	[tilespmem:$0x1EC80] =	vst v63  }
0x176: {  	s19 =	sadd.s32 $0x17588, s3;
	s31 =	sadd.s32 $0x10, s0  }
0x177: {  	[hbm4b:s31+s5] =	stream.linear.scatter [tilespmem:s19], [sflag:s1], $0x80, $0x38;
	[tilespmem:$0x1EC80] =	vst v63  }
0x178: {  	s19 =	sadd.s32 $0x17610, s3;
	s31 =	sadd.s32 $0x20, s0  }
0x179: {  	[hbm4b:s31+s5] =	stream.linear.scatter [tilespmem:s19], [sflag:s1], $0x80, $0x38;
	[tilespmem:$0x1EC80] =	vst v63  }
0x17a: {  	s19 =	sadd.s32 $0x17698, s3;
	s31 =	sadd.s32 $0x30, s0  }
0x17b: {  	[hbm4b:s31+s5] =	stream.linear.scatter [tilespmem:s19], [sflag:s1], $0x80, $0x38;
	[tilespmem:$0x1EC80] =	vst v63  }
0x17c: {  	s19 =	sadd.s32 $0x17720, s3;
	s31 =	sadd.s32 $0x40, s0  }
0x17d: {  	[hbm4b:s31+s5] =	stream.linear.scatter [tilespmem:s19], [sflag:s1], $0x80, $0x38;
	[tilespmem:$0x1EC80] =	vst v63  }
0x17e: {  	s19 =	sadd.s32 $0x177A8, s3;
	s31 =	sadd.s32 $0x50, s0  }
0x17f: {  	[hbm4b:s31+s5] =	stream.linear.scatter [tilespmem:s19], [sflag:s1], $0x80, $0x38;
	[tilespmem:$0x1EC80] =	vst v63  }
0x180: {  	s19 =	sadd.s32 $0x17830, s3;
	s31 =	sadd.s32 $0x60, s0  }
0x181: {  	[hbm4b:s31+s5] =	stream.linear.scatter [tilespmem:s19], [sflag:s1], $0x80, $0x38;
	[tilespmem:$0x1EC80] =	vst v63  }
0x182: {  	s0 =	sadd.s32 $0x70, s0;
	s19 =	sadd.s32 $0x178B8, s3  }
0x183: {  	[hbm4b:s0+s5] =	stream.linear.scatter [tilespmem:s19], [sflag:s1], $0x80, $0x38;
	[tilespmem:$0x1EC80] =	vst v63  }
0x184: {  	s31 =	sadd.s32 $0x17940, s3;
	s0 =	sadd.s32 s2, s13  }
0x185: {  	[hbm4b:s0+s5] =	stream.linear.scatter [tilespmem:s31], [sflag:s1], $0x80, $0x38;
	[tilespmem:$0x1EC80] =	vst v63  }
0x186: {  	s19 =	sadd.s32 $0x179C8, s3;
	s31 =	sadd.s32 $0x10, s0  }
0x187: {  	[hbm4b:s31+s5] =	stream.linear.scatter [tilespmem:s19], [sflag:s1], $0x80, $0x38;
	[tilespmem:$0x1EC80] =	vst v63  }
0x188: {  	s19 =	sadd.s32 $0x17A50, s3;
	s31 =	sadd.s32 $0x20, s0  }
0x189: {  	[hbm4b:s31+s5] =	stream.linear.scatter [tilespmem:s19], [sflag:s1], $0x80, $0x38;
	[tilespmem:$0x1EC80] =	vst v63  }
0x18a: {  	s19 =	sadd.s32 $0x17AD8, s3;
	s31 =	sadd.s32 $0x30, s0  }
0x18b: {  	[hbm4b:s31+s5] =	stream.linear.scatter [tilespmem:s19], [sflag:s1], $0x80, $0x38;
	[tilespmem:$0x1EC80] =	vst v63  }
0x18c: {  	s19 =	sadd.s32 $0x17B60, s3;
	s31 =	sadd.s32 $0x40, s0  }
0x18d: {  	[hbm4b:s31+s5] =	stream.linear.scatter [tilespmem:s19], [sflag:s1], $0x80, $0x38;
	[tilespmem:$0x1EC80] =	vst v63  }
0x18e: {  	s19 =	sadd.s32 $0x17BE8, s3;
	s31 =	sadd.s32 $0x50, s0  }
0x18f: {  	[hbm4b:s31+s5] =	stream.linear.scatter [tilespmem:s19], [sflag:s1], $0x80, $0x38;
	[tilespmem:$0x1EC80] =	vst v63  }
0x190: {  	s19 =	sadd.s32 $0x17C70, s3;
	s31 =	sadd.s32 $0x60, s0  }
0x191: {  	[hbm4b:s31+s5] =	stream.linear.scatter [tilespmem:s19], [sflag:s1], $0x80, $0x38;
	[tilespmem:$0x1EC80] =	vst v63  }
0x192: {  	s0 =	sadd.s32 $0x70, s0;
	s19 =	sadd.s32 $0x17CF8, s3  }
0x193: {  	[hbm4b:s0+s5] =	stream.linear.scatter [tilespmem:s19], [sflag:s1], $0x80, $0x38;
	[tilespmem:$0x1EC80] =	vst v63  }
0x194: {  	s31 =	sadd.s32 $0x17D80, s3;
	s0 =	sadd.s32 s2, s14  }
0x195: {  	[hbm4b:s0+s5] =	stream.linear.scatter [tilespmem:s31], [sflag:s1], $0x80, $0x38;
	[tilespmem:$0x1EC80] =	vst v63  }
0x196: {  	s19 =	sadd.s32 $0x17E08, s3;
	s31 =	sadd.s32 $0x10, s0  }
0x197: {  	[hbm4b:s31+s5] =	stream.linear.scatter [tilespmem:s19], [sflag:s1], $0x80, $0x38;
	[tilespmem:$0x1EC80] =	vst v63  }
0x198: {  	s19 =	sadd.s32 $0x17E90, s3;
	s31 =	sadd.s32 $0x20, s0  }
0x199: {  	[hbm4b:s31+s5] =	stream.linear.scatter [tilespmem:s19], [sflag:s1], $0x80, $0x38;
	[tilespmem:$0x1EC80] =	vst v63  }
0x19a: {  	s19 =	sadd.s32 $0x17F18, s3;
	s31 =	sadd.s32 $0x30, s0  }
0x19b: {  	[hbm4b:s31+s5] =	stream.linear.scatter [tilespmem:s19], [sflag:s1], $0x80, $0x38;
	[tilespmem:$0x1EC80] =	vst v63  }
0x19c: {  	s19 =	sadd.s32 $0x17FA0, s3;
	s31 =	sadd.s32 $0x40, s0  }
0x19d: {  	[hbm4b:s31+s5] =	stream.linear.scatter [tilespmem:s19], [sflag:s1], $0x80, $0x38;
	[tilespmem:$0x1EC80] =	vst v63  }
0x19e: {  	s19 =	sadd.s32 $0x18028, s3;
	s31 =	sadd.s32 $0x50, s0  }
0x19f: {  	[hbm4b:s31+s5] =	stream.linear.scatter [tilespmem:s19], [sflag:s1], $0x80, $0x38;
	[tilespmem:$0x1EC80] =	vst v63  }
0x1a0: {  	s19 =	sadd.s32 $0x180B0, s3;
	s31 =	sadd.s32 $0x60, s0  }
0x1a1: {  	[hbm4b:s31+s5] =	stream.linear.scatter [tilespmem:s19], [sflag:s1], $0x80, $0x38;
	[tilespmem:$0x1EC80] =	vst v63  }
0x1a2: {  	s0 =	sadd.s32 $0x70, s0;
	s31 =	sadd.s32 $0x18138, s3  }
0x1a3: {  	[hbm4b:s0+s5] =	stream.linear.scatter [tilespmem:s31], [sflag:s1], $0x80, $0x38;
	[tilespmem:$0x1EC80] =	vst v63  }
0x1a4: {  	s18 =	sadd.s32 $0x181C0, s3;
	s0 =	sadd.s32 s2, s15  }
0x1a5: {  	[hbm4b:s0+s5] =	stream.linear.scatter [tilespmem:s18], [sflag:s1], $0x80, $0x38;
	[tilespmem:$0x1EC80] =	vst v63  }
0x1a6: {  	s19 =	sadd.s32 $0x18248, s3;
	s31 =	sadd.s32 $0x10, s0  }
0x1a7: {  	[hbm4b:s31+s5] =	stream.linear.scatter [tilespmem:s19], [sflag:s1], $0x80, $0x38;
	[tilespmem:$0x1EC80] =	vst v63  }
0x1a8: {  	s19 =	sadd.s32 $0x182D0, s3;
	s31 =	sadd.s32 $0x20, s0  }
0x1a9: {  	[hbm4b:s31+s5] =	stream.linear.scatter [tilespmem:s19], [sflag:s1], $0x80, $0x38;
	[tilespmem:$0x1EC80] =	vst v63  }
0x1aa: {  	s19 =	sadd.s32 $0x18358, s3;
	s31 =	sadd.s32 $0x30, s0  }
0x1ab: {  	[hbm4b:s31+s5] =	stream.linear.scatter [tilespmem:s19], [sflag:s1], $0x80, $0x38;
	[tilespmem:$0x1EC80] =	vst v63  }
0x1ac: {  	s19 =	sadd.s32 $0x183E0, s3;
	s31 =	sadd.s32 $0x40, s0  }
0x1ad: {  	[hbm4b:s31+s5] =	stream.linear.scatter [tilespmem:s19], [sflag:s1], $0x80, $0x38;
	[tilespmem:$0x1EC80] =	vst v63  }
0x1ae: {  	s19 =	sadd.s32 $0x18468, s3;
	s31 =	sadd.s32 $0x50, s0  }
0x1af: {  	[hbm4b:s31+s5] =	stream.linear.scatter [tilespmem:s19], [sflag:s1], $0x80, $0x38;
	[tilespmem:$0x1EC80] =	vst v63  }
0x1b0: {  	s18 =	sadd.s32 $0x184F0, s3;
	s19 =	sadd.s32 $0x60, s0  }
0x1b1: {  	[hbm4b:s19+s5] =	stream.linear.scatter [tilespmem:s18], [sflag:s1], $0x80, $0x38;
	[tilespmem:$0x1EC80] =	vst v63  }
0x1b2: {  	p0 =	sgt.u32 s30, $0xC5;
	s31 =	sadd.s32 $0x18578, s3;
	s0 =	sadd.s32 $0x70, s0  }
0x1b3: {  	[hbm4b:s0+s5] =	stream.linear.scatter [tilespmem:s31], [sflag:s1], $0x80, $0x38;
	[tilespmem:$0x1EC80] =	vst v63  }
0x1b4: {  	p1 =	slt.u32 @!p0 s30, $0x2;
	s0 =	sadd.s32 $0x2, s30  }
0x1b5: {  	p1 =	por p1, p0;
	s1 =	sand.u32 $0x3, s0  }
0x1b6: {  	s2 =	sadd.s32 @!p1 $0x5, s1  }
0x1b7: {  	_ =	swait.ge @!p1 [sflag:s2], $0x400  }
0x1b8: {  	[sflag:s2] =	ssyncset.done @!p1 $0x0  }
0x1b9: {  	[sflag:s2] =	ssyncadd.s32 @!p1 $0xFFFFFC00  }
0x1ba: {  	_ =	swait.ge @!p1 [sflag:s2], $0x400  }
0x1bb: {  	[sflag:s2] =	ssyncset.done @!p1 $0x0  }
0x1bc: {  	[sflag:s2] =	ssyncadd.s32 @!p1 $0xFFFFFC00  }
0x1bd: {  	_ =	swait.ge @!p1 [sflag:s2], $0x400  }
0x1be: {  	[sflag:s2] =	ssyncset.done @!p1 $0x0  }
0x1bf: {  	[sflag:s2] =	ssyncadd.s32 @!p1 $0xFFFFFC00  }
0x1c0: {  	_ =	swait.ge @!p1 [sflag:s2], $0x400  }
0x1c1: {  	[sflag:s2] =	ssyncset.done @!p1 $0x0  }
0x1c2: {  	[sflag:s2] =	ssyncadd.s32 @!p1 $0xFFFFFC00  }
0x1c3: {  	_ =	swait.ge @!p1 [sflag:s2], $0x400  }
0x1c4: {  	[sflag:s2] =	ssyncset.done @!p1 $0x0  }
0x1c5: {  	[sflag:s2] =	ssyncadd.s32 @!p1 $0xFFFFFC00  }
0x1c6: {  	_ =	swait.ge @!p1 [sflag:s2], $0x400  }
0x1c7: {  	[sflag:s2] =	ssyncset.done @!p1 $0x0  }
0x1c8: {  	[sflag:s2] =	ssyncadd.s32 @!p1 $0xFFFFFC00  }
0x1c9: {  	_ =	swait.ge @!p1 [sflag:s2], $0x400  }
0x1ca: {  	[sflag:s2] =	ssyncset.done @!p1 $0x0  }
0x1cb: {  	s30 =	sadd.s32 $0x1, s30;
	[sflag:s2] =	ssyncadd.s32 @!p1 $0xFFFFFC00  }
0x1cc: {  	s0 =	sshll.u32 @!p0 s0, $0x7;
	s3 =	sshll.u32 @!p0 s1, $0xE;
	_ =	swait.ge @!p1 [sflag:s2], $0x400  }
0x1cd: {  	s0 =	sand.u32 @!p0 $0x3FFFFF80, s0;
	s1 =	sadd.s32 @!p0 $0x1, s1;
	[sflag:s2] =	ssyncset.done @!p1 $0x0  }
0x1ce: {  	[sflag:s2] =	ssyncadd.s32 @!p1 $0xFFFFFC00;
	s2 =	sadd.s32 @!p0 $0x6400, s3;
	s3 =	simm.s32 @!p0 $0x80  }
0x1cf: {  	[tilespmem:s2], [sflag:s1] =	stream.indirect.gather @!p0 [hbm4b:s6+s3], $0x80, s0, s3, $0xb8;
	[tilespmem:$0x1EC80] =	vst v63  }
0x1d0: {  	p0 =	sne.s32 s30, $0xC8  }
.Ltmp1:
0x1d1: {  	_ = 	snop;
	(pc) =	sbr.rel @p0 .LBB2_2-.Ltmp1, $2  }
0x1d2: {  	_ =	sdelay $0x2  }
0x1d3: {  	s29 =	sadd.s32 $0x1, s29  }
0x1d4: {  	_ =	swait.ge [sflag:s23], $0x400  }
0x1d5: {  	[sflag:s23] =	ssyncset.done $0x0  }
0x1d6: {  	[sflag:s23] =	ssyncadd.s32 $0xFFFFFC00  }
0x1d7: {  	_ =	swait.ge [sflag:s23], $0x400  }
0x1d8: {  	[sflag:s23] =	ssyncset.done $0x0  }
0x1d9: {  	[sflag:s23] =	ssyncadd.s32 $0xFFFFFC00  }
0x1da: {  	_ =	swait.ge [sflag:s23], $0x400  }
0x1db: {  	[sflag:s23] =	ssyncset.done $0x0  }
0x1dc: {  	[sflag:s23] =	ssyncadd.s32 $0xFFFFFC00  }
0x1dd: {  	_ =	swait.ge [sflag:s23], $0x400  }
0x1de: {  	[sflag:s23] =	ssyncset.done $0x0  }
0x1df: {  	[sflag:s23] =	ssyncadd.s32 $0xFFFFFC00  }
0x1e0: {  	_ =	swait.ge [sflag:s23], $0x400  }
0x1e1: {  	[sflag:s23] =	ssyncset.done $0x0  }
0x1e2: {  	[sflag:s23] =	ssyncadd.s32 $0xFFFFFC00  }
0x1e3: {  	_ =	swait.ge [sflag:s23], $0x400  }
0x1e4: {  	[sflag:s23] =	ssyncset.done $0x0  }
0x1e5: {  	[sflag:s23] =	ssyncadd.s32 $0xFFFFFC00  }
0x1e6: {  	_ =	swait.ge [sflag:s23], $0x400  }
0x1e7: {  	[sflag:s23] =	ssyncset.done $0x0  }
0x1e8: {  	[sflag:s23] =	ssyncadd.s32 $0xFFFFFC00  }
0x1e9: {  	_ =	swait.ge [sflag:s23], $0x400  }
0x1ea: {  	[sflag:s23] =	ssyncset.done $0x0  }
0x1eb: {  	[sflag:s23] =	ssyncadd.s32 $0xFFFFFC00  }
0x1ec: {  	_ =	swait.ge [sflag:s24], $0x400  }
0x1ed: {  	[sflag:s24] =	ssyncset.done $0x0  }
0x1ee: {  	[sflag:s24] =	ssyncadd.s32 $0xFFFFFC00  }
0x1ef: {  	_ =	swait.ge [sflag:s24], $0x400  }
0x1f0: {  	[sflag:s24] =	ssyncset.done $0x0  }
0x1f1: {  	[sflag:s24] =	ssyncadd.s32 $0xFFFFFC00  }
0x1f2: {  	_ =	swait.ge [sflag:s24], $0x400  }
0x1f3: {  	[sflag:s24] =	ssyncset.done $0x0  }
0x1f4: {  	[sflag:s24] =	ssyncadd.s32 $0xFFFFFC00  }
0x1f5: {  	_ =	swait.ge [sflag:s24], $0x400  }
0x1f6: {  	[sflag:s24] =	ssyncset.done $0x0  }
0x1f7: {  	[sflag:s24] =	ssyncadd.s32 $0xFFFFFC00  }
0x1f8: {  	_ =	swait.ge [sflag:s24], $0x400  }
0x1f9: {  	[sflag:s24] =	ssyncset.done $0x0  }
0x1fa: {  	[sflag:s24] =	ssyncadd.s32 $0xFFFFFC00  }
0x1fb: {  	_ =	swait.ge [sflag:s24], $0x400  }
0x1fc: {  	[sflag:s24] =	ssyncset.done $0x0  }
0x1fd: {  	[sflag:s24] =	ssyncadd.s32 $0xFFFFFC00  }
0x1fe: {  	_ =	swait.ge [sflag:s24], $0x400  }
0x1ff: {  	[sflag:s24] =	ssyncset.done $0x0  }
0x200: {  	[sflag:s24] =	ssyncadd.s32 $0xFFFFFC00  }
0x201: {  	_ =	swait.ge [sflag:s24], $0x400  }
0x202: {  	[sflag:s24] =	ssyncset.done $0x0  }
0x203: {  	[sflag:s24] =	ssyncadd.s32 $0xFFFFFC00  }
0x204: {  	_ =	swait.ge [sflag:s25], $0x400  }
0x205: {  	[sflag:s25] =	ssyncset.done $0x0  }
0x206: {  	[sflag:s25] =	ssyncadd.s32 $0xFFFFFC00  }
0x207: {  	_ =	swait.ge [sflag:s25], $0x400  }
0x208: {  	[sflag:s25] =	ssyncset.done $0x0  }
0x209: {  	[sflag:s25] =	ssyncadd.s32 $0xFFFFFC00  }
0x20a: {  	_ =	swait.ge [sflag:s25], $0x400  }
0x20b: {  	[sflag:s25] =	ssyncset.done $0x0  }
0x20c: {  	[sflag:s25] =	ssyncadd.s32 $0xFFFFFC00  }
0x20d: {  	_ =	swait.ge [sflag:s25], $0x400  }
0x20e: {  	[sflag:s25] =	ssyncset.done $0x0  }
0x20f: {  	[sflag:s25] =	ssyncadd.s32 $0xFFFFFC00  }
0x210: {  	_ =	swait.ge [sflag:s25], $0x400  }
0x211: {  	[sflag:s25] =	ssyncset.done $0x0  }
0x212: {  	[sflag:s25] =	ssyncadd.s32 $0xFFFFFC00  }
0x213: {  	_ =	swait.ge [sflag:s25], $0x400  }
0x214: {  	[sflag:s25] =	ssyncset.done $0x0  }
0x215: {  	[sflag:s25] =	ssyncadd.s32 $0xFFFFFC00  }
0x216: {  	_ =	swait.ge [sflag:s25], $0x400  }
0x217: {  	[sflag:s25] =	ssyncset.done $0x0  }
0x218: {  	[sflag:s25] =	ssyncadd.s32 $0xFFFFFC00  }
0x219: {  	_ =	swait.ge [sflag:s25], $0x400  }
0x21a: {  	[sflag:s25] =	ssyncset.done $0x0  }
0x21b: {  	[sflag:s25] =	ssyncadd.s32 $0xFFFFFC00  }
0x21c: {  	_ =	swait.ge [sflag:s26], $0x400  }
0x21d: {  	[sflag:s26] =	ssyncset.done $0x0  }
0x21e: {  	[sflag:s26] =	ssyncadd.s32 $0xFFFFFC00  }
0x21f: {  	_ =	swait.ge [sflag:s26], $0x400  }
0x220: {  	[sflag:s26] =	ssyncset.done $0x0  }
0x221: {  	[sflag:s26] =	ssyncadd.s32 $0xFFFFFC00  }
0x222: {  	_ =	swait.ge [sflag:s26], $0x400  }
0x223: {  	[sflag:s26] =	ssyncset.done $0x0  }
0x224: {  	[sflag:s26] =	ssyncadd.s32 $0xFFFFFC00  }
0x225: {  	_ =	swait.ge [sflag:s26], $0x400  }
0x226: {  	[sflag:s26] =	ssyncset.done $0x0  }
0x227: {  	[sflag:s26] =	ssyncadd.s32 $0xFFFFFC00  }
0x228: {  	_ =	swait.ge [sflag:s26], $0x400  }
0x229: {  	[sflag:s26] =	ssyncset.done $0x0  }
0x22a: {  	[sflag:s26] =	ssyncadd.s32 $0xFFFFFC00  }
0x22b: {  	_ =	swait.ge [sflag:s26], $0x400  }
0x22c: {  	[sflag:s26] =	ssyncset.done $0x0  }
0x22d: {  	s28 =	sadd.s32 $0x1, s28;
	[sflag:s26] =	ssyncadd.s32 $0xFFFFFC00  }
0x22e: {  	p0 =	sne.s32 s28, s16;
	_ =	swait.ge [sflag:s26], $0x400  }
.Ltmp2:
0x22f: {  	[sflag:s26] =	ssyncset.done $0x0;
	(pc) =	sbr.rel @p0 .LBB2_1-.Ltmp2, $4  }
0x230: {  	[sflag:s26] =	ssyncadd.s32 $0xFFFFFC00  }
0x231: {  	_ =	swait.ge [sflag:s26], $0x400  }
0x232: {  	[sflag:s26] =	ssyncset.done $0x0  }
0x233: {  	[sflag:s26] =	ssyncadd.s32 $0xFFFFFC00  }
0x234: {  	_ =	sfence.sel $0x180000  }
0x235: {  	[bflag:$0x0] =	sbarrier.arrive $0xFFFF  }
0x236: {  	_ =	strace $0x90000047  }
0x237: {  	s0 =	stileid.u32;
	[bflag:$0x2] =	sbarrier.arrive $0xFFFF  }
0x238: {  	p0 =	sne.s32 s0, $0x0;
	s0 =	rddreg [dreg:$0x4]  }
0x239: {  	s0 =	sadd.s32 @!p0 $0x100000, s0  }
0x23a: {  	[sflag:s0] =	ssyncadd.tile.s32 @!p0 $0x1;
	_ =	shalt  }
.Lfunc_end2:
_tile_overlayer_lowered:
.L_overlay_start_2:
0x23b: {  	(tag) =	ssettag $0x2  }
0x23c: {  	s0 =	rddreg [dreg:$0x0];
	s2 =	stileid.u32  }
0x23d: {  	s1 =	rddreg [dreg:$0x1];
	p0 =	sne.s32 s2, $0x0  }
0x23e: {  	s3 =	rddreg [dreg:$0x2];
	[bflag:$0x3] =	sbarrier.arrive $0xFFFF;
	s2 =	simm.s32 @!p0 $0x1C09  }
0x23f: {  	[timem:s3], [sflag:s2] =	dma.local @!p0 [hbm:s0], s1  }
0x240: {  	s0 =	simm.s32 @!p0 $0x9  }
0x241: {  	_ =	swait.ge @!p0 [sflag:s0], s1  }
0x242: {  	s1 =	ssub.s32 @!p0 $0x0, s1;
	[sflag:s0] =	ssyncset.done @!p0 $0x0  }
0x243: {  	[sflag:s0] =	ssyncadd.s32 @!p0 s1  }
0x244: {  	[bflag:$0x3] =	sbarrier.arrive $0xFFFF  }
0x245: {  	_ =	shalt  }

</sc_bundles>
